<compile_context>
chip_gen: v7x
topology: tpu7x:2x2x1
jax: 0.10.2.dev20260603
libtpu: 0.0.44.dev20260713+nightly
codegen_flags: <defaults>
</compile_context>

<pallas_src>
import functools

import jax
import jax.numpy as jnp
from jax import lax
from jax.experimental import pallas as pl
from jax.experimental.pallas import tpu as pltpu
from jax.experimental.pallas import tpu_sc as plsc

_N = 10000
_E = 320000
_D = 128

_NC = 2
_NS = 16
_NW = _NC * _NS
_C = 40
_EPW = _E // _NW
_NCH = _EPW // _C
_RPT = _N // _NS
_NBUF = 5

@functools.cache
def _build_sc_seg_sum_deg():
    return functools.partial(
        pl.kernel,
        mesh=plsc.VectorSubcoreMesh(core_axis_name="c", subcore_axis_name="s"),
        compiler_params=pltpu.CompilerParams(use_tc_tiling_on_sc=False),
        out_type=(
            jax.ShapeDtypeStruct((_NW, _RPT, _D), jnp.float32),
            jax.ShapeDtypeStruct((_NC, _N), jnp.float32),
        ),
        scratch_types=[
            pltpu.VMEM((_NCH, _C), jnp.int32),
            pltpu.VMEM((_NCH, _C), jnp.int32),
        ] + [pltpu.VMEM((_C, _D), jnp.float32) for _ in range(_NBUF)] + [
            pltpu.VMEM((_C,), jnp.float32),
            pltpu.VMEM_SHARED((_N, _D), jnp.float32),
            pltpu.VMEM_SHARED((_N,), jnp.float32),
        ] + [pltpu.SemaphoreType.DMA for _ in range(_NBUF + 1)],
    )(_sc_seg_sum_deg_body)


def _sc_seg_sum_deg_body(x_hbm, ei_hbm, zn_hbm,
                         agg_out, deg_out,
                         src_v, dst_v, *rest):
    rows_b = rest[:_NBUF]
    ones_v = rest[_NBUF]
    acc_sh = rest[_NBUF + 1]
    deg_sh = rest[_NBUF + 2]
    sems = rest[_NBUF + 3:2 * _NBUF + 3]
    dsem = rest[2 * _NBUF + 3]
    r0b = rows_b[0]
    c = lax.axis_index("c")
    s = lax.axis_index("s")
    wid = c * _NS + s
    pltpu.sync_copy(ei_hbm.at[0, wid], src_v)
    pltpu.sync_copy(ei_hbm.at[1, wid], dst_v)

    @pl.when(s == 0)
    def _():
        pltpu.sync_copy(zn_hbm, deg_sh)

    for o in range(0, _C - 15, 16):
        ones_v[pl.ds(o, 16)] = jnp.ones((16,), jnp.float32)
    if _C % 16:
        ones_v[pl.ds(_C - 16, 16)] = jnp.ones((16,), jnp.float32)

    def _zrow(i, carry):
        for k in range(_D // 16):
            r0b[i, pl.ds(16 * k, 16)] = jnp.zeros((16,), jnp.float32)
        return carry

    lax.fori_loop(0, _C, _zrow, 0)
    r0 = s * _RPT
    for k in range(_RPT // _C):
        pltpu.sync_copy(r0b, acc_sh.at[pl.ds(r0 + k * _C, _C)])
    if _RPT % _C:
        pltpu.sync_copy(r0b.at[pl.ds(0, _RPT % _C)],
                        acc_sh.at[pl.ds(r0 + (_RPT // _C) * _C, _RPT % _C)])
    plsc.subcore_barrier()

    for b in range(_NBUF):
        pltpu.async_copy(x_hbm.at[src_v.at[b]], rows_b[b], sems[b])

    def _outer(g, carry):
        j0 = g * _NBUF
        for b in range(_NBUF):
            j = j0 + b
            pltpu.make_async_copy(x_hbm.at[src_v.at[j]], rows_b[b],
                                  sems[b]).wait()
            pltpu.sync_copy(rows_b[b], acc_sh.at[dst_v.at[j]], add=True)
            pltpu.async_copy(ones_v, deg_sh.at[dst_v.at[j]], dsem, add=True)
            nj = j + _NBUF

            @pl.when(nj < _NCH)
            def _():
                pltpu.async_copy(x_hbm.at[src_v.at[nj]], rows_b[b], sems[b])
        return carry

    lax.fori_loop(0, _NCH // _NBUF, _outer, 0)

    def _drain(j, carry):
        pltpu.make_async_copy(ones_v, deg_sh.at[dst_v.at[0]], dsem).wait()
        return carry

    lax.fori_loop(0, _NCH, _drain, 0)
    plsc.subcore_barrier()
    pltpu.sync_copy(acc_sh.at[pl.ds(r0, _RPT)], agg_out.at[wid])

    @pl.when(s == 0)
    def _():
        pltpu.sync_copy(deg_sh, deg_out.at[c])


@functools.cache
def _build_sc_seg_sum():
    return functools.partial(
        pl.kernel,
        mesh=plsc.VectorSubcoreMesh(core_axis_name="c", subcore_axis_name="s"),
        compiler_params=pltpu.CompilerParams(use_tc_tiling_on_sc=False),
        out_type=jax.ShapeDtypeStruct((_NW, _RPT, _D), jnp.float32),
        scratch_types=[
            pltpu.VMEM((_NCH, _C), jnp.int32),
            pltpu.VMEM((_NCH, _C), jnp.int32),
        ] + [pltpu.VMEM((_C, _D), jnp.float32) for _ in range(_NBUF)] + [
            pltpu.VMEM_SHARED((_N, _D), jnp.float32),
        ] + [pltpu.SemaphoreType.DMA for _ in range(_NBUF)],
    )(_sc_seg_sum_body)


def _sc_seg_sum_body(x_hbm, ei_hbm,
                     agg_out,
                     src_v, dst_v, *rest):
    rows_b = rest[:_NBUF]
    acc_sh = rest[_NBUF]
    sems = rest[_NBUF + 1:2 * _NBUF + 1]
    r0b = rows_b[0]
    c = lax.axis_index("c")
    s = lax.axis_index("s")
    wid = c * _NS + s
    pltpu.sync_copy(ei_hbm.at[0, wid], src_v)
    pltpu.sync_copy(ei_hbm.at[1, wid], dst_v)

    def _zrow(i, carry):
        for k in range(_D // 16):
            r0b[i, pl.ds(16 * k, 16)] = jnp.zeros((16,), jnp.float32)
        return carry

    lax.fori_loop(0, _C, _zrow, 0)
    r0 = s * _RPT
    for k in range(_RPT // _C):
        pltpu.sync_copy(r0b, acc_sh.at[pl.ds(r0 + k * _C, _C)])
    if _RPT % _C:
        pltpu.sync_copy(r0b.at[pl.ds(0, _RPT % _C)],
                        acc_sh.at[pl.ds(r0 + (_RPT // _C) * _C, _RPT % _C)])
    plsc.subcore_barrier()

    for b in range(_NBUF):
        pltpu.async_copy(x_hbm.at[src_v.at[b]], rows_b[b], sems[b])

    def _outer(g, carry):
        j0 = g * _NBUF
        for b in range(_NBUF):
            j = j0 + b
            pltpu.make_async_copy(x_hbm.at[src_v.at[j]], rows_b[b],
                                  sems[b]).wait()
            pltpu.sync_copy(rows_b[b], acc_sh.at[dst_v.at[j]], add=True)
            nj = j + _NBUF

            @pl.when(nj < _NCH)
            def _():
                pltpu.async_copy(x_hbm.at[src_v.at[nj]], rows_b[b], sems[b])
        return carry

    lax.fori_loop(0, _NCH // _NBUF, _outer, 0)
    plsc.subcore_barrier()
    pltpu.sync_copy(acc_sh.at[pl.ds(r0, _RPT)], agg_out.at[wid])



_B = 2000
_G = _N // _B


def _lin1_body(agg_ref, deg_ref, x_ref, wl_ref, wr_ref, b_ref,
               lin_ref, inv_ref, stats_ref):
    agg = agg_ref[0] + agg_ref[1]
    deg = deg_ref[0] + deg_ref[1]
    inv = 1.0 / jnp.maximum(deg, 1.0)
    mean = agg * inv
    lin = (lax.dot_general(mean, wl_ref[...], (((1,), (1,)), ((), ())),
                           preferred_element_type=jnp.float32)
           + lax.dot_general(x_ref[...], wr_ref[...], (((1,), (1,)), ((), ())),
                             preferred_element_type=jnp.float32)
           + b_ref[...])
    lin_ref[...] = lin
    inv_ref[...] = inv
    s0 = jnp.sum(lin, axis=0, keepdims=True)
    s1 = jnp.sum(lin * lin, axis=0, keepdims=True)
    part = jnp.concatenate([s0, s1, jnp.zeros((6, _D), jnp.float32)], axis=0)

    @pl.when(pl.program_id(0) == 0)
    def _():
        stats_ref[...] = part

    @pl.when(pl.program_id(0) != 0)
    def _():
        stats_ref[...] = stats_ref[...] + part


_lin1 = pl.pallas_call(
    _lin1_body,
    grid=(_G,),
    in_specs=[
        pl.BlockSpec((2, _B, _D), lambda i: (0, i, 0)),
        pl.BlockSpec((2, _B, 1), lambda i: (0, i, 0)),
        pl.BlockSpec((_B, _D), lambda i: (i, 0)),
        pl.BlockSpec((_D, _D), lambda i: (0, 0)),
        pl.BlockSpec((_D, _D), lambda i: (0, 0)),
        pl.BlockSpec((1, _D), lambda i: (0, 0)),
    ],
    out_specs=[
        pl.BlockSpec((_B, _D), lambda i: (i, 0)),
        pl.BlockSpec((_B, 1), lambda i: (i, 0)),
        pl.BlockSpec((8, _D), lambda i: (0, 0)),
    ],
    out_shape=[
        jax.ShapeDtypeStruct((_N, _D), jnp.float32),
        jax.ShapeDtypeStruct((_N, 1), jnp.float32),
        jax.ShapeDtypeStruct((8, _D), jnp.float32),
    ],
)


def _bn_body(lin_ref, stats_ref, g_ref, bta_ref, h_ref):
    st = stats_ref[...]
    mu = st[0:1, :] * (1.0 / _N)
    var = st[1:2, :] * (1.0 / _N) - mu * mu
    rstd = lax.rsqrt(var + 1e-5)
    h_ref[...] = jnp.maximum(
        (lin_ref[...] - mu) * (rstd * g_ref[...]) + bta_ref[...], 0.0)


_bn_relu = pl.pallas_call(
    _bn_body,
    grid=(_G,),
    in_specs=[
        pl.BlockSpec((_B, _D), lambda i: (i, 0)),
        pl.BlockSpec((8, _D), lambda i: (0, 0)),
        pl.BlockSpec((1, _D), lambda i: (0, 0)),
        pl.BlockSpec((1, _D), lambda i: (0, 0)),
    ],
    out_specs=pl.BlockSpec((_B, _D), lambda i: (i, 0)),
    out_shape=jax.ShapeDtypeStruct((_N, _D), jnp.float32),
)


def _fin_body(agg_ref, inv_ref, h_ref, wl_ref, wr_ref, b_ref, out_ref):
    mean = (agg_ref[0] + agg_ref[1]) * inv_ref[...]
    out_ref[...] = (lax.dot_general(mean, wl_ref[...], (((1,), (1,)), ((), ())),
                                    preferred_element_type=jnp.float32)
                    + lax.dot_general(h_ref[...], wr_ref[...],
                                      (((1,), (1,)), ((), ())),
                                      preferred_element_type=jnp.float32)
                    + b_ref[...])


_final = pl.pallas_call(
    _fin_body,
    grid=(_G,),
    in_specs=[
        pl.BlockSpec((2, _B, _D), lambda i: (0, i, 0)),
        pl.BlockSpec((_B, 1), lambda i: (i, 0)),
        pl.BlockSpec((_B, _D), lambda i: (i, 0)),
        pl.BlockSpec((_D, _D), lambda i: (0, 0)),
        pl.BlockSpec((_D, _D), lambda i: (0, 0)),
        pl.BlockSpec((1, _D), lambda i: (0, 0)),
    ],
    out_specs=pl.BlockSpec((_B, _D), lambda i: (i, 0)),
    out_shape=jax.ShapeDtypeStruct((_N, _D), jnp.float32),
)


def kernel(x, edge_index, W1_l, b1, W1_r, W2_l, b2, W2_r, bn_gamma, bn_beta):
    ei = edge_index.reshape(2, _NW, _NCH, _C)
    zn = jnp.zeros((_N,), jnp.float32)

    agg1_parts, deg_pair = _build_sc_seg_sum_deg()(x, ei, zn)
    agg1_pair = agg1_parts.reshape(_NC, _N, _D)
    lin, inv, stats = _lin1(agg1_pair, deg_pair.reshape(_NC, _N, 1), x,
                            W1_l, W1_r, b1.reshape(1, _D))
    h = _bn_relu(lin, stats, bn_gamma.reshape(1, _D), bn_beta.reshape(1, _D))
    agg2_pair = _build_sc_seg_sum()(h, ei).reshape(_NC, _N, _D)
    out = _final(agg2_pair, inv, h, W2_l, W2_r, b2.reshape(1, _D))
    return out

# --- scband reference (transcript-rebuilt; emitter-appended) ---
"""Pipeline reference for scband-temporal-gnn-31207232373123 (READ-ONLY COPY).

The authoritative reference and input builder live on the scoring server;
editing this copy changes nothing except your own understanding.
"""

import jax, jax.numpy as jnp
import numpy as np

N = 10000
E = 320000
D = 128


def _sage_conv(x, edge_index, W_l, b_l, W_r):
    # PyG SAGEConv (aggr='mean', root_weight=True):
    #   out = lin_l(mean_{j in N(i)} x_j) + lin_r(x_i)
    src = edge_index[0]
    dst = edge_index[1]
    msgs = x[src]
    agg = jax.ops.segment_sum(msgs, dst, num_segments=N)
    cnt = jax.ops.segment_sum(jnp.ones((edge_index.shape[1],), x.dtype), dst, num_segments=N)
    mean = agg / jnp.clip(cnt, 1.0)[:, None]
    return mean @ W_l.T + b_l + x @ W_r.T


def _batch_norm(x, gamma, beta, eps=1e-5):
    mu = jnp.mean(x, axis=0)
    var = jnp.var(x, axis=0)
    return (x - mu) / jnp.sqrt(var + eps) * gamma + beta


def setup_inputs(seed: int = 0) -> dict:
    key = jax.random.key(seed)
    ks = jax.random.split(key, 10)
    x = jax.random.normal(ks[0], (N, D), dtype=jnp.float32)
    edge_index = jax.random.randint(ks[1], (2, E), 0, N, dtype=jnp.int32)
    s = 1.0 / np.sqrt(D)
    W1_l = jax.random.normal(ks[2], (D, D), dtype=jnp.float32) * s
    b1 = jnp.zeros((D,), dtype=jnp.float32)
    W1_r = jax.random.normal(ks[3], (D, D), dtype=jnp.float32) * s
    W2_l = jax.random.normal(ks[4], (D, D), dtype=jnp.float32) * s
    b2 = jnp.zeros((D,), dtype=jnp.float32)
    W2_r = jax.random.normal(ks[5], (D, D), dtype=jnp.float32) * s
    bn_gamma = jnp.ones((D,), dtype=jnp.float32)
    bn_beta = jnp.zeros((D,), dtype=jnp.float32)
    return {"x": x, "edge_index": edge_index, "W1_l": W1_l, "b1": b1, "W1_r": W1_r,
            "W2_l": W2_l, "b2": b2, "W2_r": W2_r, "bn_gamma": bn_gamma, "bn_beta": bn_beta}


def reference(x, edge_index, W1_l, b1, W1_r, W2_l, b2, W2_r, bn_gamma, bn_beta):
    h = _sage_conv(x, edge_index, W1_l, b1, W1_r)
    h = _batch_norm(h, bn_gamma, bn_beta)
    h = jax.nn.relu(h)
    out = _sage_conv(h, edge_index, W2_l, b2, W2_r)
    return out

if __name__ == "__main__":
    import jax
    _d = setup_inputs()
    print(jax.jit(kernel)(*tuple(_d.values())))

</pallas_src>

<mosaic_0001>
#map = affine_map<(d0, d1) -> (0, 0)>
#map1 = affine_map<(d0, d1) -> (0, 0, 0, 0)>
#map2 = affine_map<(d0, d1) -> (0)>
#map3 = affine_map<(d0, d1) -> (0, 0, 0)>
module attributes {stable_mosaic.version = 14 : i64} {
  func.func @_sc_seg_sum_deg_body(%arg0: i32, %arg1: i32, %arg2: memref<10000x128xf32, #tpu.memory_space<hbm>>, %arg3: memref<2x32x250x40xi32, #tpu.memory_space<hbm>>, %arg4: memref<10000xf32, #tpu.memory_space<hbm>>, %arg5: memref<32x625x128xf32, #tpu.memory_space<hbm>>, %arg6: memref<2x10000xf32, #tpu.memory_space<hbm>>, %arg7: memref<250x40xi32, #tpu.memory_space<vmem>>, %arg8: memref<250x40xi32, #tpu.memory_space<vmem>>, %arg9: memref<40x128xf32, #tpu.memory_space<vmem>>, %arg10: memref<40x128xf32, #tpu.memory_space<vmem>>, %arg11: memref<40x128xf32, #tpu.memory_space<vmem>>, %arg12: memref<40x128xf32, #tpu.memory_space<vmem>>, %arg13: memref<40x128xf32, #tpu.memory_space<vmem>>, %arg14: memref<40xf32, #tpu.memory_space<vmem>>, %arg15: memref<10000x128xf32, #tpu.memory_space<vmem_shared>>, %arg16: memref<10000xf32, #tpu.memory_space<vmem_shared>>, %arg17: memref<!tpu.dma_semaphore, #tpu.memory_space<semaphore_mem>>, %arg18: memref<!tpu.dma_semaphore, #tpu.memory_space<semaphore_mem>>, %arg19: memref<!tpu.dma_semaphore, #tpu.memory_space<semaphore_mem>>, %arg20: memref<!tpu.dma_semaphore, #tpu.memory_space<semaphore_mem>>, %arg21: memref<!tpu.dma_semaphore, #tpu.memory_space<semaphore_mem>>, %arg22: memref<!tpu.dma_semaphore, #tpu.memory_space<semaphore_mem>>) attributes {dimension_semantics = [#tpu.dimension_semantics<core_parallel>, #tpu.dimension_semantics<subcore_parallel>], iteration_bounds = array<i64: 2, 16>, scalar_prefetch = 0 : i64, scratch_operands = 16 : i64, tpu.core_type = #tpu.core_type<sc_vector_subcore>, window_params = [{transform_indices = #map}, {transform_indices = #map1}, {transform_indices = #map2}, {transform_indices = #map3}, {transform_indices = #map}]} {
    %mul3A = arith.constant 16 : i32
    %mul3A_0 = arith.muli %arg0, %mul3A : i32
    %add3A = arith.addi %mul3A_0, %arg1 : i32
    %run_scoped3A = arith.constant 0 : i32
    "tpu.region"() ({
      %run_scoped3A_111 = tpu.sem_alloc : memref<!tpu.dma_semaphore, #tpu.memory_space<semaphore_mem>>
      %dma_start3A_112 = arith.constant 0 : i32
      %dma_start3A_113 = arith.constant 0 : i32
      %dma_start3A_114 = tpu.memref_slice %arg3[%run_scoped3A, %add3A, %dma_start3A_112, %dma_start3A_113] : memref<2x32x250x40xi32, #tpu.memory_space<hbm>> -> memref<1x1x250x40xi32, #tpu.memory_space<hbm>>
      %dma_start3A_115 = tpu.memref_squeeze %dma_start3A_114 : memref<1x1x250x40xi32, #tpu.memory_space<hbm>> -> memref<250x40xi32, #tpu.memory_space<hbm>>
      %dma_start3A_116 = arith.constant 0 : i32
      %dma_start3A_117 = arith.constant 0 : i32
      %dma_start3A_118 = tpu.memref_slice %arg3[%run_scoped3A, %add3A, %dma_start3A_116, %dma_start3A_117] : memref<2x32x250x40xi32, #tpu.memory_space<hbm>> -> memref<1x1x250x40xi32, #tpu.memory_space<hbm>>
      %dma_start3A_119 = tpu.memref_squeeze %dma_start3A_118 : memref<1x1x250x40xi32, #tpu.memory_space<hbm>> -> memref<250x40xi32, #tpu.memory_space<hbm>>
      tpu.enqueue_dma source(%dma_start3A_119 : memref<250x40xi32, #tpu.memory_space<hbm>>) target(%arg7 : memref<250x40xi32, #tpu.memory_space<vmem>>) target_semaphore(%run_scoped3A_111 : memref<!tpu.dma_semaphore, #tpu.memory_space<semaphore_mem>>)
      %dma_wait3A = arith.constant 0 : i32
      %dma_wait3A_120 = arith.constant 0 : i32
      %dma_wait3A_121 = tpu.memref_slice %arg3[%run_scoped3A, %add3A, %dma_wait3A, %dma_wait3A_120] : memref<2x32x250x40xi32, #tpu.memory_space<hbm>> -> memref<1x1x250x40xi32, #tpu.memory_space<hbm>>
      %dma_wait3A_122 = tpu.memref_squeeze %dma_wait3A_121 : memref<1x1x250x40xi32, #tpu.memory_space<hbm>> -> memref<250x40xi32, #tpu.memory_space<hbm>>
      %dma_wait3A_123 = arith.constant 0 : i32
      %dma_wait3A_124 = arith.constant 0 : i32
      %dma_wait3A_125 = tpu.memref_slice %arg3[%run_scoped3A, %add3A, %dma_wait3A_123, %dma_wait3A_124] : memref<2x32x250x40xi32, #tpu.memory_space<hbm>> -> memref<1x1x250x40xi32, #tpu.memory_space<hbm>>
      %dma_wait3A_126 = tpu.memref_squeeze %dma_wait3A_125 : memref<1x1x250x40xi32, #tpu.memory_space<hbm>> -> memref<250x40xi32, #tpu.memory_space<hbm>>
      tpu.wait_dma2 semaphore(%run_scoped3A_111 : memref<!tpu.dma_semaphore, #tpu.memory_space<semaphore_mem>>) src(%dma_wait3A_126 : memref<250x40xi32, #tpu.memory_space<hbm>>) dst(%arg7 : memref<250x40xi32, #tpu.memory_space<vmem>>)
      tpu.yield
    }) : () -> ()
    %run_scoped3A_1 = arith.constant 1 : i32
    "tpu.region"() ({
      %run_scoped3A_111 = tpu.sem_alloc : memref<!tpu.dma_semaphore, #tpu.memory_space<semaphore_mem>>
      %dma_start3A_112 = arith.constant 0 : i32
      %dma_start3A_113 = arith.constant 0 : i32
      %dma_start3A_114 = tpu.memref_slice %arg3[%run_scoped3A_1, %add3A, %dma_start3A_112, %dma_start3A_113] : memref<2x32x250x40xi32, #tpu.memory_space<hbm>> -> memref<1x1x250x40xi32, #tpu.memory_space<hbm>>
      %dma_start3A_115 = tpu.memref_squeeze %dma_start3A_114 : memref<1x1x250x40xi32, #tpu.memory_space<hbm>> -> memref<250x40xi32, #tpu.memory_space<hbm>>
      %dma_start3A_116 = arith.constant 0 : i32
      %dma_start3A_117 = arith.constant 0 : i32
      %dma_start3A_118 = tpu.memref_slice %arg3[%run_scoped3A_1, %add3A, %dma_start3A_116, %dma_start3A_117] : memref<2x32x250x40xi32, #tpu.memory_space<hbm>> -> memref<1x1x250x40xi32, #tpu.memory_space<hbm>>
      %dma_start3A_119 = tpu.memref_squeeze %dma_start3A_118 : memref<1x1x250x40xi32, #tpu.memory_space<hbm>> -> memref<250x40xi32, #tpu.memory_space<hbm>>
      tpu.enqueue_dma source(%dma_start3A_119 : memref<250x40xi32, #tpu.memory_space<hbm>>) target(%arg8 : memref<250x40xi32, #tpu.memory_space<vmem>>) target_semaphore(%run_scoped3A_111 : memref<!tpu.dma_semaphore, #tpu.memory_space<semaphore_mem>>)
      %dma_wait3A = arith.constant 0 : i32
      %dma_wait3A_120 = arith.constant 0 : i32
      %dma_wait3A_121 = tpu.memref_slice %arg3[%run_scoped3A_1, %add3A, %dma_wait3A, %dma_wait3A_120] : memref<2x32x250x40xi32, #tpu.memory_space<hbm>> -> memref<1x1x250x40xi32, #tpu.memory_space<hbm>>
      %dma_wait3A_122 = tpu.memref_squeeze %dma_wait3A_121 : memref<1x1x250x40xi32, #tpu.memory_space<hbm>> -> memref<250x40xi32, #tpu.memory_space<hbm>>
      %dma_wait3A_123 = arith.constant 0 : i32
      %dma_wait3A_124 = arith.constant 0 : i32
      %dma_wait3A_125 = tpu.memref_slice %arg3[%run_scoped3A_1, %add3A, %dma_wait3A_123, %dma_wait3A_124] : memref<2x32x250x40xi32, #tpu.memory_space<hbm>> -> memref<1x1x250x40xi32, #tpu.memory_space<hbm>>
      %dma_wait3A_126 = tpu.memref_squeeze %dma_wait3A_125 : memref<1x1x250x40xi32, #tpu.memory_space<hbm>> -> memref<250x40xi32, #tpu.memory_space<hbm>>
      tpu.wait_dma2 semaphore(%run_scoped3A_111 : memref<!tpu.dma_semaphore, #tpu.memory_space<semaphore_mem>>) src(%dma_wait3A_126 : memref<250x40xi32, #tpu.memory_space<hbm>>) dst(%arg8 : memref<250x40xi32, #tpu.memory_space<vmem>>)
      tpu.yield
    }) : () -> ()
    %eq3A = arith.constant 0 : i32
    %eq3A_2 = arith.cmpi eq, %arg1, %eq3A : i32
    %convert_element_type3A = arith.extui %eq3A_2 : i1 to i32
    %cond3A = arith.constant 0 : i32
    %cond3A_3 = arith.cmpi ne, %convert_element_type3A, %cond3A : i32
    scf.if %cond3A_3 {
      "tpu.region"() ({
        %run_scoped3A_111 = tpu.sem_alloc : memref<!tpu.dma_semaphore, #tpu.memory_space<semaphore_mem>>
        tpu.enqueue_dma source(%arg4 : memref<10000xf32, #tpu.memory_space<hbm>>) target(%arg16 : memref<10000xf32, #tpu.memory_space<vmem_shared>>) target_semaphore(%run_scoped3A_111 : memref<!tpu.dma_semaphore, #tpu.memory_space<semaphore_mem>>)
        tpu.wait_dma2 semaphore(%run_scoped3A_111 : memref<!tpu.dma_semaphore, #tpu.memory_space<semaphore_mem>>) src(%arg4 : memref<10000xf32, #tpu.memory_space<hbm>>) dst(%arg16 : memref<10000xf32, #tpu.memory_space<vmem_shared>>)
        tpu.yield
      }) : () -> ()
    } else {
    }
    %broadcast_in_dim3A = arith.constant 1.000000e+00 : f32
    %broadcast_in_dim3A_4 = vector.broadcast %broadcast_in_dim3A : f32 to vector<16xf32>
    %swap3A = arith.constant 0 : index
    %swap3A_5 = tpu.vector_load %arg14[%swap3A] {strides = array<i32>} : memref<40xf32, #tpu.memory_space<vmem>>, vector<16xf32>,
    %swap3A_6 = vector.shape_cast %swap3A_5 : vector<16xf32> to vector<16xf32>
    %swap3A_7 = vector.shape_cast %broadcast_in_dim3A_4 : vector<16xf32> to vector<16xf32>
    tpu.vector_store %arg14[%swap3A], %swap3A_7 {strides = array<i32>} : memref<40xf32, #tpu.memory_space<vmem>>, vector<16xf32>,
    %broadcast_in_dim3A_8 = arith.constant 1.000000e+00 : f32
    %broadcast_in_dim3A_9 = vector.broadcast %broadcast_in_dim3A_8 : f32 to vector<16xf32>
    %swap3A_10 = arith.constant 16 : index
    %swap3A_11 = tpu.vector_load %arg14[%swap3A_10] {strides = array<i32>} : memref<40xf32, #tpu.memory_space<vmem>>, vector<16xf32>,
    %swap3A_12 = vector.shape_cast %swap3A_11 : vector<16xf32> to vector<16xf32>
    %swap3A_13 = vector.shape_cast %broadcast_in_dim3A_9 : vector<16xf32> to vector<16xf32>
    tpu.vector_store %arg14[%swap3A_10], %swap3A_13 {strides = array<i32>} : memref<40xf32, #tpu.memory_space<vmem>>, vector<16xf32>,
    %broadcast_in_dim3A_14 = arith.constant 1.000000e+00 : f32
    %broadcast_in_dim3A_15 = vector.broadcast %broadcast_in_dim3A_14 : f32 to vector<16xf32>
    %swap3A_16 = arith.constant 24 : index
    %swap3A_17 = tpu.vector_load %arg14[%swap3A_16] {strides = array<i32>} : memref<40xf32, #tpu.memory_space<vmem>>, vector<16xf32>,
    %swap3A_18 = vector.shape_cast %swap3A_17 : vector<16xf32> to vector<16xf32>
    %swap3A_19 = vector.shape_cast %broadcast_in_dim3A_15 : vector<16xf32> to vector<16xf32>
    tpu.vector_store %arg14[%swap3A_16], %swap3A_19 {strides = array<i32>} : memref<40xf32, #tpu.memory_space<vmem>>, vector<16xf32>,
    %scan3A = arith.constant 0 : i32
    %scan3A_20 = arith.constant 0 : i32
    %scan3A_21 = arith.constant 40 : i32
    %scan3A_22 = arith.addi %scan3A_20, %scan3A_21 : i32
    %scan3A_23 = arith.constant 1 : i32
    scf.for %scan3A_111 = %scan3A_20 to %scan3A_22 step %scan3A_23  : i32 {
      %broadcast_in_dim3A_112 = arith.constant 0.000000e+00 : f32
      %broadcast_in_dim3A_113 = vector.broadcast %broadcast_in_dim3A_112 : f32 to vector<16xf32>
      %swap3A_114 = arith.index_cast %scan3A_111 : i32 to index
      %swap3A_115 = arith.constant 0 : index
      %swap3A_116 = tpu.vector_load %arg9[%swap3A_114, %swap3A_115] {strides = array<i32>} : memref<40x128xf32, #tpu.memory_space<vmem>>, vector<1x16xf32>,
      %swap3A_117 = vector.shape_cast %swap3A_116 : vector<1x16xf32> to vector<16xf32>
      %swap3A_118 = vector.shape_cast %broadcast_in_dim3A_113 : vector<16xf32> to vector<1x16xf32>
      tpu.vector_store %arg9[%swap3A_114, %swap3A_115], %swap3A_118 {strides = array<i32>} : memref<40x128xf32, #tpu.memory_space<vmem>>, vector<1x16xf32>,
      %broadcast_in_dim3A_119 = arith.constant 0.000000e+00 : f32
      %broadcast_in_dim3A_120 = vector.broadcast %broadcast_in_dim3A_119 : f32 to vector<16xf32>
      %swap3A_121 = arith.index_cast %scan3A_111 : i32 to index
      %swap3A_122 = arith.constant 16 : index
      %swap3A_123 = tpu.vector_load %arg9[%swap3A_121, %swap3A_122] {strides = array<i32>} : memref<40x128xf32, #tpu.memory_space<vmem>>, vector<1x16xf32>,
      %swap3A_124 = vector.shape_cast %swap3A_123 : vector<1x16xf32> to vector<16xf32>
      %swap3A_125 = vector.shape_cast %broadcast_in_dim3A_120 : vector<16xf32> to vector<1x16xf32>
      tpu.vector_store %arg9[%swap3A_121, %swap3A_122], %swap3A_125 {strides = array<i32>} : memref<40x128xf32, #tpu.memory_space<vmem>>, vector<1x16xf32>,
      %broadcast_in_dim3A_126 = arith.constant 0.000000e+00 : f32
      %broadcast_in_dim3A_127 = vector.broadcast %broadcast_in_dim3A_126 : f32 to vector<16xf32>
      %swap3A_128 = arith.index_cast %scan3A_111 : i32 to index
      %swap3A_129 = arith.constant 32 : index
      %swap3A_130 = tpu.vector_load %arg9[%swap3A_128, %swap3A_129] {strides = array<i32>} : memref<40x128xf32, #tpu.memory_space<vmem>>, vector<1x16xf32>,
      %swap3A_131 = vector.shape_cast %swap3A_130 : vector<1x16xf32> to vector<16xf32>
      %swap3A_132 = vector.shape_cast %broadcast_in_dim3A_127 : vector<16xf32> to vector<1x16xf32>
      tpu.vector_store %arg9[%swap3A_128, %swap3A_129], %swap3A_132 {strides = array<i32>} : memref<40x128xf32, #tpu.memory_space<vmem>>, vector<1x16xf32>,
      %broadcast_in_dim3A_133 = arith.constant 0.000000e+00 : f32
      %broadcast_in_dim3A_134 = vector.broadcast %broadcast_in_dim3A_133 : f32 to vector<16xf32>
      %swap3A_135 = arith.index_cast %scan3A_111 : i32 to index
      %swap3A_136 = arith.constant 48 : index
      %swap3A_137 = tpu.vector_load %arg9[%swap3A_135, %swap3A_136] {strides = array<i32>} : memref<40x128xf32, #tpu.memory_space<vmem>>, vector<1x16xf32>,
      %swap3A_138 = vector.shape_cast %swap3A_137 : vector<1x16xf32> to vector<16xf32>
      %swap3A_139 = vector.shape_cast %broadcast_in_dim3A_134 : vector<16xf32> to vector<1x16xf32>
      tpu.vector_store %arg9[%swap3A_135, %swap3A_136], %swap3A_139 {strides = array<i32>} : memref<40x128xf32, #tpu.memory_space<vmem>>, vector<1x16xf32>,
      %broadcast_in_dim3A_140 = arith.constant 0.000000e+00 : f32
      %broadcast_in_dim3A_141 = vector.broadcast %broadcast_in_dim3A_140 : f32 to vector<16xf32>
      %swap3A_142 = arith.index_cast %scan3A_111 : i32 to index
      %swap3A_143 = arith.constant 64 : index
      %swap3A_144 = tpu.vector_load %arg9[%swap3A_142, %swap3A_143] {strides = array<i32>} : memref<40x128xf32, #tpu.memory_space<vmem>>, vector<1x16xf32>,
      %swap3A_145 = vector.shape_cast %swap3A_144 : vector<1x16xf32> to vector<16xf32>
      %swap3A_146 = vector.shape_cast %broadcast_in_dim3A_141 : vector<16xf32> to vector<1x16xf32>
      tpu.vector_store %arg9[%swap3A_142, %swap3A_143], %swap3A_146 {strides = array<i32>} : memref<40x128xf32, #tpu.memory_space<vmem>>, vector<1x16xf32>,
      %broadcast_in_dim3A_147 = arith.constant 0.000000e+00 : f32
      %broadcast_in_dim3A_148 = vector.broadcast %broadcast_in_dim3A_147 : f32 to vector<16xf32>
      %swap3A_149 = arith.index_cast %scan3A_111 : i32 to index
      %swap3A_150 = arith.constant 80 : index
      %swap3A_151 = tpu.vector_load %arg9[%swap3A_149, %swap3A_150] {strides = array<i32>} : memref<40x128xf32, #tpu.memory_space<vmem>>, vector<1x16xf32>,
      %swap3A_152 = vector.shape_cast %swap3A_151 : vector<1x16xf32> to vector<16xf32>
      %swap3A_153 = vector.shape_cast %broadcast_in_dim3A_148 : vector<16xf32> to vector<1x16xf32>
      tpu.vector_store %arg9[%swap3A_149, %swap3A_150], %swap3A_153 {strides = array<i32>} : memref<40x128xf32, #tpu.memory_space<vmem>>, vector<1x16xf32>,
      %broadcast_in_dim3A_154 = arith.constant 0.000000e+00 : f32
      %broadcast_in_dim3A_155 = vector.broadcast %broadcast_in_dim3A_154 : f32 to vector<16xf32>
      %swap3A_156 = arith.index_cast %scan3A_111 : i32 to index
      %swap3A_157 = arith.constant 96 : index
      %swap3A_158 = tpu.vector_load %arg9[%swap3A_156, %swap3A_157] {strides = array<i32>} : memref<40x128xf32, #tpu.memory_space<vmem>>, vector<1x16xf32>,
      %swap3A_159 = vector.shape_cast %swap3A_158 : vector<1x16xf32> to vector<16xf32>
      %swap3A_160 = vector.shape_cast %broadcast_in_dim3A_155 : vector<16xf32> to vector<1x16xf32>
      tpu.vector_store %arg9[%swap3A_156, %swap3A_157], %swap3A_160 {strides = array<i32>} : memref<40x128xf32, #tpu.memory_space<vmem>>, vector<1x16xf32>,
      %broadcast_in_dim3A_161 = arith.constant 0.000000e+00 : f32
      %broadcast_in_dim3A_162 = vector.broadcast %broadcast_in_dim3A_161 : f32 to vector<16xf32>
      %swap3A_163 = arith.index_cast %scan3A_111 : i32 to index
      %swap3A_164 = arith.constant 112 : index
      %swap3A_165 = tpu.vector_load %arg9[%swap3A_163, %swap3A_164] {strides = array<i32>} : memref<40x128xf32, #tpu.memory_space<vmem>>, vector<1x16xf32>,
      %swap3A_166 = vector.shape_cast %swap3A_165 : vector<1x16xf32> to vector<16xf32>
      %swap3A_167 = vector.shape_cast %broadcast_in_dim3A_162 : vector<16xf32> to vector<1x16xf32>
      tpu.vector_store %arg9[%swap3A_163, %swap3A_164], %swap3A_167 {strides = array<i32>} : memref<40x128xf32, #tpu.memory_space<vmem>>, vector<1x16xf32>,
    }
    %scan3A_24 = arith.constant 40 : i32
    %mul3A_25 = arith.constant 625 : i32
    %mul3A_26 = arith.muli %arg1, %mul3A_25 : i32
    %add3A_27 = arith.constant 0 : i32
    %add3A_28 = arith.addi %mul3A_26, %add3A_27 : i32
    "tpu.region"() ({
      %run_scoped3A_111 = tpu.sem_alloc : memref<!tpu.dma_semaphore, #tpu.memory_space<semaphore_mem>>
      %dma_start3A_112 = arith.constant 0 : i32
      %dma_start3A_113 = tpu.memref_slice %arg15[%add3A_28, %dma_start3A_112] : memref<10000x128xf32, #tpu.memory_space<vmem_shared>> -> memref<40x128xf32, #tpu.memory_space<vmem_shared>>
      %dma_start3A_114 = arith.constant 0 : i32
      %dma_start3A_115 = tpu.memref_slice %arg15[%add3A_28, %dma_start3A_114] : memref<10000x128xf32, #tpu.memory_space<vmem_shared>> -> memref<40x128xf32, #tpu.memory_space<vmem_shared>>
      tpu.enqueue_dma source(%arg9 : memref<40x128xf32, #tpu.memory_space<vmem>>) target(%dma_start3A_115 : memref<40x128xf32, #tpu.memory_space<vmem_shared>>) target_semaphore(%run_scoped3A_111 : memref<!tpu.dma_semaphore, #tpu.memory_space<semaphore_mem>>)
      %dma_wait3A = arith.constant 0 : i32
      %dma_wait3A_116 = tpu.memref_slice %arg15[%add3A_28, %dma_wait3A] : memref<10000x128xf32, #tpu.memory_space<vmem_shared>> -> memref<40x128xf32, #tpu.memory_space<vmem_shared>>
      %dma_wait3A_117 = arith.constant 0 : i32
      %dma_wait3A_118 = tpu.memref_slice %arg15[%add3A_28, %dma_wait3A_117] : memref<10000x128xf32, #tpu.memory_space<vmem_shared>> -> memref<40x128xf32, #tpu.memory_space<vmem_shared>>
      tpu.wait_dma2 semaphore(%run_scoped3A_111 : memref<!tpu.dma_semaphore, #tpu.memory_space<semaphore_mem>>) src(%arg9 : memref<40x128xf32, #tpu.memory_space<vmem>>) dst(%dma_wait3A_118 : memref<40x128xf32, #tpu.memory_space<vmem_shared>>)
      tpu.yield
    }) : () -> ()
    %add3A_29 = arith.constant 40 : i32
    %add3A_30 = arith.addi %mul3A_26, %add3A_29 : i32
    "tpu.region"() ({
      %run_scoped3A_111 = tpu.sem_alloc : memref<!tpu.dma_semaphore, #tpu.memory_space<semaphore_mem>>
      %dma_start3A_112 = arith.constant 0 : i32
      %dma_start3A_113 = tpu.memref_slice %arg15[%add3A_30, %dma_start3A_112] : memref<10000x128xf32, #tpu.memory_space<vmem_shared>> -> memref<40x128xf32, #tpu.memory_space<vmem_shared>>
      %dma_start3A_114 = arith.constant 0 : i32
      %dma_start3A_115 = tpu.memref_slice %arg15[%add3A_30, %dma_start3A_114] : memref<10000x128xf32, #tpu.memory_space<vmem_shared>> -> memref<40x128xf32, #tpu.memory_space<vmem_shared>>
      tpu.enqueue_dma source(%arg9 : memref<40x128xf32, #tpu.memory_space<vmem>>) target(%dma_start3A_115 : memref<40x128xf32, #tpu.memory_space<vmem_shared>>) target_semaphore(%run_scoped3A_111 : memref<!tpu.dma_semaphore, #tpu.memory_space<semaphore_mem>>)
      %dma_wait3A = arith.constant 0 : i32
      %dma_wait3A_116 = tpu.memref_slice %arg15[%add3A_30, %dma_wait3A] : memref<10000x128xf32, #tpu.memory_space<vmem_shared>> -> memref<40x128xf32, #tpu.memory_space<vmem_shared>>
      %dma_wait3A_117 = arith.constant 0 : i32
      %dma_wait3A_118 = tpu.memref_slice %arg15[%add3A_30, %dma_wait3A_117] : memref<10000x128xf32, #tpu.memory_space<vmem_shared>> -> memref<40x128xf32, #tpu.memory_space<vmem_shared>>
      tpu.wait_dma2 semaphore(%run_scoped3A_111 : memref<!tpu.dma_semaphore, #tpu.memory_space<semaphore_mem>>) src(%arg9 : memref<40x128xf32, #tpu.memory_space<vmem>>) dst(%dma_wait3A_118 : memref<40x128xf32, #tpu.memory_space<vmem_shared>>)
      tpu.yield
    }) : () -> ()
    %add3A_31 = arith.constant 80 : i32
    %add3A_32 = arith.addi %mul3A_26, %add3A_31 : i32
    "tpu.region"() ({
      %run_scoped3A_111 = tpu.sem_alloc : memref<!tpu.dma_semaphore, #tpu.memory_space<semaphore_mem>>
      %dma_start3A_112 = arith.constant 0 : i32
      %dma_start3A_113 = tpu.memref_slice %arg15[%add3A_32, %dma_start3A_112] : memref<10000x128xf32, #tpu.memory_space<vmem_shared>> -> memref<40x128xf32, #tpu.memory_space<vmem_shared>>
      %dma_start3A_114 = arith.constant 0 : i32
      %dma_start3A_115 = tpu.memref_slice %arg15[%add3A_32, %dma_start3A_114] : memref<10000x128xf32, #tpu.memory_space<vmem_shared>> -> memref<40x128xf32, #tpu.memory_space<vmem_shared>>
      tpu.enqueue_dma source(%arg9 : memref<40x128xf32, #tpu.memory_space<vmem>>) target(%dma_start3A_115 : memref<40x128xf32, #tpu.memory_space<vmem_shared>>) target_semaphore(%run_scoped3A_111 : memref<!tpu.dma_semaphore, #tpu.memory_space<semaphore_mem>>)
      %dma_wait3A = arith.constant 0 : i32
      %dma_wait3A_116 = tpu.memref_slice %arg15[%add3A_32, %dma_wait3A] : memref<10000x128xf32, #tpu.memory_space<vmem_shared>> -> memref<40x128xf32, #tpu.memory_space<vmem_shared>>
      %dma_wait3A_117 = arith.constant 0 : i32
      %dma_wait3A_118 = tpu.memref_slice %arg15[%add3A_32, %dma_wait3A_117] : memref<10000x128xf32, #tpu.memory_space<vmem_shared>> -> memref<40x128xf32, #tpu.memory_space<vmem_shared>>
      tpu.wait_dma2 semaphore(%run_scoped3A_111 : memref<!tpu.dma_semaphore, #tpu.memory_space<semaphore_mem>>) src(%arg9 : memref<40x128xf32, #tpu.memory_space<vmem>>) dst(%dma_wait3A_118 : memref<40x128xf32, #tpu.memory_space<vmem_shared>>)
      tpu.yield
    }) : () -> ()
    %add3A_33 = arith.constant 120 : i32
    %add3A_34 = arith.addi %mul3A_26, %add3A_33 : i32
    "tpu.region"() ({
      %run_scoped3A_111 = tpu.sem_alloc : memref<!tpu.dma_semaphore, #tpu.memory_space<semaphore_mem>>
      %dma_start3A_112 = arith.constant 0 : i32
      %dma_start3A_113 = tpu.memref_slice %arg15[%add3A_34, %dma_start3A_112] : memref<10000x128xf32, #tpu.memory_space<vmem_shared>> -> memref<40x128xf32, #tpu.memory_space<vmem_shared>>
      %dma_start3A_114 = arith.constant 0 : i32
      %dma_start3A_115 = tpu.memref_slice %arg15[%add3A_34, %dma_start3A_114] : memref<10000x128xf32, #tpu.memory_space<vmem_shared>> -> memref<40x128xf32, #tpu.memory_space<vmem_shared>>
      tpu.enqueue_dma source(%arg9 : memref<40x128xf32, #tpu.memory_space<vmem>>) target(%dma_start3A_115 : memref<40x128xf32, #tpu.memory_space<vmem_shared>>) target_semaphore(%run_scoped3A_111 : memref<!tpu.dma_semaphore, #tpu.memory_space<semaphore_mem>>)
      %dma_wait3A = arith.constant 0 : i32
      %dma_wait3A_116 = tpu.memref_slice %arg15[%add3A_34, %dma_wait3A] : memref<10000x128xf32, #tpu.memory_space<vmem_shared>> -> memref<40x128xf32, #tpu.memory_space<vmem_shared>>
      %dma_wait3A_117 = arith.constant 0 : i32
      %dma_wait3A_118 = tpu.memref_slice %arg15[%add3A_34, %dma_wait3A_117] : memref<10000x128xf32, #tpu.memory_space<vmem_shared>> -> memref<40x128xf32, #tpu.memory_space<vmem_shared>>
      tpu.wait_dma2 semaphore(%run_scoped3A_111 : memref<!tpu.dma_semaphore, #tpu.memory_space<semaphore_mem>>) src(%arg9 : memref<40x128xf32, #tpu.memory_space<vmem>>) dst(%dma_wait3A_118 : memref<40x128xf32, #tpu.memory_space<vmem_shared>>)
      tpu.yield
    }) : () -> ()
    %add3A_35 = arith.constant 160 : i32
    %add3A_36 = arith.addi %mul3A_26, %add3A_35 : i32
    "tpu.region"() ({
      %run_scoped3A_111 = tpu.sem_alloc : memref<!tpu.dma_semaphore, #tpu.memory_space<semaphore_mem>>
      %dma_start3A_112 = arith.constant 0 : i32
      %dma_start3A_113 = tpu.memref_slice %arg15[%add3A_36, %dma_start3A_112] : memref<10000x128xf32, #tpu.memory_space<vmem_shared>> -> memref<40x128xf32, #tpu.memory_space<vmem_shared>>
      %dma_start3A_114 = arith.constant 0 : i32
      %dma_start3A_115 = tpu.memref_slice %arg15[%add3A_36, %dma_start3A_114] : memref<10000x128xf32, #tpu.memory_space<vmem_shared>> -> memref<40x128xf32, #tpu.memory_space<vmem_shared>>
      tpu.enqueue_dma source(%arg9 : memref<40x128xf32, #tpu.memory_space<vmem>>) target(%dma_start3A_115 : memref<40x128xf32, #tpu.memory_space<vmem_shared>>) target_semaphore(%run_scoped3A_111 : memref<!tpu.dma_semaphore, #tpu.memory_space<semaphore_mem>>)
      %dma_wait3A = arith.constant 0 : i32
      %dma_wait3A_116 = tpu.memref_slice %arg15[%add3A_36, %dma_wait3A] : memref<10000x128xf32, #tpu.memory_space<vmem_shared>> -> memref<40x128xf32, #tpu.memory_space<vmem_shared>>
      %dma_wait3A_117 = arith.constant 0 : i32
      %dma_wait3A_118 = tpu.memref_slice %arg15[%add3A_36, %dma_wait3A_117] : memref<10000x128xf32, #tpu.memory_space<vmem_shared>> -> memref<40x128xf32, #tpu.memory_space<vmem_shared>>
      tpu.wait_dma2 semaphore(%run_scoped3A_111 : memref<!tpu.dma_semaphore, #tpu.memory_space<semaphore_mem>>) src(%arg9 : memref<40x128xf32, #tpu.memory_space<vmem>>) dst(%dma_wait3A_118 : memref<40x128xf32, #tpu.memory_space<vmem_shared>>)
      tpu.yield
    }) : () -> ()
    %add3A_37 = arith.constant 200 : i32
    %add3A_38 = arith.addi %mul3A_26, %add3A_37 : i32
    "tpu.region"() ({
      %run_scoped3A_111 = tpu.sem_alloc : memref<!tpu.dma_semaphore, #tpu.memory_space<semaphore_mem>>
      %dma_start3A_112 = arith.constant 0 : i32
      %dma_start3A_113 = tpu.memref_slice %arg15[%add3A_38, %dma_start3A_112] : memref<10000x128xf32, #tpu.memory_space<vmem_shared>> -> memref<40x128xf32, #tpu.memory_space<vmem_shared>>
      %dma_start3A_114 = arith.constant 0 : i32
      %dma_start3A_115 = tpu.memref_slice %arg15[%add3A_38, %dma_start3A_114] : memref<10000x128xf32, #tpu.memory_space<vmem_shared>> -> memref<40x128xf32, #tpu.memory_space<vmem_shared>>
      tpu.enqueue_dma source(%arg9 : memref<40x128xf32, #tpu.memory_space<vmem>>) target(%dma_start3A_115 : memref<40x128xf32, #tpu.memory_space<vmem_shared>>) target_semaphore(%run_scoped3A_111 : memref<!tpu.dma_semaphore, #tpu.memory_space<semaphore_mem>>)
      %dma_wait3A = arith.constant 0 : i32
      %dma_wait3A_116 = tpu.memref_slice %arg15[%add3A_38, %dma_wait3A] : memref<10000x128xf32, #tpu.memory_space<vmem_shared>> -> memref<40x128xf32, #tpu.memory_space<vmem_shared>>
      %dma_wait3A_117 = arith.constant 0 : i32
      %dma_wait3A_118 = tpu.memref_slice %arg15[%add3A_38, %dma_wait3A_117] : memref<10000x128xf32, #tpu.memory_space<vmem_shared>> -> memref<40x128xf32, #tpu.memory_space<vmem_shared>>
      tpu.wait_dma2 semaphore(%run_scoped3A_111 : memref<!tpu.dma_semaphore, #tpu.memory_space<semaphore_mem>>) src(%arg9 : memref<40x128xf32, #tpu.memory_space<vmem>>) dst(%dma_wait3A_118 : memref<40x128xf32, #tpu.memory_space<vmem_shared>>)
      tpu.yield
    }) : () -> ()
    %add3A_39 = arith.constant 240 : i32
    %add3A_40 = arith.addi %mul3A_26, %add3A_39 : i32
    "tpu.region"() ({
      %run_scoped3A_111 = tpu.sem_alloc : memref<!tpu.dma_semaphore, #tpu.memory_space<semaphore_mem>>
      %dma_start3A_112 = arith.constant 0 : i32
      %dma_start3A_113 = tpu.memref_slice %arg15[%add3A_40, %dma_start3A_112] : memref<10000x128xf32, #tpu.memory_space<vmem_shared>> -> memref<40x128xf32, #tpu.memory_space<vmem_shared>>
      %dma_start3A_114 = arith.constant 0 : i32
      %dma_start3A_115 = tpu.memref_slice %arg15[%add3A_40, %dma_start3A_114] : memref<10000x128xf32, #tpu.memory_space<vmem_shared>> -> memref<40x128xf32, #tpu.memory_space<vmem_shared>>
      tpu.enqueue_dma source(%arg9 : memref<40x128xf32, #tpu.memory_space<vmem>>) target(%dma_start3A_115 : memref<40x128xf32, #tpu.memory_space<vmem_shared>>) target_semaphore(%run_scoped3A_111 : memref<!tpu.dma_semaphore, #tpu.memory_space<semaphore_mem>>)
      %dma_wait3A = arith.constant 0 : i32
      %dma_wait3A_116 = tpu.memref_slice %arg15[%add3A_40, %dma_wait3A] : memref<10000x128xf32, #tpu.memory_space<vmem_shared>> -> memref<40x128xf32, #tpu.memory_space<vmem_shared>>
      %dma_wait3A_117 = arith.constant 0 : i32
      %dma_wait3A_118 = tpu.memref_slice %arg15[%add3A_40, %dma_wait3A_117] : memref<10000x128xf32, #tpu.memory_space<vmem_shared>> -> memref<40x128xf32, #tpu.memory_space<vmem_shared>>
      tpu.wait_dma2 semaphore(%run_scoped3A_111 : memref<!tpu.dma_semaphore, #tpu.memory_space<semaphore_mem>>) src(%arg9 : memref<40x128xf32, #tpu.memory_space<vmem>>) dst(%dma_wait3A_118 : memref<40x128xf32, #tpu.memory_space<vmem_shared>>)
      tpu.yield
    }) : () -> ()
    %add3A_41 = arith.constant 280 : i32
    %add3A_42 = arith.addi %mul3A_26, %add3A_41 : i32
    "tpu.region"() ({
      %run_scoped3A_111 = tpu.sem_alloc : memref<!tpu.dma_semaphore, #tpu.memory_space<semaphore_mem>>
      %dma_start3A_112 = arith.constant 0 : i32
      %dma_start3A_113 = tpu.memref_slice %arg15[%add3A_42, %dma_start3A_112] : memref<10000x128xf32, #tpu.memory_space<vmem_shared>> -> memref<40x128xf32, #tpu.memory_space<vmem_shared>>
      %dma_start3A_114 = arith.constant 0 : i32
      %dma_start3A_115 = tpu.memref_slice %arg15[%add3A_42, %dma_start3A_114] : memref<10000x128xf32, #tpu.memory_space<vmem_shared>> -> memref<40x128xf32, #tpu.memory_space<vmem_shared>>
      tpu.enqueue_dma source(%arg9 : memref<40x128xf32, #tpu.memory_space<vmem>>) target(%dma_start3A_115 : memref<40x128xf32, #tpu.memory_space<vmem_shared>>) target_semaphore(%run_scoped3A_111 : memref<!tpu.dma_semaphore, #tpu.memory_space<semaphore_mem>>)
      %dma_wait3A = arith.constant 0 : i32
      %dma_wait3A_116 = tpu.memref_slice %arg15[%add3A_42, %dma_wait3A] : memref<10000x128xf32, #tpu.memory_space<vmem_shared>> -> memref<40x128xf32, #tpu.memory_space<vmem_shared>>
      %dma_wait3A_117 = arith.constant 0 : i32
      %dma_wait3A_118 = tpu.memref_slice %arg15[%add3A_42, %dma_wait3A_117] : memref<10000x128xf32, #tpu.memory_space<vmem_shared>> -> memref<40x128xf32, #tpu.memory_space<vmem_shared>>
      tpu.wait_dma2 semaphore(%run_scoped3A_111 : memref<!tpu.dma_semaphore, #tpu.memory_space<semaphore_mem>>) src(%arg9 : memref<40x128xf32, #tpu.memory_space<vmem>>) dst(%dma_wait3A_118 : memref<40x128xf32, #tpu.memory_space<vmem_shared>>)
      tpu.yield
    }) : () -> ()
    %add3A_43 = arith.constant 320 : i32
    %add3A_44 = arith.addi %mul3A_26, %add3A_43 : i32
    "tpu.region"() ({
      %run_scoped3A_111 = tpu.sem_alloc : memref<!tpu.dma_semaphore, #tpu.memory_space<semaphore_mem>>
      %dma_start3A_112 = arith.constant 0 : i32
      %dma_start3A_113 = tpu.memref_slice %arg15[%add3A_44, %dma_start3A_112] : memref<10000x128xf32, #tpu.memory_space<vmem_shared>> -> memref<40x128xf32, #tpu.memory_space<vmem_shared>>
      %dma_start3A_114 = arith.constant 0 : i32
      %dma_start3A_115 = tpu.memref_slice %arg15[%add3A_44, %dma_start3A_114] : memref<10000x128xf32, #tpu.memory_space<vmem_shared>> -> memref<40x128xf32, #tpu.memory_space<vmem_shared>>
      tpu.enqueue_dma source(%arg9 : memref<40x128xf32, #tpu.memory_space<vmem>>) target(%dma_start3A_115 : memref<40x128xf32, #tpu.memory_space<vmem_shared>>) target_semaphore(%run_scoped3A_111 : memref<!tpu.dma_semaphore, #tpu.memory_space<semaphore_mem>>)
      %dma_wait3A = arith.constant 0 : i32
      %dma_wait3A_116 = tpu.memref_slice %arg15[%add3A_44, %dma_wait3A] : memref<10000x128xf32, #tpu.memory_space<vmem_shared>> -> memref<40x128xf32, #tpu.memory_space<vmem_shared>>
      %dma_wait3A_117 = arith.constant 0 : i32
      %dma_wait3A_118 = tpu.memref_slice %arg15[%add3A_44, %dma_wait3A_117] : memref<10000x128xf32, #tpu.memory_space<vmem_shared>> -> memref<40x128xf32, #tpu.memory_space<vmem_shared>>
      tpu.wait_dma2 semaphore(%run_scoped3A_111 : memref<!tpu.dma_semaphore, #tpu.memory_space<semaphore_mem>>) src(%arg9 : memref<40x128xf32, #tpu.memory_space<vmem>>) dst(%dma_wait3A_118 : memref<40x128xf32, #tpu.memory_space<vmem_shared>>)
      tpu.yield
    }) : () -> ()
    %add3A_45 = arith.constant 360 : i32
    %add3A_46 = arith.addi %mul3A_26, %add3A_45 : i32
    "tpu.region"() ({
      %run_scoped3A_111 = tpu.sem_alloc : memref<!tpu.dma_semaphore, #tpu.memory_space<semaphore_mem>>
      %dma_start3A_112 = arith.constant 0 : i32
      %dma_start3A_113 = tpu.memref_slice %arg15[%add3A_46, %dma_start3A_112] : memref<10000x128xf32, #tpu.memory_space<vmem_shared>> -> memref<40x128xf32, #tpu.memory_space<vmem_shared>>
      %dma_start3A_114 = arith.constant 0 : i32
      %dma_start3A_115 = tpu.memref_slice %arg15[%add3A_46, %dma_start3A_114] : memref<10000x128xf32, #tpu.memory_space<vmem_shared>> -> memref<40x128xf32, #tpu.memory_space<vmem_shared>>
      tpu.enqueue_dma source(%arg9 : memref<40x128xf32, #tpu.memory_space<vmem>>) target(%dma_start3A_115 : memref<40x128xf32, #tpu.memory_space<vmem_shared>>) target_semaphore(%run_scoped3A_111 : memref<!tpu.dma_semaphore, #tpu.memory_space<semaphore_mem>>)
      %dma_wait3A = arith.constant 0 : i32
      %dma_wait3A_116 = tpu.memref_slice %arg15[%add3A_46, %dma_wait3A] : memref<10000x128xf32, #tpu.memory_space<vmem_shared>> -> memref<40x128xf32, #tpu.memory_space<vmem_shared>>
      %dma_wait3A_117 = arith.constant 0 : i32
      %dma_wait3A_118 = tpu.memref_slice %arg15[%add3A_46, %dma_wait3A_117] : memref<10000x128xf32, #tpu.memory_space<vmem_shared>> -> memref<40x128xf32, #tpu.memory_space<vmem_shared>>
      tpu.wait_dma2 semaphore(%run_scoped3A_111 : memref<!tpu.dma_semaphore, #tpu.memory_space<semaphore_mem>>) src(%arg9 : memref<40x128xf32, #tpu.memory_space<vmem>>) dst(%dma_wait3A_118 : memref<40x128xf32, #tpu.memory_space<vmem_shared>>)
      tpu.yield
    }) : () -> ()
    %add3A_47 = arith.constant 400 : i32
    %add3A_48 = arith.addi %mul3A_26, %add3A_47 : i32
    "tpu.region"() ({
      %run_scoped3A_111 = tpu.sem_alloc : memref<!tpu.dma_semaphore, #tpu.memory_space<semaphore_mem>>
      %dma_start3A_112 = arith.constant 0 : i32
      %dma_start3A_113 = tpu.memref_slice %arg15[%add3A_48, %dma_start3A_112] : memref<10000x128xf32, #tpu.memory_space<vmem_shared>> -> memref<40x128xf32, #tpu.memory_space<vmem_shared>>
      %dma_start3A_114 = arith.constant 0 : i32
      %dma_start3A_115 = tpu.memref_slice %arg15[%add3A_48, %dma_start3A_114] : memref<10000x128xf32, #tpu.memory_space<vmem_shared>> -> memref<40x128xf32, #tpu.memory_space<vmem_shared>>
      tpu.enqueue_dma source(%arg9 : memref<40x128xf32, #tpu.memory_space<vmem>>) target(%dma_start3A_115 : memref<40x128xf32, #tpu.memory_space<vmem_shared>>) target_semaphore(%run_scoped3A_111 : memref<!tpu.dma_semaphore, #tpu.memory_space<semaphore_mem>>)
      %dma_wait3A = arith.constant 0 : i32
      %dma_wait3A_116 = tpu.memref_slice %arg15[%add3A_48, %dma_wait3A] : memref<10000x128xf32, #tpu.memory_space<vmem_shared>> -> memref<40x128xf32, #tpu.memory_space<vmem_shared>>
      %dma_wait3A_117 = arith.constant 0 : i32
      %dma_wait3A_118 = tpu.memref_slice %arg15[%add3A_48, %dma_wait3A_117] : memref<10000x128xf32, #tpu.memory_space<vmem_shared>> -> memref<40x128xf32, #tpu.memory_space<vmem_shared>>
      tpu.wait_dma2 semaphore(%run_scoped3A_111 : memref<!tpu.dma_semaphore, #tpu.memory_space<semaphore_mem>>) src(%arg9 : memref<40x128xf32, #tpu.memory_space<vmem>>) dst(%dma_wait3A_118 : memref<40x128xf32, #tpu.memory_space<vmem_shared>>)
      tpu.yield
    }) : () -> ()
    %add3A_49 = arith.constant 440 : i32
    %add3A_50 = arith.addi %mul3A_26, %add3A_49 : i32
    "tpu.region"() ({
      %run_scoped3A_111 = tpu.sem_alloc : memref<!tpu.dma_semaphore, #tpu.memory_space<semaphore_mem>>
      %dma_start3A_112 = arith.constant 0 : i32
      %dma_start3A_113 = tpu.memref_slice %arg15[%add3A_50, %dma_start3A_112] : memref<10000x128xf32, #tpu.memory_space<vmem_shared>> -> memref<40x128xf32, #tpu.memory_space<vmem_shared>>
      %dma_start3A_114 = arith.constant 0 : i32
      %dma_start3A_115 = tpu.memref_slice %arg15[%add3A_50, %dma_start3A_114] : memref<10000x128xf32, #tpu.memory_space<vmem_shared>> -> memref<40x128xf32, #tpu.memory_space<vmem_shared>>
      tpu.enqueue_dma source(%arg9 : memref<40x128xf32, #tpu.memory_space<vmem>>) target(%dma_start3A_115 : memref<40x128xf32, #tpu.memory_space<vmem_shared>>) target_semaphore(%run_scoped3A_111 : memref<!tpu.dma_semaphore, #tpu.memory_space<semaphore_mem>>)
      %dma_wait3A = arith.constant 0 : i32
      %dma_wait3A_116 = tpu.memref_slice %arg15[%add3A_50, %dma_wait3A] : memref<10000x128xf32, #tpu.memory_space<vmem_shared>> -> memref<40x128xf32, #tpu.memory_space<vmem_shared>>
      %dma_wait3A_117 = arith.constant 0 : i32
      %dma_wait3A_118 = tpu.memref_slice %arg15[%add3A_50, %dma_wait3A_117] : memref<10000x128xf32, #tpu.memory_space<vmem_shared>> -> memref<40x128xf32, #tpu.memory_space<vmem_shared>>
      tpu.wait_dma2 semaphore(%run_scoped3A_111 : memref<!tpu.dma_semaphore, #tpu.memory_space<semaphore_mem>>) src(%arg9 : memref<40x128xf32, #tpu.memory_space<vmem>>) dst(%dma_wait3A_118 : memref<40x128xf32, #tpu.memory_space<vmem_shared>>)
      tpu.yield
    }) : () -> ()
    %add3A_51 = arith.constant 480 : i32
    %add3A_52 = arith.addi %mul3A_26, %add3A_51 : i32
    "tpu.region"() ({
      %run_scoped3A_111 = tpu.sem_alloc : memref<!tpu.dma_semaphore, #tpu.memory_space<semaphore_mem>>
      %dma_start3A_112 = arith.constant 0 : i32
      %dma_start3A_113 = tpu.memref_slice %arg15[%add3A_52, %dma_start3A_112] : memref<10000x128xf32, #tpu.memory_space<vmem_shared>> -> memref<40x128xf32, #tpu.memory_space<vmem_shared>>
      %dma_start3A_114 = arith.constant 0 : i32
      %dma_start3A_115 = tpu.memref_slice %arg15[%add3A_52, %dma_start3A_114] : memref<10000x128xf32, #tpu.memory_space<vmem_shared>> -> memref<40x128xf32, #tpu.memory_space<vmem_shared>>
      tpu.enqueue_dma source(%arg9 : memref<40x128xf32, #tpu.memory_space<vmem>>) target(%dma_start3A_115 : memref<40x128xf32, #tpu.memory_space<vmem_shared>>) target_semaphore(%run_scoped3A_111 : memref<!tpu.dma_semaphore, #tpu.memory_space<semaphore_mem>>)
      %dma_wait3A = arith.constant 0 : i32
      %dma_wait3A_116 = tpu.memref_slice %arg15[%add3A_52, %dma_wait3A] : memref<10000x128xf32, #tpu.memory_space<vmem_shared>> -> memref<40x128xf32, #tpu.memory_space<vmem_shared>>
      %dma_wait3A_117 = arith.constant 0 : i32
      %dma_wait3A_118 = tpu.memref_slice %arg15[%add3A_52, %dma_wait3A_117] : memref<10000x128xf32, #tpu.memory_space<vmem_shared>> -> memref<40x128xf32, #tpu.memory_space<vmem_shared>>
      tpu.wait_dma2 semaphore(%run_scoped3A_111 : memref<!tpu.dma_semaphore, #tpu.memory_space<semaphore_mem>>) src(%arg9 : memref<40x128xf32, #tpu.memory_space<vmem>>) dst(%dma_wait3A_118 : memref<40x128xf32, #tpu.memory_space<vmem_shared>>)
      tpu.yield
    }) : () -> ()
    %add3A_53 = arith.constant 520 : i32
    %add3A_54 = arith.addi %mul3A_26, %add3A_53 : i32
    "tpu.region"() ({
      %run_scoped3A_111 = tpu.sem_alloc : memref<!tpu.dma_semaphore, #tpu.memory_space<semaphore_mem>>
      %dma_start3A_112 = arith.constant 0 : i32
      %dma_start3A_113 = tpu.memref_slice %arg15[%add3A_54, %dma_start3A_112] : memref<10000x128xf32, #tpu.memory_space<vmem_shared>> -> memref<40x128xf32, #tpu.memory_space<vmem_shared>>
      %dma_start3A_114 = arith.constant 0 : i32
      %dma_start3A_115 = tpu.memref_slice %arg15[%add3A_54, %dma_start3A_114] : memref<10000x128xf32, #tpu.memory_space<vmem_shared>> -> memref<40x128xf32, #tpu.memory_space<vmem_shared>>
      tpu.enqueue_dma source(%arg9 : memref<40x128xf32, #tpu.memory_space<vmem>>) target(%dma_start3A_115 : memref<40x128xf32, #tpu.memory_space<vmem_shared>>) target_semaphore(%run_scoped3A_111 : memref<!tpu.dma_semaphore, #tpu.memory_space<semaphore_mem>>)
      %dma_wait3A = arith.constant 0 : i32
      %dma_wait3A_116 = tpu.memref_slice %arg15[%add3A_54, %dma_wait3A] : memref<10000x128xf32, #tpu.memory_space<vmem_shared>> -> memref<40x128xf32, #tpu.memory_space<vmem_shared>>
      %dma_wait3A_117 = arith.constant 0 : i32
      %dma_wait3A_118 = tpu.memref_slice %arg15[%add3A_54, %dma_wait3A_117] : memref<10000x128xf32, #tpu.memory_space<vmem_shared>> -> memref<40x128xf32, #tpu.memory_space<vmem_shared>>
      tpu.wait_dma2 semaphore(%run_scoped3A_111 : memref<!tpu.dma_semaphore, #tpu.memory_space<semaphore_mem>>) src(%arg9 : memref<40x128xf32, #tpu.memory_space<vmem>>) dst(%dma_wait3A_118 : memref<40x128xf32, #tpu.memory_space<vmem_shared>>)
      tpu.yield
    }) : () -> ()
    %add3A_55 = arith.constant 560 : i32
    %add3A_56 = arith.addi %mul3A_26, %add3A_55 : i32
    "tpu.region"() ({
      %run_scoped3A_111 = tpu.sem_alloc : memref<!tpu.dma_semaphore, #tpu.memory_space<semaphore_mem>>
      %dma_start3A_112 = arith.constant 0 : i32
      %dma_start3A_113 = tpu.memref_slice %arg15[%add3A_56, %dma_start3A_112] : memref<10000x128xf32, #tpu.memory_space<vmem_shared>> -> memref<40x128xf32, #tpu.memory_space<vmem_shared>>
      %dma_start3A_114 = arith.constant 0 : i32
      %dma_start3A_115 = tpu.memref_slice %arg15[%add3A_56, %dma_start3A_114] : memref<10000x128xf32, #tpu.memory_space<vmem_shared>> -> memref<40x128xf32, #tpu.memory_space<vmem_shared>>
      tpu.enqueue_dma source(%arg9 : memref<40x128xf32, #tpu.memory_space<vmem>>) target(%dma_start3A_115 : memref<40x128xf32, #tpu.memory_space<vmem_shared>>) target_semaphore(%run_scoped3A_111 : memref<!tpu.dma_semaphore, #tpu.memory_space<semaphore_mem>>)
      %dma_wait3A = arith.constant 0 : i32
      %dma_wait3A_116 = tpu.memref_slice %arg15[%add3A_56, %dma_wait3A] : memref<10000x128xf32, #tpu.memory_space<vmem_shared>> -> memref<40x128xf32, #tpu.memory_space<vmem_shared>>
      %dma_wait3A_117 = arith.constant 0 : i32
      %dma_wait3A_118 = tpu.memref_slice %arg15[%add3A_56, %dma_wait3A_117] : memref<10000x128xf32, #tpu.memory_space<vmem_shared>> -> memref<40x128xf32, #tpu.memory_space<vmem_shared>>
      tpu.wait_dma2 semaphore(%run_scoped3A_111 : memref<!tpu.dma_semaphore, #tpu.memory_space<semaphore_mem>>) src(%arg9 : memref<40x128xf32, #tpu.memory_space<vmem>>) dst(%dma_wait3A_118 : memref<40x128xf32, #tpu.memory_space<vmem_shared>>)
      tpu.yield
    }) : () -> ()
    %add3A_57 = arith.constant 600 : i32
    %add3A_58 = arith.addi %mul3A_26, %add3A_57 : i32
    "tpu.region"() ({
      %run_scoped3A_111 = tpu.sem_alloc : memref<!tpu.dma_semaphore, #tpu.memory_space<semaphore_mem>>
      %dma_start3A_112 = arith.constant 0 : i32
      %dma_start3A_113 = arith.constant 0 : i32
      %dma_start3A_114 = tpu.memref_slice %arg9[%dma_start3A_112, %dma_start3A_113] : memref<40x128xf32, #tpu.memory_space<vmem>> -> memref<25x128xf32, #tpu.memory_space<vmem>>
      %dma_start3A_115 = arith.constant 0 : i32
      %dma_start3A_116 = tpu.memref_slice %arg15[%add3A_58, %dma_start3A_115] : memref<10000x128xf32, #tpu.memory_space<vmem_shared>> -> memref<25x128xf32, #tpu.memory_space<vmem_shared>>
      %dma_start3A_117 = arith.constant 0 : i32
      %dma_start3A_118 = tpu.memref_slice %arg15[%add3A_58, %dma_start3A_117] : memref<10000x128xf32, #tpu.memory_space<vmem_shared>> -> memref<25x128xf32, #tpu.memory_space<vmem_shared>>
      %dma_start3A_119 = arith.constant 0 : i32
      %dma_start3A_120 = arith.constant 0 : i32
      %dma_start3A_121 = tpu.memref_slice %arg9[%dma_start3A_119, %dma_start3A_120] : memref<40x128xf32, #tpu.memory_space<vmem>> -> memref<25x128xf32, #tpu.memory_space<vmem>>
      tpu.enqueue_dma source(%dma_start3A_121 : memref<25x128xf32, #tpu.memory_space<vmem>>) target(%dma_start3A_118 : memref<25x128xf32, #tpu.memory_space<vmem_shared>>) target_semaphore(%run_scoped3A_111 : memref<!tpu.dma_semaphore, #tpu.memory_space<semaphore_mem>>)
      %dma_wait3A = arith.constant 0 : i32
      %dma_wait3A_122 = arith.constant 0 : i32
      %dma_wait3A_123 = tpu.memref_slice %arg9[%dma_wait3A, %dma_wait3A_122] : memref<40x128xf32, #tpu.memory_space<vmem>> -> memref<25x128xf32, #tpu.memory_space<vmem>>
      %dma_wait3A_124 = arith.constant 0 : i32
      %dma_wait3A_125 = tpu.memref_slice %arg15[%add3A_58, %dma_wait3A_124] : memref<10000x128xf32, #tpu.memory_space<vmem_shared>> -> memref<25x128xf32, #tpu.memory_space<vmem_shared>>
      %dma_wait3A_126 = arith.constant 0 : i32
      %dma_wait3A_127 = tpu.memref_slice %arg15[%add3A_58, %dma_wait3A_126] : memref<10000x128xf32, #tpu.memory_space<vmem_shared>> -> memref<25x128xf32, #tpu.memory_space<vmem_shared>>
      %dma_wait3A_128 = arith.constant 0 : i32
      %dma_wait3A_129 = arith.constant 0 : i32
      %dma_wait3A_130 = tpu.memref_slice %arg9[%dma_wait3A_128, %dma_wait3A_129] : memref<40x128xf32, #tpu.memory_space<vmem>> -> memref<25x128xf32, #tpu.memory_space<vmem>>
      tpu.wait_dma2 semaphore(%run_scoped3A_111 : memref<!tpu.dma_semaphore, #tpu.memory_space<semaphore_mem>>) src(%dma_wait3A_130 : memref<25x128xf32, #tpu.memory_space<vmem>>) dst(%dma_wait3A_127 : memref<25x128xf32, #tpu.memory_space<vmem_shared>>)
      tpu.yield
    }) : () -> ()
    %barrier3A = arith.constant 0 : index
    tpu.barrier barrier_id(%barrier3A)
    %dma_start3A = arith.constant 0 : i32
    %dma_start3A_59 = arith.constant 0 : i32
    %dma_start3A_60 = tpu.memref_slice %arg7[%dma_start3A, %dma_start3A_59] : memref<250x40xi32, #tpu.memory_space<vmem>> -> memref<1x40xi32, #tpu.memory_space<vmem>>
    %dma_start3A_61 = tpu.memref_squeeze %dma_start3A_60 : memref<1x40xi32, #tpu.memory_space<vmem>> -> memref<40xi32, #tpu.memory_space<vmem>>
    %dma_start3A_62 = arith.constant 0 : i32
    %dma_start3A_63 = arith.constant 0 : i32
    %dma_start3A_64 = tpu.memref_slice %arg2[%dma_start3A_62, %dma_start3A_63] : memref<10000x128xf32, #tpu.memory_space<hbm>> -> memref<10000x128xf32, #tpu.memory_space<hbm>>
    tpu.enqueue_indirect_dma source(%dma_start3A_64 : memref<10000x128xf32, #tpu.memory_space<hbm>>) target(%arg9 : memref<40x128xf32, #tpu.memory_space<vmem>>) offsets(%dma_start3A_61 : memref<40xi32, #tpu.memory_space<vmem>>) semaphore(%arg17 : memref<!tpu.dma_semaphore, #tpu.memory_space<semaphore_mem>>)
    %dma_start3A_65 = arith.constant 1 : i32
    %dma_start3A_66 = arith.constant 0 : i32
    %dma_start3A_67 = tpu.memref_slice %arg7[%dma_start3A_65, %dma_start3A_66] : memref<250x40xi32, #tpu.memory_space<vmem>> -> memref<1x40xi32, #tpu.memory_space<vmem>>
    %dma_start3A_68 = tpu.memref_squeeze %dma_start3A_67 : memref<1x40xi32, #tpu.memory_space<vmem>> -> memref<40xi32, #tpu.memory_space<vmem>>
    %dma_start3A_69 = arith.constant 0 : i32
    %dma_start3A_70 = arith.constant 0 : i32
    %dma_start3A_71 = tpu.memref_slice %arg2[%dma_start3A_69, %dma_start3A_70] : memref<10000x128xf32, #tpu.memory_space<hbm>> -> memref<10000x128xf32, #tpu.memory_space<hbm>>
    tpu.enqueue_indirect_dma source(%dma_start3A_71 : memref<10000x128xf32, #tpu.memory_space<hbm>>) target(%arg10 : memref<40x128xf32, #tpu.memory_space<vmem>>) offsets(%dma_start3A_68 : memref<40xi32, #tpu.memory_space<vmem>>) semaphore(%arg18 : memref<!tpu.dma_semaphore, #tpu.memory_space<semaphore_mem>>)
    %dma_start3A_72 = arith.constant 2 : i32
    %dma_start3A_73 = arith.constant 0 : i32
    %dma_start3A_74 = tpu.memref_slice %arg7[%dma_start3A_72, %dma_start3A_73] : memref<250x40xi32, #tpu.memory_space<vmem>> -> memref<1x40xi32, #tpu.memory_space<vmem>>
    %dma_start3A_75 = tpu.memref_squeeze %dma_start3A_74 : memref<1x40xi32, #tpu.memory_space<vmem>> -> memref<40xi32, #tpu.memory_space<vmem>>
    %dma_start3A_76 = arith.constant 0 : i32
    %dma_start3A_77 = arith.constant 0 : i32
    %dma_start3A_78 = tpu.memref_slice %arg2[%dma_start3A_76, %dma_start3A_77] : memref<10000x128xf32, #tpu.memory_space<hbm>> -> memref<10000x128xf32, #tpu.memory_space<hbm>>
    tpu.enqueue_indirect_dma source(%dma_start3A_78 : memref<10000x128xf32, #tpu.memory_space<hbm>>) target(%arg11 : memref<40x128xf32, #tpu.memory_space<vmem>>) offsets(%dma_start3A_75 : memref<40xi32, #tpu.memory_space<vmem>>) semaphore(%arg19 : memref<!tpu.dma_semaphore, #tpu.memory_space<semaphore_mem>>)
    %dma_start3A_79 = arith.constant 3 : i32
    %dma_start3A_80 = arith.constant 0 : i32
    %dma_start3A_81 = tpu.memref_slice %arg7[%dma_start3A_79, %dma_start3A_80] : memref<250x40xi32, #tpu.memory_space<vmem>> -> memref<1x40xi32, #tpu.memory_space<vmem>>
    %dma_start3A_82 = tpu.memref_squeeze %dma_start3A_81 : memref<1x40xi32, #tpu.memory_space<vmem>> -> memref<40xi32, #tpu.memory_space<vmem>>
    %dma_start3A_83 = arith.constant 0 : i32
    %dma_start3A_84 = arith.constant 0 : i32
    %dma_start3A_85 = tpu.memref_slice %arg2[%dma_start3A_83, %dma_start3A_84] : memref<10000x128xf32, #tpu.memory_space<hbm>> -> memref<10000x128xf32, #tpu.memory_space<hbm>>
    tpu.enqueue_indirect_dma source(%dma_start3A_85 : memref<10000x128xf32, #tpu.memory_space<hbm>>) target(%arg12 : memref<40x128xf32, #tpu.memory_space<vmem>>) offsets(%dma_start3A_82 : memref<40xi32, #tpu.memory_space<vmem>>) semaphore(%arg20 : memref<!tpu.dma_semaphore, #tpu.memory_space<semaphore_mem>>)
    %dma_start3A_86 = arith.constant 4 : i32
    %dma_start3A_87 = arith.constant 0 : i32
    %dma_start3A_88 = tpu.memref_slice %arg7[%dma_start3A_86, %dma_start3A_87] : memref<250x40xi32, #tpu.memory_space<vmem>> -> memref<1x40xi32, #tpu.memory_space<vmem>>
    %dma_start3A_89 = tpu.memref_squeeze %dma_start3A_88 : memref<1x40xi32, #tpu.memory_space<vmem>> -> memref<40xi32, #tpu.memory_space<vmem>>
    %dma_start3A_90 = arith.constant 0 : i32
    %dma_start3A_91 = arith.constant 0 : i32
    %dma_start3A_92 = tpu.memref_slice %arg2[%dma_start3A_90, %dma_start3A_91] : memref<10000x128xf32, #tpu.memory_space<hbm>> -> memref<10000x128xf32, #tpu.memory_space<hbm>>
    tpu.enqueue_indirect_dma source(%dma_start3A_92 : memref<10000x128xf32, #tpu.memory_space<hbm>>) target(%arg13 : memref<40x128xf32, #tpu.memory_space<vmem>>) offsets(%dma_start3A_89 : memref<40xi32, #tpu.memory_space<vmem>>) semaphore(%arg21 : memref<!tpu.dma_semaphore, #tpu.memory_space<semaphore_mem>>)
    %scan3A_93 = arith.constant 0 : i32
    %scan3A_94 = arith.constant 0 : i32
    %scan3A_95 = arith.constant 50 : i32
    %scan3A_96 = arith.addi %scan3A_94, %scan3A_95 : i32
    %scan3A_97 = arith.constant 1 : i32
    scf.for %scan3A_111 = %scan3A_94 to %scan3A_96 step %scan3A_97  : i32 {
      %mul3A_112 = arith.constant 5 : i32
      %mul3A_113 = arith.muli %scan3A_111, %mul3A_112 : i32
      %add3A_114 = arith.constant 0 : i32
      %add3A_115 = arith.addi %mul3A_113, %add3A_114 : i32
      %dma_wait3A = arith.constant 0 : i32
      %dma_wait3A_116 = tpu.memref_slice %arg7[%add3A_115, %dma_wait3A] : memref<250x40xi32, #tpu.memory_space<vmem>> -> memref<1x40xi32, #tpu.memory_space<vmem>>
      %dma_wait3A_117 = tpu.memref_squeeze %dma_wait3A_116 : memref<1x40xi32, #tpu.memory_space<vmem>> -> memref<40xi32, #tpu.memory_space<vmem>>
      %dma_wait3A_118 = arith.constant 0 : i32
      %dma_wait3A_119 = arith.constant 0 : i32
      %dma_wait3A_120 = tpu.memref_slice %arg2[%dma_wait3A_118, %dma_wait3A_119] : memref<10000x128xf32, #tpu.memory_space<hbm>> -> memref<10000x128xf32, #tpu.memory_space<hbm>>
      tpu.wait_indirect_dma semaphore(%arg17 : memref<!tpu.dma_semaphore, #tpu.memory_space<semaphore_mem>>) src(%dma_wait3A_120 : memref<10000x128xf32, #tpu.memory_space<hbm>>) dst(%arg9 : memref<40x128xf32, #tpu.memory_space<vmem>>)
      "tpu.region"() ({
        %run_scoped3A_212 = tpu.sem_alloc : memref<!tpu.dma_semaphore, #tpu.memory_space<semaphore_mem>>
        %dma_start3A_213 = arith.constant 0 : i32
        %dma_start3A_214 = tpu.memref_slice %arg8[%add3A_115, %dma_start3A_213] : memref<250x40xi32, #tpu.memory_space<vmem>> -> memref<1x40xi32, #tpu.memory_space<vmem>>
        %dma_start3A_215 = tpu.memref_squeeze %dma_start3A_214 : memref<1x40xi32, #tpu.memory_space<vmem>> -> memref<40xi32, #tpu.memory_space<vmem>>
        %dma_start3A_216 = arith.constant 0 : i32
        %dma_start3A_217 = arith.constant 0 : i32
        %dma_start3A_218 = tpu.memref_slice %arg15[%dma_start3A_216, %dma_start3A_217] : memref<10000x128xf32, #tpu.memory_space<vmem_shared>> -> memref<10000x128xf32, #tpu.memory_space<vmem_shared>>
        tpu.enqueue_indirect_dma source(%arg9 : memref<40x128xf32, #tpu.memory_space<vmem>>) target(%dma_start3A_218 : memref<10000x128xf32, #tpu.memory_space<vmem_shared>>) offsets(%dma_start3A_215 : memref<40xi32, #tpu.memory_space<vmem>>) semaphore(%run_scoped3A_212 : memref<!tpu.dma_semaphore, #tpu.memory_space<semaphore_mem>>) {add = true}
        %dma_wait3A_219 = arith.constant 0 : i32
        %dma_wait3A_220 = tpu.memref_slice %arg8[%add3A_115, %dma_wait3A_219] : memref<250x40xi32, #tpu.memory_space<vmem>> -> memref<1x40xi32, #tpu.memory_space<vmem>>
        %dma_wait3A_221 = tpu.memref_squeeze %dma_wait3A_220 : memref<1x40xi32, #tpu.memory_space<vmem>> -> memref<40xi32, #tpu.memory_space<vmem>>
        %dma_wait3A_222 = arith.constant 0 : i32
        %dma_wait3A_223 = arith.constant 0 : i32
        %dma_wait3A_224 = tpu.memref_slice %arg15[%dma_wait3A_222, %dma_wait3A_223] : memref<10000x128xf32, #tpu.memory_space<vmem_shared>> -> memref<10000x128xf32, #tpu.memory_space<vmem_shared>>
        tpu.wait_indirect_dma semaphore(%run_scoped3A_212 : memref<!tpu.dma_semaphore, #tpu.memory_space<semaphore_mem>>) src(%arg9 : memref<40x128xf32, #tpu.memory_space<vmem>>) dst(%dma_wait3A_224 : memref<10000x128xf32, #tpu.memory_space<vmem_shared>>)
        tpu.yield
      }) : () -> ()
      %dma_start3A_121 = arith.constant 0 : i32
      %dma_start3A_122 = tpu.memref_slice %arg8[%add3A_115, %dma_start3A_121] : memref<250x40xi32, #tpu.memory_space<vmem>> -> memref<1x40xi32, #tpu.memory_space<vmem>>
      %dma_start3A_123 = tpu.memref_squeeze %dma_start3A_122 : memref<1x40xi32, #tpu.memory_space<vmem>> -> memref<40xi32, #tpu.memory_space<vmem>>
      %dma_start3A_124 = arith.constant 0 : i32
      %dma_start3A_125 = tpu.memref_slice %arg16[%dma_start3A_124] : memref<10000xf32, #tpu.memory_space<vmem_shared>> -> memref<10000xf32, #tpu.memory_space<vmem_shared>>
      tpu.enqueue_indirect_dma source(%arg14 : memref<40xf32, #tpu.memory_space<vmem>>) target(%dma_start3A_125 : memref<10000xf32, #tpu.memory_space<vmem_shared>>) offsets(%dma_start3A_123 : memref<40xi32, #tpu.memory_space<vmem>>) semaphore(%arg22 : memref<!tpu.dma_semaphore, #tpu.memory_space<semaphore_mem>>) {add = true}
      %add3A_126 = arith.constant 5 : i32
      %add3A_127 = arith.addi %add3A_115, %add3A_126 : i32
      %lt3A = arith.constant 250 : i32
      %lt3A_128 = arith.cmpi slt, %add3A_127, %lt3A : i32
      %convert_element_type3A_129 = arith.extui %lt3A_128 : i1 to i32
      %cond3A_130 = arith.constant 0 : i32
      %cond3A_131 = arith.cmpi ne, %convert_element_type3A_129, %cond3A_130 : i32
      scf.if %cond3A_131 {
        %dma_start3A_212 = arith.constant 0 : i32
        %dma_start3A_213 = tpu.memref_slice %arg7[%add3A_127, %dma_start3A_212] : memref<250x40xi32, #tpu.memory_space<vmem>> -> memref<1x40xi32, #tpu.memory_space<vmem>>
        %dma_start3A_214 = tpu.memref_squeeze %dma_start3A_213 : memref<1x40xi32, #tpu.memory_space<vmem>> -> memref<40xi32, #tpu.memory_space<vmem>>
        %dma_start3A_215 = arith.constant 0 : i32
        %dma_start3A_216 = arith.constant 0 : i32
        %dma_start3A_217 = tpu.memref_slice %arg2[%dma_start3A_215, %dma_start3A_216] : memref<10000x128xf32, #tpu.memory_space<hbm>> -> memref<10000x128xf32, #tpu.memory_space<hbm>>
        tpu.enqueue_indirect_dma source(%dma_start3A_217 : memref<10000x128xf32, #tpu.memory_space<hbm>>) target(%arg9 : memref<40x128xf32, #tpu.memory_space<vmem>>) offsets(%dma_start3A_214 : memref<40xi32, #tpu.memory_space<vmem>>) semaphore(%arg17 : memref<!tpu.dma_semaphore, #tpu.memory_space<semaphore_mem>>)
      } else {
      }
      %add3A_132 = arith.constant 1 : i32
      %add3A_133 = arith.addi %mul3A_113, %add3A_132 : i32
      %dma_wait3A_134 = arith.constant 0 : i32
      %dma_wait3A_135 = tpu.memref_slice %arg7[%add3A_133, %dma_wait3A_134] : memref<250x40xi32, #tpu.memory_space<vmem>> -> memref<1x40xi32, #tpu.memory_space<vmem>>
      %dma_wait3A_136 = tpu.memref_squeeze %dma_wait3A_135 : memref<1x40xi32, #tpu.memory_space<vmem>> -> memref<40xi32, #tpu.memory_space<vmem>>
      %dma_wait3A_137 = arith.constant 0 : i32
      %dma_wait3A_138 = arith.constant 0 : i32
      %dma_wait3A_139 = tpu.memref_slice %arg2[%dma_wait3A_137, %dma_wait3A_138] : memref<10000x128xf32, #tpu.memory_space<hbm>> -> memref<10000x128xf32, #tpu.memory_space<hbm>>
      tpu.wait_indirect_dma semaphore(%arg18 : memref<!tpu.dma_semaphore, #tpu.memory_space<semaphore_mem>>) src(%dma_wait3A_139 : memref<10000x128xf32, #tpu.memory_space<hbm>>) dst(%arg10 : memref<40x128xf32, #tpu.memory_space<vmem>>)
      "tpu.region"() ({
        %run_scoped3A_212 = tpu.sem_alloc : memref<!tpu.dma_semaphore, #tpu.memory_space<semaphore_mem>>
        %dma_start3A_213 = arith.constant 0 : i32
        %dma_start3A_214 = tpu.memref_slice %arg8[%add3A_133, %dma_start3A_213] : memref<250x40xi32, #tpu.memory_space<vmem>> -> memref<1x40xi32, #tpu.memory_space<vmem>>
        %dma_start3A_215 = tpu.memref_squeeze %dma_start3A_214 : memref<1x40xi32, #tpu.memory_space<vmem>> -> memref<40xi32, #tpu.memory_space<vmem>>
        %dma_start3A_216 = arith.constant 0 : i32
        %dma_start3A_217 = arith.constant 0 : i32
        %dma_start3A_218 = tpu.memref_slice %arg15[%dma_start3A_216, %dma_start3A_217] : memref<10000x128xf32, #tpu.memory_space<vmem_shared>> -> memref<10000x128xf32, #tpu.memory_space<vmem_shared>>
        tpu.enqueue_indirect_dma source(%arg10 : memref<40x128xf32, #tpu.memory_space<vmem>>) target(%dma_start3A_218 : memref<10000x128xf32, #tpu.memory_space<vmem_shared>>) offsets(%dma_start3A_215 : memref<40xi32, #tpu.memory_space<vmem>>) semaphore(%run_scoped3A_212 : memref<!tpu.dma_semaphore, #tpu.memory_space<semaphore_mem>>) {add = true}
        %dma_wait3A_219 = arith.constant 0 : i32
        %dma_wait3A_220 = tpu.memref_slice %arg8[%add3A_133, %dma_wait3A_219] : memref<250x40xi32, #tpu.memory_space<vmem>> -> memref<1x40xi32, #tpu.memory_space<vmem>>
        %dma_wait3A_221 = tpu.memref_squeeze %dma_wait3A_220 : memref<1x40xi32, #tpu.memory_space<vmem>> -> memref<40xi32, #tpu.memory_space<vmem>>
        %dma_wait3A_222 = arith.constant 0 : i32
        %dma_wait3A_223 = arith.constant 0 : i32
        %dma_wait3A_224 = tpu.memref_slice %arg15[%dma_wait3A_222, %dma_wait3A_223] : memref<10000x128xf32, #tpu.memory_space<vmem_shared>> -> memref<10000x128xf32, #tpu.memory_space<vmem_shared>>
        tpu.wait_indirect_dma semaphore(%run_scoped3A_212 : memref<!tpu.dma_semaphore, #tpu.memory_space<semaphore_mem>>) src(%arg10 : memref<40x128xf32, #tpu.memory_space<vmem>>) dst(%dma_wait3A_224 : memref<10000x128xf32, #tpu.memory_space<vmem_shared>>)
        tpu.yield
      }) : () -> ()
      %dma_start3A_140 = arith.constant 0 : i32
      %dma_start3A_141 = tpu.memref_slice %arg8[%add3A_133, %dma_start3A_140] : memref<250x40xi32, #tpu.memory_space<vmem>> -> memref<1x40xi32, #tpu.memory_space<vmem>>
      %dma_start3A_142 = tpu.memref_squeeze %dma_start3A_141 : memref<1x40xi32, #tpu.memory_space<vmem>> -> memref<40xi32, #tpu.memory_space<vmem>>
      %dma_start3A_143 = arith.constant 0 : i32
      %dma_start3A_144 = tpu.memref_slice %arg16[%dma_start3A_143] : memref<10000xf32, #tpu.memory_space<vmem_shared>> -> memref<10000xf32, #tpu.memory_space<vmem_shared>>
      tpu.enqueue_indirect_dma source(%arg14 : memref<40xf32, #tpu.memory_space<vmem>>) target(%dma_start3A_144 : memref<10000xf32, #tpu.memory_space<vmem_shared>>) offsets(%dma_start3A_142 : memref<40xi32, #tpu.memory_space<vmem>>) semaphore(%arg22 : memref<!tpu.dma_semaphore, #tpu.memory_space<semaphore_mem>>) {add = true}
      %add3A_145 = arith.constant 5 : i32
      %add3A_146 = arith.addi %add3A_133, %add3A_145 : i32
      %lt3A_147 = arith.constant 250 : i32
      %lt3A_148 = arith.cmpi slt, %add3A_146, %lt3A_147 : i32
      %convert_element_type3A_149 = arith.extui %lt3A_148 : i1 to i32
      %cond3A_150 = arith.constant 0 : i32
      %cond3A_151 = arith.cmpi ne, %convert_element_type3A_149, %cond3A_150 : i32
      scf.if %cond3A_151 {
        %dma_start3A_212 = arith.constant 0 : i32
        %dma_start3A_213 = tpu.memref_slice %arg7[%add3A_146, %dma_start3A_212] : memref<250x40xi32, #tpu.memory_space<vmem>> -> memref<1x40xi32, #tpu.memory_space<vmem>>
        %dma_start3A_214 = tpu.memref_squeeze %dma_start3A_213 : memref<1x40xi32, #tpu.memory_space<vmem>> -> memref<40xi32, #tpu.memory_space<vmem>>
        %dma_start3A_215 = arith.constant 0 : i32
        %dma_start3A_216 = arith.constant 0 : i32
        %dma_start3A_217 = tpu.memref_slice %arg2[%dma_start3A_215, %dma_start3A_216] : memref<10000x128xf32, #tpu.memory_space<hbm>> -> memref<10000x128xf32, #tpu.memory_space<hbm>>
        tpu.enqueue_indirect_dma source(%dma_start3A_217 : memref<10000x128xf32, #tpu.memory_space<hbm>>) target(%arg10 : memref<40x128xf32, #tpu.memory_space<vmem>>) offsets(%dma_start3A_214 : memref<40xi32, #tpu.memory_space<vmem>>) semaphore(%arg18 : memref<!tpu.dma_semaphore, #tpu.memory_space<semaphore_mem>>)
      } else {
      }
      %add3A_152 = arith.constant 2 : i32
      %add3A_153 = arith.addi %mul3A_113, %add3A_152 : i32
      %dma_wait3A_154 = arith.constant 0 : i32
      %dma_wait3A_155 = tpu.memref_slice %arg7[%add3A_153, %dma_wait3A_154] : memref<250x40xi32, #tpu.memory_space<vmem>> -> memref<1x40xi32, #tpu.memory_space<vmem>>
      %dma_wait3A_156 = tpu.memref_squeeze %dma_wait3A_155 : memref<1x40xi32, #tpu.memory_space<vmem>> -> memref<40xi32, #tpu.memory_space<vmem>>
      %dma_wait3A_157 = arith.constant 0 : i32
      %dma_wait3A_158 = arith.constant 0 : i32
      %dma_wait3A_159 = tpu.memref_slice %arg2[%dma_wait3A_157, %dma_wait3A_158] : memref<10000x128xf32, #tpu.memory_space<hbm>> -> memref<10000x128xf32, #tpu.memory_space<hbm>>
      tpu.wait_indirect_dma semaphore(%arg19 : memref<!tpu.dma_semaphore, #tpu.memory_space<semaphore_mem>>) src(%dma_wait3A_159 : memref<10000x128xf32, #tpu.memory_space<hbm>>) dst(%arg11 : memref<40x128xf32, #tpu.memory_space<vmem>>)
      "tpu.region"() ({
        %run_scoped3A_212 = tpu.sem_alloc : memref<!tpu.dma_semaphore, #tpu.memory_space<semaphore_mem>>
        %dma_start3A_213 = arith.constant 0 : i32
        %dma_start3A_214 = tpu.memref_slice %arg8[%add3A_153, %dma_start3A_213] : memref<250x40xi32, #tpu.memory_space<vmem>> -> memref<1x40xi32, #tpu.memory_space<vmem>>
        %dma_start3A_215 = tpu.memref_squeeze %dma_start3A_214 : memref<1x40xi32, #tpu.memory_space<vmem>> -> memref<40xi32, #tpu.memory_space<vmem>>
        %dma_start3A_216 = arith.constant 0 : i32
        %dma_start3A_217 = arith.constant 0 : i32
        %dma_start3A_218 = tpu.memref_slice %arg15[%dma_start3A_216, %dma_start3A_217] : memref<10000x128xf32, #tpu.memory_space<vmem_shared>> -> memref<10000x128xf32, #tpu.memory_space<vmem_shared>>
        tpu.enqueue_indirect_dma source(%arg11 : memref<40x128xf32, #tpu.memory_space<vmem>>) target(%dma_start3A_218 : memref<10000x128xf32, #tpu.memory_space<vmem_shared>>) offsets(%dma_start3A_215 : memref<40xi32, #tpu.memory_space<vmem>>) semaphore(%run_scoped3A_212 : memref<!tpu.dma_semaphore, #tpu.memory_space<semaphore_mem>>) {add = true}
        %dma_wait3A_219 = arith.constant 0 : i32
        %dma_wait3A_220 = tpu.memref_slice %arg8[%add3A_153, %dma_wait3A_219] : memref<250x40xi32, #tpu.memory_space<vmem>> -> memref<1x40xi32, #tpu.memory_space<vmem>>
        %dma_wait3A_221 = tpu.memref_squeeze %dma_wait3A_220 : memref<1x40xi32, #tpu.memory_space<vmem>> -> memref<40xi32, #tpu.memory_space<vmem>>
        %dma_wait3A_222 = arith.constant 0 : i32
        %dma_wait3A_223 = arith.constant 0 : i32
        %dma_wait3A_224 = tpu.memref_slice %arg15[%dma_wait3A_222, %dma_wait3A_223] : memref<10000x128xf32, #tpu.memory_space<vmem_shared>> -> memref<10000x128xf32, #tpu.memory_space<vmem_shared>>
        tpu.wait_indirect_dma semaphore(%run_scoped3A_212 : memref<!tpu.dma_semaphore, #tpu.memory_space<semaphore_mem>>) src(%arg11 : memref<40x128xf32, #tpu.memory_space<vmem>>) dst(%dma_wait3A_224 : memref<10000x128xf32, #tpu.memory_space<vmem_shared>>)
        tpu.yield
      }) : () -> ()
      %dma_start3A_160 = arith.constant 0 : i32
      %dma_start3A_161 = tpu.memref_slice %arg8[%add3A_153, %dma_start3A_160] : memref<250x40xi32, #tpu.memory_space<vmem>> -> memref<1x40xi32, #tpu.memory_space<vmem>>
      %dma_start3A_162 = tpu.memref_squeeze %dma_start3A_161 : memref<1x40xi32, #tpu.memory_space<vmem>> -> memref<40xi32, #tpu.memory_space<vmem>>
      %dma_start3A_163 = arith.constant 0 : i32
      %dma_start3A_164 = tpu.memref_slice %arg16[%dma_start3A_163] : memref<10000xf32, #tpu.memory_space<vmem_shared>> -> memref<10000xf32, #tpu.memory_space<vmem_shared>>
      tpu.enqueue_indirect_dma source(%arg14 : memref<40xf32, #tpu.memory_space<vmem>>) target(%dma_start3A_164 : memref<10000xf32, #tpu.memory_space<vmem_shared>>) offsets(%dma_start3A_162 : memref<40xi32, #tpu.memory_space<vmem>>) semaphore(%arg22 : memref<!tpu.dma_semaphore, #tpu.memory_space<semaphore_mem>>) {add = true}
      %add3A_165 = arith.constant 5 : i32
      %add3A_166 = arith.addi %add3A_153, %add3A_165 : i32
      %lt3A_167 = arith.constant 250 : i32
      %lt3A_168 = arith.cmpi slt, %add3A_166, %lt3A_167 : i32
      %convert_element_type3A_169 = arith.extui %lt3A_168 : i1 to i32
      %cond3A_170 = arith.constant 0 : i32
      %cond3A_171 = arith.cmpi ne, %convert_element_type3A_169, %cond3A_170 : i32
      scf.if %cond3A_171 {
        %dma_start3A_212 = arith.constant 0 : i32
        %dma_start3A_213 = tpu.memref_slice %arg7[%add3A_166, %dma_start3A_212] : memref<250x40xi32, #tpu.memory_space<vmem>> -> memref<1x40xi32, #tpu.memory_space<vmem>>
        %dma_start3A_214 = tpu.memref_squeeze %dma_start3A_213 : memref<1x40xi32, #tpu.memory_space<vmem>> -> memref<40xi32, #tpu.memory_space<vmem>>
        %dma_start3A_215 = arith.constant 0 : i32
        %dma_start3A_216 = arith.constant 0 : i32
        %dma_start3A_217 = tpu.memref_slice %arg2[%dma_start3A_215, %dma_start3A_216] : memref<10000x128xf32, #tpu.memory_space<hbm>> -> memref<10000x128xf32, #tpu.memory_space<hbm>>
        tpu.enqueue_indirect_dma source(%dma_start3A_217 : memref<10000x128xf32, #tpu.memory_space<hbm>>) target(%arg11 : memref<40x128xf32, #tpu.memory_space<vmem>>) offsets(%dma_start3A_214 : memref<40xi32, #tpu.memory_space<vmem>>) semaphore(%arg19 : memref<!tpu.dma_semaphore, #tpu.memory_space<semaphore_mem>>)
      } else {
      }
      %add3A_172 = arith.constant 3 : i32
      %add3A_173 = arith.addi %mul3A_113, %add3A_172 : i32
      %dma_wait3A_174 = arith.constant 0 : i32
      %dma_wait3A_175 = tpu.memref_slice %arg7[%add3A_173, %dma_wait3A_174] : memref<250x40xi32, #tpu.memory_space<vmem>> -> memref<1x40xi32, #tpu.memory_space<vmem>>
      %dma_wait3A_176 = tpu.memref_squeeze %dma_wait3A_175 : memref<1x40xi32, #tpu.memory_space<vmem>> -> memref<40xi32, #tpu.memory_space<vmem>>
      %dma_wait3A_177 = arith.constant 0 : i32
      %dma_wait3A_178 = arith.constant 0 : i32
      %dma_wait3A_179 = tpu.memref_slice %arg2[%dma_wait3A_177, %dma_wait3A_178] : memref<10000x128xf32, #tpu.memory_space<hbm>> -> memref<10000x128xf32, #tpu.memory_space<hbm>>
      tpu.wait_indirect_dma semaphore(%arg20 : memref<!tpu.dma_semaphore, #tpu.memory_space<semaphore_mem>>) src(%dma_wait3A_179 : memref<10000x128xf32, #tpu.memory_space<hbm>>) dst(%arg12 : memref<40x128xf32, #tpu.memory_space<vmem>>)
      "tpu.region"() ({
        %run_scoped3A_212 = tpu.sem_alloc : memref<!tpu.dma_semaphore, #tpu.memory_space<semaphore_mem>>
        %dma_start3A_213 = arith.constant 0 : i32
        %dma_start3A_214 = tpu.memref_slice %arg8[%add3A_173, %dma_start3A_213] : memref<250x40xi32, #tpu.memory_space<vmem>> -> memref<1x40xi32, #tpu.memory_space<vmem>>
        %dma_start3A_215 = tpu.memref_squeeze %dma_start3A_214 : memref<1x40xi32, #tpu.memory_space<vmem>> -> memref<40xi32, #tpu.memory_space<vmem>>
        %dma_start3A_216 = arith.constant 0 : i32
        %dma_start3A_217 = arith.constant 0 : i32
        %dma_start3A_218 = tpu.memref_slice %arg15[%dma_start3A_216, %dma_start3A_217] : memref<10000x128xf32, #tpu.memory_space<vmem_shared>> -> memref<10000x128xf32, #tpu.memory_space<vmem_shared>>
        tpu.enqueue_indirect_dma source(%arg12 : memref<40x128xf32, #tpu.memory_space<vmem>>) target(%dma_start3A_218 : memref<10000x128xf32, #tpu.memory_space<vmem_shared>>) offsets(%dma_start3A_215 : memref<40xi32, #tpu.memory_space<vmem>>) semaphore(%run_scoped3A_212 : memref<!tpu.dma_semaphore, #tpu.memory_space<semaphore_mem>>) {add = true}
        %dma_wait3A_219 = arith.constant 0 : i32
        %dma_wait3A_220 = tpu.memref_slice %arg8[%add3A_173, %dma_wait3A_219] : memref<250x40xi32, #tpu.memory_space<vmem>> -> memref<1x40xi32, #tpu.memory_space<vmem>>
        %dma_wait3A_221 = tpu.memref_squeeze %dma_wait3A_220 : memref<1x40xi32, #tpu.memory_space<vmem>> -> memref<40xi32, #tpu.memory_space<vmem>>
        %dma_wait3A_222 = arith.constant 0 : i32
        %dma_wait3A_223 = arith.constant 0 : i32
        %dma_wait3A_224 = tpu.memref_slice %arg15[%dma_wait3A_222, %dma_wait3A_223] : memref<10000x128xf32, #tpu.memory_space<vmem_shared>> -> memref<10000x128xf32, #tpu.memory_space<vmem_shared>>
        tpu.wait_indirect_dma semaphore(%run_scoped3A_212 : memref<!tpu.dma_semaphore, #tpu.memory_space<semaphore_mem>>) src(%arg12 : memref<40x128xf32, #tpu.memory_space<vmem>>) dst(%dma_wait3A_224 : memref<10000x128xf32, #tpu.memory_space<vmem_shared>>)
        tpu.yield
      }) : () -> ()
      %dma_start3A_180 = arith.constant 0 : i32
      %dma_start3A_181 = tpu.memref_slice %arg8[%add3A_173, %dma_start3A_180] : memref<250x40xi32, #tpu.memory_space<vmem>> -> memref<1x40xi32, #tpu.memory_space<vmem>>
      %dma_start3A_182 = tpu.memref_squeeze %dma_start3A_181 : memref<1x40xi32, #tpu.memory_space<vmem>> -> memref<40xi32, #tpu.memory_space<vmem>>
      %dma_start3A_183 = arith.constant 0 : i32
      %dma_start3A_184 = tpu.memref_slice %arg16[%dma_start3A_183] : memref<10000xf32, #tpu.memory_space<vmem_shared>> -> memref<10000xf32, #tpu.memory_space<vmem_shared>>
      tpu.enqueue_indirect_dma source(%arg14 : memref<40xf32, #tpu.memory_space<vmem>>) target(%dma_start3A_184 : memref<10000xf32, #tpu.memory_space<vmem_shared>>) offsets(%dma_start3A_182 : memref<40xi32, #tpu.memory_space<vmem>>) semaphore(%arg22 : memref<!tpu.dma_semaphore, #tpu.memory_space<semaphore_mem>>) {add = true}
      %add3A_185 = arith.constant 5 : i32
      %add3A_186 = arith.addi %add3A_173, %add3A_185 : i32
      %lt3A_187 = arith.constant 250 : i32
      %lt3A_188 = arith.cmpi slt, %add3A_186, %lt3A_187 : i32
      %convert_element_type3A_189 = arith.extui %lt3A_188 : i1 to i32
      %cond3A_190 = arith.constant 0 : i32
      %cond3A_191 = arith.cmpi ne, %convert_element_type3A_189, %cond3A_190 : i32
      scf.if %cond3A_191 {
        %dma_start3A_212 = arith.constant 0 : i32
        %dma_start3A_213 = tpu.memref_slice %arg7[%add3A_186, %dma_start3A_212] : memref<250x40xi32, #tpu.memory_space<vmem>> -> memref<1x40xi32, #tpu.memory_space<vmem>>
        %dma_start3A_214 = tpu.memref_squeeze %dma_start3A_213 : memref<1x40xi32, #tpu.memory_space<vmem>> -> memref<40xi32, #tpu.memory_space<vmem>>
        %dma_start3A_215 = arith.constant 0 : i32
        %dma_start3A_216 = arith.constant 0 : i32
        %dma_start3A_217 = tpu.memref_slice %arg2[%dma_start3A_215, %dma_start3A_216] : memref<10000x128xf32, #tpu.memory_space<hbm>> -> memref<10000x128xf32, #tpu.memory_space<hbm>>
        tpu.enqueue_indirect_dma source(%dma_start3A_217 : memref<10000x128xf32, #tpu.memory_space<hbm>>) target(%arg12 : memref<40x128xf32, #tpu.memory_space<vmem>>) offsets(%dma_start3A_214 : memref<40xi32, #tpu.memory_space<vmem>>) semaphore(%arg20 : memref<!tpu.dma_semaphore, #tpu.memory_space<semaphore_mem>>)
      } else {
      }
      %add3A_192 = arith.constant 4 : i32
      %add3A_193 = arith.addi %mul3A_113, %add3A_192 : i32
      %dma_wait3A_194 = arith.constant 0 : i32
      %dma_wait3A_195 = tpu.memref_slice %arg7[%add3A_193, %dma_wait3A_194] : memref<250x40xi32, #tpu.memory_space<vmem>> -> memref<1x40xi32, #tpu.memory_space<vmem>>
      %dma_wait3A_196 = tpu.memref_squeeze %dma_wait3A_195 : memref<1x40xi32, #tpu.memory_space<vmem>> -> memref<40xi32, #tpu.memory_space<vmem>>
      %dma_wait3A_197 = arith.constant 0 : i32
      %dma_wait3A_198 = arith.constant 0 : i32
      %dma_wait3A_199 = tpu.memref_slice %arg2[%dma_wait3A_197, %dma_wait3A_198] : memref<10000x128xf32, #tpu.memory_space<hbm>> -> memref<10000x128xf32, #tpu.memory_space<hbm>>
      tpu.wait_indirect_dma semaphore(%arg21 : memref<!tpu.dma_semaphore, #tpu.memory_space<semaphore_mem>>) src(%dma_wait3A_199 : memref<10000x128xf32, #tpu.memory_space<hbm>>) dst(%arg13 : memref<40x128xf32, #tpu.memory_space<vmem>>)
      "tpu.region"() ({
        %run_scoped3A_212 = tpu.sem_alloc : memref<!tpu.dma_semaphore, #tpu.memory_space<semaphore_mem>>
        %dma_start3A_213 = arith.constant 0 : i32
        %dma_start3A_214 = tpu.memref_slice %arg8[%add3A_193, %dma_start3A_213] : memref<250x40xi32, #tpu.memory_space<vmem>> -> memref<1x40xi32, #tpu.memory_space<vmem>>
        %dma_start3A_215 = tpu.memref_squeeze %dma_start3A_214 : memref<1x40xi32, #tpu.memory_space<vmem>> -> memref<40xi32, #tpu.memory_space<vmem>>
        %dma_start3A_216 = arith.constant 0 : i32
        %dma_start3A_217 = arith.constant 0 : i32
        %dma_start3A_218 = tpu.memref_slice %arg15[%dma_start3A_216, %dma_start3A_217] : memref<10000x128xf32, #tpu.memory_space<vmem_shared>> -> memref<10000x128xf32, #tpu.memory_space<vmem_shared>>
        tpu.enqueue_indirect_dma source(%arg13 : memref<40x128xf32, #tpu.memory_space<vmem>>) target(%dma_start3A_218 : memref<10000x128xf32, #tpu.memory_space<vmem_shared>>) offsets(%dma_start3A_215 : memref<40xi32, #tpu.memory_space<vmem>>) semaphore(%run_scoped3A_212 : memref<!tpu.dma_semaphore, #tpu.memory_space<semaphore_mem>>) {add = true}
        %dma_wait3A_219 = arith.constant 0 : i32
        %dma_wait3A_220 = tpu.memref_slice %arg8[%add3A_193, %dma_wait3A_219] : memref<250x40xi32, #tpu.memory_space<vmem>> -> memref<1x40xi32, #tpu.memory_space<vmem>>
        %dma_wait3A_221 = tpu.memref_squeeze %dma_wait3A_220 : memref<1x40xi32, #tpu.memory_space<vmem>> -> memref<40xi32, #tpu.memory_space<vmem>>
        %dma_wait3A_222 = arith.constant 0 : i32
        %dma_wait3A_223 = arith.constant 0 : i32
        %dma_wait3A_224 = tpu.memref_slice %arg15[%dma_wait3A_222, %dma_wait3A_223] : memref<10000x128xf32, #tpu.memory_space<vmem_shared>> -> memref<10000x128xf32, #tpu.memory_space<vmem_shared>>
        tpu.wait_indirect_dma semaphore(%run_scoped3A_212 : memref<!tpu.dma_semaphore, #tpu.memory_space<semaphore_mem>>) src(%arg13 : memref<40x128xf32, #tpu.memory_space<vmem>>) dst(%dma_wait3A_224 : memref<10000x128xf32, #tpu.memory_space<vmem_shared>>)
        tpu.yield
      }) : () -> ()
      %dma_start3A_200 = arith.constant 0 : i32
      %dma_start3A_201 = tpu.memref_slice %arg8[%add3A_193, %dma_start3A_200] : memref<250x40xi32, #tpu.memory_space<vmem>> -> memref<1x40xi32, #tpu.memory_space<vmem>>
      %dma_start3A_202 = tpu.memref_squeeze %dma_start3A_201 : memref<1x40xi32, #tpu.memory_space<vmem>> -> memref<40xi32, #tpu.memory_space<vmem>>
      %dma_start3A_203 = arith.constant 0 : i32
      %dma_start3A_204 = tpu.memref_slice %arg16[%dma_start3A_203] : memref<10000xf32, #tpu.memory_space<vmem_shared>> -> memref<10000xf32, #tpu.memory_space<vmem_shared>>
      tpu.enqueue_indirect_dma source(%arg14 : memref<40xf32, #tpu.memory_space<vmem>>) target(%dma_start3A_204 : memref<10000xf32, #tpu.memory_space<vmem_shared>>) offsets(%dma_start3A_202 : memref<40xi32, #tpu.memory_space<vmem>>) semaphore(%arg22 : memref<!tpu.dma_semaphore, #tpu.memory_space<semaphore_mem>>) {add = true}
      %add3A_205 = arith.constant 5 : i32
      %add3A_206 = arith.addi %add3A_193, %add3A_205 : i32
      %lt3A_207 = arith.constant 250 : i32
      %lt3A_208 = arith.cmpi slt, %add3A_206, %lt3A_207 : i32
      %convert_element_type3A_209 = arith.extui %lt3A_208 : i1 to i32
      %cond3A_210 = arith.constant 0 : i32
      %cond3A_211 = arith.cmpi ne, %convert_element_type3A_209, %cond3A_210 : i32
      scf.if %cond3A_211 {
        %dma_start3A_212 = arith.constant 0 : i32
        %dma_start3A_213 = tpu.memref_slice %arg7[%add3A_206, %dma_start3A_212] : memref<250x40xi32, #tpu.memory_space<vmem>> -> memref<1x40xi32, #tpu.memory_space<vmem>>
        %dma_start3A_214 = tpu.memref_squeeze %dma_start3A_213 : memref<1x40xi32, #tpu.memory_space<vmem>> -> memref<40xi32, #tpu.memory_space<vmem>>
        %dma_start3A_215 = arith.constant 0 : i32
        %dma_start3A_216 = arith.constant 0 : i32
        %dma_start3A_217 = tpu.memref_slice %arg2[%dma_start3A_215, %dma_start3A_216] : memref<10000x128xf32, #tpu.memory_space<hbm>> -> memref<10000x128xf32, #tpu.memory_space<hbm>>
        tpu.enqueue_indirect_dma source(%dma_start3A_217 : memref<10000x128xf32, #tpu.memory_space<hbm>>) target(%arg13 : memref<40x128xf32, #tpu.memory_space<vmem>>) offsets(%dma_start3A_214 : memref<40xi32, #tpu.memory_space<vmem>>) semaphore(%arg21 : memref<!tpu.dma_semaphore, #tpu.memory_space<semaphore_mem>>)
      } else {
      }
    }
    %scan3A_98 = arith.constant 50 : i32
    %scan3A_99 = arith.constant 0 : i32
    %scan3A_100 = arith.constant 0 : i32
    %scan3A_101 = arith.constant 250 : i32
    %scan3A_102 = arith.addi %scan3A_100, %scan3A_101 : i32
    %scan3A_103 = arith.constant 1 : i32
    scf.for %scan3A_111 = %scan3A_100 to %scan3A_102 step %scan3A_103  : i32 {
      %dma_wait3A = arith.constant 0 : i32
      %dma_wait3A_112 = arith.constant 0 : i32
      %dma_wait3A_113 = tpu.memref_slice %arg8[%dma_wait3A, %dma_wait3A_112] : memref<250x40xi32, #tpu.memory_space<vmem>> -> memref<1x40xi32, #tpu.memory_space<vmem>>
      %dma_wait3A_114 = tpu.memref_squeeze %dma_wait3A_113 : memref<1x40xi32, #tpu.memory_space<vmem>> -> memref<40xi32, #tpu.memory_space<vmem>>
      %dma_wait3A_115 = arith.constant 0 : i32
      %dma_wait3A_116 = tpu.memref_slice %arg16[%dma_wait3A_115] : memref<10000xf32, #tpu.memory_space<vmem_shared>> -> memref<10000xf32, #tpu.memory_space<vmem_shared>>
      tpu.wait_indirect_dma semaphore(%arg22 : memref<!tpu.dma_semaphore, #tpu.memory_space<semaphore_mem>>) src(%arg14 : memref<40xf32, #tpu.memory_space<vmem>>) dst(%dma_wait3A_116 : memref<10000xf32, #tpu.memory_space<vmem_shared>>)
    }
    %scan3A_104 = arith.constant 250 : i32
    %barrier3A_105 = arith.constant 0 : index
    tpu.barrier barrier_id(%barrier3A_105)
    "tpu.region"() ({
      %run_scoped3A_111 = tpu.sem_alloc : memref<!tpu.dma_semaphore, #tpu.memory_space<semaphore_mem>>
      %dma_start3A_112 = arith.constant 0 : i32
      %dma_start3A_113 = arith.constant 0 : i32
      %dma_start3A_114 = tpu.memref_slice %arg5[%add3A, %dma_start3A_112, %dma_start3A_113] : memref<32x625x128xf32, #tpu.memory_space<hbm>> -> memref<1x625x128xf32, #tpu.memory_space<hbm>>
      %dma_start3A_115 = tpu.memref_squeeze %dma_start3A_114 : memref<1x625x128xf32, #tpu.memory_space<hbm>> -> memref<625x128xf32, #tpu.memory_space<hbm>>
      %dma_start3A_116 = arith.constant 0 : i32
      %dma_start3A_117 = tpu.memref_slice %arg15[%mul3A_26, %dma_start3A_116] : memref<10000x128xf32, #tpu.memory_space<vmem_shared>> -> memref<625x128xf32, #tpu.memory_space<vmem_shared>>
      tpu.enqueue_dma source(%dma_start3A_117 : memref<625x128xf32, #tpu.memory_space<vmem_shared>>) target(%dma_start3A_115 : memref<625x128xf32, #tpu.memory_space<hbm>>) target_semaphore(%run_scoped3A_111 : memref<!tpu.dma_semaphore, #tpu.memory_space<semaphore_mem>>)
      %dma_wait3A = arith.constant 0 : i32
      %dma_wait3A_118 = arith.constant 0 : i32
      %dma_wait3A_119 = tpu.memref_slice %arg5[%add3A, %dma_wait3A, %dma_wait3A_118] : memref<32x625x128xf32, #tpu.memory_space<hbm>> -> memref<1x625x128xf32, #tpu.memory_space<hbm>>
      %dma_wait3A_120 = tpu.memref_squeeze %dma_wait3A_119 : memref<1x625x128xf32, #tpu.memory_space<hbm>> -> memref<625x128xf32, #tpu.memory_space<hbm>>
      %dma_wait3A_121 = arith.constant 0 : i32
      %dma_wait3A_122 = tpu.memref_slice %arg15[%mul3A_26, %dma_wait3A_121] : memref<10000x128xf32, #tpu.memory_space<vmem_shared>> -> memref<625x128xf32, #tpu.memory_space<vmem_shared>>
      tpu.wait_dma2 semaphore(%run_scoped3A_111 : memref<!tpu.dma_semaphore, #tpu.memory_space<semaphore_mem>>) src(%dma_wait3A_122 : memref<625x128xf32, #tpu.memory_space<vmem_shared>>) dst(%dma_wait3A_120 : memref<625x128xf32, #tpu.memory_space<hbm>>)
      tpu.yield
    }) : () -> ()
    %eq3A_106 = arith.constant 0 : i32
    %eq3A_107 = arith.cmpi eq, %arg1, %eq3A_106 : i32
    %convert_element_type3A_108 = arith.extui %eq3A_107 : i1 to i32
    %cond3A_109 = arith.constant 0 : i32
    %cond3A_110 = arith.cmpi ne, %convert_element_type3A_108, %cond3A_109 : i32
    scf.if %cond3A_110 {
      "tpu.region"() ({
        %run_scoped3A_111 = tpu.sem_alloc : memref<!tpu.dma_semaphore, #tpu.memory_space<semaphore_mem>>
        %dma_start3A_112 = arith.constant 0 : i32
        %dma_start3A_113 = tpu.memref_slice %arg6[%arg0, %dma_start3A_112] : memref<2x10000xf32, #tpu.memory_space<hbm>> -> memref<1x10000xf32, #tpu.memory_space<hbm>>
        %dma_start3A_114 = tpu.memref_squeeze %dma_start3A_113 : memref<1x10000xf32, #tpu.memory_space<hbm>> -> memref<10000xf32, #tpu.memory_space<hbm>>
        tpu.enqueue_dma source(%arg16 : memref<10000xf32, #tpu.memory_space<vmem_shared>>) target(%dma_start3A_114 : memref<10000xf32, #tpu.memory_space<hbm>>) target_semaphore(%run_scoped3A_111 : memref<!tpu.dma_semaphore, #tpu.memory_space<semaphore_mem>>)
        %dma_wait3A = arith.constant 0 : i32
        %dma_wait3A_115 = tpu.memref_slice %arg6[%arg0, %dma_wait3A] : memref<2x10000xf32, #tpu.memory_space<hbm>> -> memref<1x10000xf32, #tpu.memory_space<hbm>>
        %dma_wait3A_116 = tpu.memref_squeeze %dma_wait3A_115 : memref<1x10000xf32, #tpu.memory_space<hbm>> -> memref<10000xf32, #tpu.memory_space<hbm>>
        tpu.wait_dma2 semaphore(%run_scoped3A_111 : memref<!tpu.dma_semaphore, #tpu.memory_space<semaphore_mem>>) src(%arg16 : memref<10000xf32, #tpu.memory_space<vmem_shared>>) dst(%dma_wait3A_116 : memref<10000xf32, #tpu.memory_space<hbm>>)
        tpu.yield
      }) : () -> ()
    } else {
    }
    return
  }
}

#map = affine_map<(d0, d1) -> (0, 0)>
#map1 = affine_map<(d0, d1) -> (0, 0, 0, 0)>
#map2 = affine_map<(d0, d1) -> (0, 0, 0)>
module attributes {stable_mosaic.version = 14 : i64} {
  func.func @_sc_seg_sum_body(%arg0: i32, %arg1: i32, %arg2: memref<10000x128xf32, #tpu.memory_space<hbm>>, %arg3: memref<2x32x250x40xi32, #tpu.memory_space<hbm>>, %arg4: memref<32x625x128xf32, #tpu.memory_space<hbm>>, %arg5: memref<250x40xi32, #tpu.memory_space<vmem>>, %arg6: memref<250x40xi32, #tpu.memory_space<vmem>>, %arg7: memref<40x128xf32, #tpu.memory_space<vmem>>, %arg8: memref<40x128xf32, #tpu.memory_space<vmem>>, %arg9: memref<40x128xf32, #tpu.memory_space<vmem>>, %arg10: memref<40x128xf32, #tpu.memory_space<vmem>>, %arg11: memref<40x128xf32, #tpu.memory_space<vmem>>, %arg12: memref<10000x128xf32, #tpu.memory_space<vmem_shared>>, %arg13: memref<!tpu.dma_semaphore, #tpu.memory_space<semaphore_mem>>, %arg14: memref<!tpu.dma_semaphore, #tpu.memory_space<semaphore_mem>>, %arg15: memref<!tpu.dma_semaphore, #tpu.memory_space<semaphore_mem>>, %arg16: memref<!tpu.dma_semaphore, #tpu.memory_space<semaphore_mem>>, %arg17: memref<!tpu.dma_semaphore, #tpu.memory_space<semaphore_mem>>) attributes {dimension_semantics = [#tpu.dimension_semantics<core_parallel>, #tpu.dimension_semantics<subcore_parallel>], iteration_bounds = array<i64: 2, 16>, scalar_prefetch = 0 : i64, scratch_operands = 13 : i64, tpu.core_type = #tpu.core_type<sc_vector_subcore>, window_params = [{transform_indices = #map}, {transform_indices = #map1}, {transform_indices = #map2}]} {
    %mul3A = arith.constant 16 : i32
    %mul3A_0 = arith.muli %arg0, %mul3A : i32
    %add3A = arith.addi %mul3A_0, %arg1 : i32
    %run_scoped3A = arith.constant 0 : i32
    "tpu.region"() ({
      %run_scoped3A_82 = tpu.sem_alloc : memref<!tpu.dma_semaphore, #tpu.memory_space<semaphore_mem>>
      %dma_start3A_83 = arith.constant 0 : i32
      %dma_start3A_84 = arith.constant 0 : i32
      %dma_start3A_85 = tpu.memref_slice %arg3[%run_scoped3A, %add3A, %dma_start3A_83, %dma_start3A_84] : memref<2x32x250x40xi32, #tpu.memory_space<hbm>> -> memref<1x1x250x40xi32, #tpu.memory_space<hbm>>
      %dma_start3A_86 = tpu.memref_squeeze %dma_start3A_85 : memref<1x1x250x40xi32, #tpu.memory_space<hbm>> -> memref<250x40xi32, #tpu.memory_space<hbm>>
      %dma_start3A_87 = arith.constant 0 : i32
      %dma_start3A_88 = arith.constant 0 : i32
      %dma_start3A_89 = tpu.memref_slice %arg3[%run_scoped3A, %add3A, %dma_start3A_87, %dma_start3A_88] : memref<2x32x250x40xi32, #tpu.memory_space<hbm>> -> memref<1x1x250x40xi32, #tpu.memory_space<hbm>>
      %dma_start3A_90 = tpu.memref_squeeze %dma_start3A_89 : memref<1x1x250x40xi32, #tpu.memory_space<hbm>> -> memref<250x40xi32, #tpu.memory_space<hbm>>
      tpu.enqueue_dma source(%dma_start3A_90 : memref<250x40xi32, #tpu.memory_space<hbm>>) target(%arg5 : memref<250x40xi32, #tpu.memory_space<vmem>>) target_semaphore(%run_scoped3A_82 : memref<!tpu.dma_semaphore, #tpu.memory_space<semaphore_mem>>)
      %dma_wait3A = arith.constant 0 : i32
      %dma_wait3A_91 = arith.constant 0 : i32
      %dma_wait3A_92 = tpu.memref_slice %arg3[%run_scoped3A, %add3A, %dma_wait3A, %dma_wait3A_91] : memref<2x32x250x40xi32, #tpu.memory_space<hbm>> -> memref<1x1x250x40xi32, #tpu.memory_space<hbm>>
      %dma_wait3A_93 = tpu.memref_squeeze %dma_wait3A_92 : memref<1x1x250x40xi32, #tpu.memory_space<hbm>> -> memref<250x40xi32, #tpu.memory_space<hbm>>
      %dma_wait3A_94 = arith.constant 0 : i32
      %dma_wait3A_95 = arith.constant 0 : i32
      %dma_wait3A_96 = tpu.memref_slice %arg3[%run_scoped3A, %add3A, %dma_wait3A_94, %dma_wait3A_95] : memref<2x32x250x40xi32, #tpu.memory_space<hbm>> -> memref<1x1x250x40xi32, #tpu.memory_space<hbm>>
      %dma_wait3A_97 = tpu.memref_squeeze %dma_wait3A_96 : memref<1x1x250x40xi32, #tpu.memory_space<hbm>> -> memref<250x40xi32, #tpu.memory_space<hbm>>
      tpu.wait_dma2 semaphore(%run_scoped3A_82 : memref<!tpu.dma_semaphore, #tpu.memory_space<semaphore_mem>>) src(%dma_wait3A_97 : memref<250x40xi32, #tpu.memory_space<hbm>>) dst(%arg5 : memref<250x40xi32, #tpu.memory_space<vmem>>)
      tpu.yield
    }) : () -> ()
    %run_scoped3A_1 = arith.constant 1 : i32
    "tpu.region"() ({
      %run_scoped3A_82 = tpu.sem_alloc : memref<!tpu.dma_semaphore, #tpu.memory_space<semaphore_mem>>
      %dma_start3A_83 = arith.constant 0 : i32
      %dma_start3A_84 = arith.constant 0 : i32
      %dma_start3A_85 = tpu.memref_slice %arg3[%run_scoped3A_1, %add3A, %dma_start3A_83, %dma_start3A_84] : memref<2x32x250x40xi32, #tpu.memory_space<hbm>> -> memref<1x1x250x40xi32, #tpu.memory_space<hbm>>
      %dma_start3A_86 = tpu.memref_squeeze %dma_start3A_85 : memref<1x1x250x40xi32, #tpu.memory_space<hbm>> -> memref<250x40xi32, #tpu.memory_space<hbm>>
      %dma_start3A_87 = arith.constant 0 : i32
      %dma_start3A_88 = arith.constant 0 : i32
      %dma_start3A_89 = tpu.memref_slice %arg3[%run_scoped3A_1, %add3A, %dma_start3A_87, %dma_start3A_88] : memref<2x32x250x40xi32, #tpu.memory_space<hbm>> -> memref<1x1x250x40xi32, #tpu.memory_space<hbm>>
      %dma_start3A_90 = tpu.memref_squeeze %dma_start3A_89 : memref<1x1x250x40xi32, #tpu.memory_space<hbm>> -> memref<250x40xi32, #tpu.memory_space<hbm>>
      tpu.enqueue_dma source(%dma_start3A_90 : memref<250x40xi32, #tpu.memory_space<hbm>>) target(%arg6 : memref<250x40xi32, #tpu.memory_space<vmem>>) target_semaphore(%run_scoped3A_82 : memref<!tpu.dma_semaphore, #tpu.memory_space<semaphore_mem>>)
      %dma_wait3A = arith.constant 0 : i32
      %dma_wait3A_91 = arith.constant 0 : i32
      %dma_wait3A_92 = tpu.memref_slice %arg3[%run_scoped3A_1, %add3A, %dma_wait3A, %dma_wait3A_91] : memref<2x32x250x40xi32, #tpu.memory_space<hbm>> -> memref<1x1x250x40xi32, #tpu.memory_space<hbm>>
      %dma_wait3A_93 = tpu.memref_squeeze %dma_wait3A_92 : memref<1x1x250x40xi32, #tpu.memory_space<hbm>> -> memref<250x40xi32, #tpu.memory_space<hbm>>
      %dma_wait3A_94 = arith.constant 0 : i32
      %dma_wait3A_95 = arith.constant 0 : i32
      %dma_wait3A_96 = tpu.memref_slice %arg3[%run_scoped3A_1, %add3A, %dma_wait3A_94, %dma_wait3A_95] : memref<2x32x250x40xi32, #tpu.memory_space<hbm>> -> memref<1x1x250x40xi32, #tpu.memory_space<hbm>>
      %dma_wait3A_97 = tpu.memref_squeeze %dma_wait3A_96 : memref<1x1x250x40xi32, #tpu.memory_space<hbm>> -> memref<250x40xi32, #tpu.memory_space<hbm>>
      tpu.wait_dma2 semaphore(%run_scoped3A_82 : memref<!tpu.dma_semaphore, #tpu.memory_space<semaphore_mem>>) src(%dma_wait3A_97 : memref<250x40xi32, #tpu.memory_space<hbm>>) dst(%arg6 : memref<250x40xi32, #tpu.memory_space<vmem>>)
      tpu.yield
    }) : () -> ()
    %scan3A = arith.constant 0 : i32
    %scan3A_2 = arith.constant 0 : i32
    %scan3A_3 = arith.constant 40 : i32
    %scan3A_4 = arith.addi %scan3A_2, %scan3A_3 : i32
    %scan3A_5 = arith.constant 1 : i32
    scf.for %scan3A_82 = %scan3A_2 to %scan3A_4 step %scan3A_5  : i32 {
      %broadcast_in_dim3A = arith.constant 0.000000e+00 : f32
      %broadcast_in_dim3A_83 = vector.broadcast %broadcast_in_dim3A : f32 to vector<16xf32>
      %swap3A = arith.index_cast %scan3A_82 : i32 to index
      %swap3A_84 = arith.constant 0 : index
      %swap3A_85 = tpu.vector_load %arg7[%swap3A, %swap3A_84] {strides = array<i32>} : memref<40x128xf32, #tpu.memory_space<vmem>>, vector<1x16xf32>,
      %swap3A_86 = vector.shape_cast %swap3A_85 : vector<1x16xf32> to vector<16xf32>
      %swap3A_87 = vector.shape_cast %broadcast_in_dim3A_83 : vector<16xf32> to vector<1x16xf32>
      tpu.vector_store %arg7[%swap3A, %swap3A_84], %swap3A_87 {strides = array<i32>} : memref<40x128xf32, #tpu.memory_space<vmem>>, vector<1x16xf32>,
      %broadcast_in_dim3A_88 = arith.constant 0.000000e+00 : f32
      %broadcast_in_dim3A_89 = vector.broadcast %broadcast_in_dim3A_88 : f32 to vector<16xf32>
      %swap3A_90 = arith.index_cast %scan3A_82 : i32 to index
      %swap3A_91 = arith.constant 16 : index
      %swap3A_92 = tpu.vector_load %arg7[%swap3A_90, %swap3A_91] {strides = array<i32>} : memref<40x128xf32, #tpu.memory_space<vmem>>, vector<1x16xf32>,
      %swap3A_93 = vector.shape_cast %swap3A_92 : vector<1x16xf32> to vector<16xf32>
      %swap3A_94 = vector.shape_cast %broadcast_in_dim3A_89 : vector<16xf32> to vector<1x16xf32>
      tpu.vector_store %arg7[%swap3A_90, %swap3A_91], %swap3A_94 {strides = array<i32>} : memref<40x128xf32, #tpu.memory_space<vmem>>, vector<1x16xf32>,
      %broadcast_in_dim3A_95 = arith.constant 0.000000e+00 : f32
      %broadcast_in_dim3A_96 = vector.broadcast %broadcast_in_dim3A_95 : f32 to vector<16xf32>
      %swap3A_97 = arith.index_cast %scan3A_82 : i32 to index
      %swap3A_98 = arith.constant 32 : index
      %swap3A_99 = tpu.vector_load %arg7[%swap3A_97, %swap3A_98] {strides = array<i32>} : memref<40x128xf32, #tpu.memory_space<vmem>>, vector<1x16xf32>,
      %swap3A_100 = vector.shape_cast %swap3A_99 : vector<1x16xf32> to vector<16xf32>
      %swap3A_101 = vector.shape_cast %broadcast_in_dim3A_96 : vector<16xf32> to vector<1x16xf32>
      tpu.vector_store %arg7[%swap3A_97, %swap3A_98], %swap3A_101 {strides = array<i32>} : memref<40x128xf32, #tpu.memory_space<vmem>>, vector<1x16xf32>,
      %broadcast_in_dim3A_102 = arith.constant 0.000000e+00 : f32
      %broadcast_in_dim3A_103 = vector.broadcast %broadcast_in_dim3A_102 : f32 to vector<16xf32>
      %swap3A_104 = arith.index_cast %scan3A_82 : i32 to index
      %swap3A_105 = arith.constant 48 : index
      %swap3A_106 = tpu.vector_load %arg7[%swap3A_104, %swap3A_105] {strides = array<i32>} : memref<40x128xf32, #tpu.memory_space<vmem>>, vector<1x16xf32>,
      %swap3A_107 = vector.shape_cast %swap3A_106 : vector<1x16xf32> to vector<16xf32>
      %swap3A_108 = vector.shape_cast %broadcast_in_dim3A_103 : vector<16xf32> to vector<1x16xf32>
      tpu.vector_store %arg7[%swap3A_104, %swap3A_105], %swap3A_108 {strides = array<i32>} : memref<40x128xf32, #tpu.memory_space<vmem>>, vector<1x16xf32>,
      %broadcast_in_dim3A_109 = arith.constant 0.000000e+00 : f32
      %broadcast_in_dim3A_110 = vector.broadcast %broadcast_in_dim3A_109 : f32 to vector<16xf32>
      %swap3A_111 = arith.index_cast %scan3A_82 : i32 to index
      %swap3A_112 = arith.constant 64 : index
      %swap3A_113 = tpu.vector_load %arg7[%swap3A_111, %swap3A_112] {strides = array<i32>} : memref<40x128xf32, #tpu.memory_space<vmem>>, vector<1x16xf32>,
      %swap3A_114 = vector.shape_cast %swap3A_113 : vector<1x16xf32> to vector<16xf32>
      %swap3A_115 = vector.shape_cast %broadcast_in_dim3A_110 : vector<16xf32> to vector<1x16xf32>
      tpu.vector_store %arg7[%swap3A_111, %swap3A_112], %swap3A_115 {strides = array<i32>} : memref<40x128xf32, #tpu.memory_space<vmem>>, vector<1x16xf32>,
      %broadcast_in_dim3A_116 = arith.constant 0.000000e+00 : f32
      %broadcast_in_dim3A_117 = vector.broadcast %broadcast_in_dim3A_116 : f32 to vector<16xf32>
      %swap3A_118 = arith.index_cast %scan3A_82 : i32 to index
      %swap3A_119 = arith.constant 80 : index
      %swap3A_120 = tpu.vector_load %arg7[%swap3A_118, %swap3A_119] {strides = array<i32>} : memref<40x128xf32, #tpu.memory_space<vmem>>, vector<1x16xf32>,
      %swap3A_121 = vector.shape_cast %swap3A_120 : vector<1x16xf32> to vector<16xf32>
      %swap3A_122 = vector.shape_cast %broadcast_in_dim3A_117 : vector<16xf32> to vector<1x16xf32>
      tpu.vector_store %arg7[%swap3A_118, %swap3A_119], %swap3A_122 {strides = array<i32>} : memref<40x128xf32, #tpu.memory_space<vmem>>, vector<1x16xf32>,
      %broadcast_in_dim3A_123 = arith.constant 0.000000e+00 : f32
      %broadcast_in_dim3A_124 = vector.broadcast %broadcast_in_dim3A_123 : f32 to vector<16xf32>
      %swap3A_125 = arith.index_cast %scan3A_82 : i32 to index
      %swap3A_126 = arith.constant 96 : index
      %swap3A_127 = tpu.vector_load %arg7[%swap3A_125, %swap3A_126] {strides = array<i32>} : memref<40x128xf32, #tpu.memory_space<vmem>>, vector<1x16xf32>,
      %swap3A_128 = vector.shape_cast %swap3A_127 : vector<1x16xf32> to vector<16xf32>
      %swap3A_129 = vector.shape_cast %broadcast_in_dim3A_124 : vector<16xf32> to vector<1x16xf32>
      tpu.vector_store %arg7[%swap3A_125, %swap3A_126], %swap3A_129 {strides = array<i32>} : memref<40x128xf32, #tpu.memory_space<vmem>>, vector<1x16xf32>,
      %broadcast_in_dim3A_130 = arith.constant 0.000000e+00 : f32
      %broadcast_in_dim3A_131 = vector.broadcast %broadcast_in_dim3A_130 : f32 to vector<16xf32>
      %swap3A_132 = arith.index_cast %scan3A_82 : i32 to index
      %swap3A_133 = arith.constant 112 : index
      %swap3A_134 = tpu.vector_load %arg7[%swap3A_132, %swap3A_133] {strides = array<i32>} : memref<40x128xf32, #tpu.memory_space<vmem>>, vector<1x16xf32>,
      %swap3A_135 = vector.shape_cast %swap3A_134 : vector<1x16xf32> to vector<16xf32>
      %swap3A_136 = vector.shape_cast %broadcast_in_dim3A_131 : vector<16xf32> to vector<1x16xf32>
      tpu.vector_store %arg7[%swap3A_132, %swap3A_133], %swap3A_136 {strides = array<i32>} : memref<40x128xf32, #tpu.memory_space<vmem>>, vector<1x16xf32>,
    }
    %scan3A_6 = arith.constant 40 : i32
    %mul3A_7 = arith.constant 625 : i32
    %mul3A_8 = arith.muli %arg1, %mul3A_7 : i32
    %add3A_9 = arith.constant 0 : i32
    %add3A_10 = arith.addi %mul3A_8, %add3A_9 : i32
    "tpu.region"() ({
      %run_scoped3A_82 = tpu.sem_alloc : memref<!tpu.dma_semaphore, #tpu.memory_space<semaphore_mem>>
      %dma_start3A_83 = arith.constant 0 : i32
      %dma_start3A_84 = tpu.memref_slice %arg12[%add3A_10, %dma_start3A_83] : memref<10000x128xf32, #tpu.memory_space<vmem_shared>> -> memref<40x128xf32, #tpu.memory_space<vmem_shared>>
      %dma_start3A_85 = arith.constant 0 : i32
      %dma_start3A_86 = tpu.memref_slice %arg12[%add3A_10, %dma_start3A_85] : memref<10000x128xf32, #tpu.memory_space<vmem_shared>> -> memref<40x128xf32, #tpu.memory_space<vmem_shared>>
      tpu.enqueue_dma source(%arg7 : memref<40x128xf32, #tpu.memory_space<vmem>>) target(%dma_start3A_86 : memref<40x128xf32, #tpu.memory_space<vmem_shared>>) target_semaphore(%run_scoped3A_82 : memref<!tpu.dma_semaphore, #tpu.memory_space<semaphore_mem>>)
      %dma_wait3A = arith.constant 0 : i32
      %dma_wait3A_87 = tpu.memref_slice %arg12[%add3A_10, %dma_wait3A] : memref<10000x128xf32, #tpu.memory_space<vmem_shared>> -> memref<40x128xf32, #tpu.memory_space<vmem_shared>>
      %dma_wait3A_88 = arith.constant 0 : i32
      %dma_wait3A_89 = tpu.memref_slice %arg12[%add3A_10, %dma_wait3A_88] : memref<10000x128xf32, #tpu.memory_space<vmem_shared>> -> memref<40x128xf32, #tpu.memory_space<vmem_shared>>
      tpu.wait_dma2 semaphore(%run_scoped3A_82 : memref<!tpu.dma_semaphore, #tpu.memory_space<semaphore_mem>>) src(%arg7 : memref<40x128xf32, #tpu.memory_space<vmem>>) dst(%dma_wait3A_89 : memref<40x128xf32, #tpu.memory_space<vmem_shared>>)
      tpu.yield
    }) : () -> ()
    %add3A_11 = arith.constant 40 : i32
    %add3A_12 = arith.addi %mul3A_8, %add3A_11 : i32
    "tpu.region"() ({
      %run_scoped3A_82 = tpu.sem_alloc : memref<!tpu.dma_semaphore, #tpu.memory_space<semaphore_mem>>
      %dma_start3A_83 = arith.constant 0 : i32
      %dma_start3A_84 = tpu.memref_slice %arg12[%add3A_12, %dma_start3A_83] : memref<10000x128xf32, #tpu.memory_space<vmem_shared>> -> memref<40x128xf32, #tpu.memory_space<vmem_shared>>
      %dma_start3A_85 = arith.constant 0 : i32
      %dma_start3A_86 = tpu.memref_slice %arg12[%add3A_12, %dma_start3A_85] : memref<10000x128xf32, #tpu.memory_space<vmem_shared>> -> memref<40x128xf32, #tpu.memory_space<vmem_shared>>
      tpu.enqueue_dma source(%arg7 : memref<40x128xf32, #tpu.memory_space<vmem>>) target(%dma_start3A_86 : memref<40x128xf32, #tpu.memory_space<vmem_shared>>) target_semaphore(%run_scoped3A_82 : memref<!tpu.dma_semaphore, #tpu.memory_space<semaphore_mem>>)
      %dma_wait3A = arith.constant 0 : i32
      %dma_wait3A_87 = tpu.memref_slice %arg12[%add3A_12, %dma_wait3A] : memref<10000x128xf32, #tpu.memory_space<vmem_shared>> -> memref<40x128xf32, #tpu.memory_space<vmem_shared>>
      %dma_wait3A_88 = arith.constant 0 : i32
      %dma_wait3A_89 = tpu.memref_slice %arg12[%add3A_12, %dma_wait3A_88] : memref<10000x128xf32, #tpu.memory_space<vmem_shared>> -> memref<40x128xf32, #tpu.memory_space<vmem_shared>>
      tpu.wait_dma2 semaphore(%run_scoped3A_82 : memref<!tpu.dma_semaphore, #tpu.memory_space<semaphore_mem>>) src(%arg7 : memref<40x128xf32, #tpu.memory_space<vmem>>) dst(%dma_wait3A_89 : memref<40x128xf32, #tpu.memory_space<vmem_shared>>)
      tpu.yield
    }) : () -> ()
    %add3A_13 = arith.constant 80 : i32
    %add3A_14 = arith.addi %mul3A_8, %add3A_13 : i32
    "tpu.region"() ({
      %run_scoped3A_82 = tpu.sem_alloc : memref<!tpu.dma_semaphore, #tpu.memory_space<semaphore_mem>>
      %dma_start3A_83 = arith.constant 0 : i32
      %dma_start3A_84 = tpu.memref_slice %arg12[%add3A_14, %dma_start3A_83] : memref<10000x128xf32, #tpu.memory_space<vmem_shared>> -> memref<40x128xf32, #tpu.memory_space<vmem_shared>>
      %dma_start3A_85 = arith.constant 0 : i32
      %dma_start3A_86 = tpu.memref_slice %arg12[%add3A_14, %dma_start3A_85] : memref<10000x128xf32, #tpu.memory_space<vmem_shared>> -> memref<40x128xf32, #tpu.memory_space<vmem_shared>>
      tpu.enqueue_dma source(%arg7 : memref<40x128xf32, #tpu.memory_space<vmem>>) target(%dma_start3A_86 : memref<40x128xf32, #tpu.memory_space<vmem_shared>>) target_semaphore(%run_scoped3A_82 : memref<!tpu.dma_semaphore, #tpu.memory_space<semaphore_mem>>)
      %dma_wait3A = arith.constant 0 : i32
      %dma_wait3A_87 = tpu.memref_slice %arg12[%add3A_14, %dma_wait3A] : memref<10000x128xf32, #tpu.memory_space<vmem_shared>> -> memref<40x128xf32, #tpu.memory_space<vmem_shared>>
      %dma_wait3A_88 = arith.constant 0 : i32
      %dma_wait3A_89 = tpu.memref_slice %arg12[%add3A_14, %dma_wait3A_88] : memref<10000x128xf32, #tpu.memory_space<vmem_shared>> -> memref<40x128xf32, #tpu.memory_space<vmem_shared>>
      tpu.wait_dma2 semaphore(%run_scoped3A_82 : memref<!tpu.dma_semaphore, #tpu.memory_space<semaphore_mem>>) src(%arg7 : memref<40x128xf32, #tpu.memory_space<vmem>>) dst(%dma_wait3A_89 : memref<40x128xf32, #tpu.memory_space<vmem_shared>>)
      tpu.yield
    }) : () -> ()
    %add3A_15 = arith.constant 120 : i32
    %add3A_16 = arith.addi %mul3A_8, %add3A_15 : i32
    "tpu.region"() ({
      %run_scoped3A_82 = tpu.sem_alloc : memref<!tpu.dma_semaphore, #tpu.memory_space<semaphore_mem>>
      %dma_start3A_83 = arith.constant 0 : i32
      %dma_start3A_84 = tpu.memref_slice %arg12[%add3A_16, %dma_start3A_83] : memref<10000x128xf32, #tpu.memory_space<vmem_shared>> -> memref<40x128xf32, #tpu.memory_space<vmem_shared>>
      %dma_start3A_85 = arith.constant 0 : i32
      %dma_start3A_86 = tpu.memref_slice %arg12[%add3A_16, %dma_start3A_85] : memref<10000x128xf32, #tpu.memory_space<vmem_shared>> -> memref<40x128xf32, #tpu.memory_space<vmem_shared>>
      tpu.enqueue_dma source(%arg7 : memref<40x128xf32, #tpu.memory_space<vmem>>) target(%dma_start3A_86 : memref<40x128xf32, #tpu.memory_space<vmem_shared>>) target_semaphore(%run_scoped3A_82 : memref<!tpu.dma_semaphore, #tpu.memory_space<semaphore_mem>>)
      %dma_wait3A = arith.constant 0 : i32
      %dma_wait3A_87 = tpu.memref_slice %arg12[%add3A_16, %dma_wait3A] : memref<10000x128xf32, #tpu.memory_space<vmem_shared>> -> memref<40x128xf32, #tpu.memory_space<vmem_shared>>
      %dma_wait3A_88 = arith.constant 0 : i32
      %dma_wait3A_89 = tpu.memref_slice %arg12[%add3A_16, %dma_wait3A_88] : memref<10000x128xf32, #tpu.memory_space<vmem_shared>> -> memref<40x128xf32, #tpu.memory_space<vmem_shared>>
      tpu.wait_dma2 semaphore(%run_scoped3A_82 : memref<!tpu.dma_semaphore, #tpu.memory_space<semaphore_mem>>) src(%arg7 : memref<40x128xf32, #tpu.memory_space<vmem>>) dst(%dma_wait3A_89 : memref<40x128xf32, #tpu.memory_space<vmem_shared>>)
      tpu.yield
    }) : () -> ()
    %add3A_17 = arith.constant 160 : i32
    %add3A_18 = arith.addi %mul3A_8, %add3A_17 : i32
    "tpu.region"() ({
      %run_scoped3A_82 = tpu.sem_alloc : memref<!tpu.dma_semaphore, #tpu.memory_space<semaphore_mem>>
      %dma_start3A_83 = arith.constant 0 : i32
      %dma_start3A_84 = tpu.memref_slice %arg12[%add3A_18, %dma_start3A_83] : memref<10000x128xf32, #tpu.memory_space<vmem_shared>> -> memref<40x128xf32, #tpu.memory_space<vmem_shared>>
      %dma_start3A_85 = arith.constant 0 : i32
      %dma_start3A_86 = tpu.memref_slice %arg12[%add3A_18, %dma_start3A_85] : memref<10000x128xf32, #tpu.memory_space<vmem_shared>> -> memref<40x128xf32, #tpu.memory_space<vmem_shared>>
      tpu.enqueue_dma source(%arg7 : memref<40x128xf32, #tpu.memory_space<vmem>>) target(%dma_start3A_86 : memref<40x128xf32, #tpu.memory_space<vmem_shared>>) target_semaphore(%run_scoped3A_82 : memref<!tpu.dma_semaphore, #tpu.memory_space<semaphore_mem>>)
      %dma_wait3A = arith.constant 0 : i32
      %dma_wait3A_87 = tpu.memref_slice %arg12[%add3A_18, %dma_wait3A] : memref<10000x128xf32, #tpu.memory_space<vmem_shared>> -> memref<40x128xf32, #tpu.memory_space<vmem_shared>>
      %dma_wait3A_88 = arith.constant 0 : i32
      %dma_wait3A_89 = tpu.memref_slice %arg12[%add3A_18, %dma_wait3A_88] : memref<10000x128xf32, #tpu.memory_space<vmem_shared>> -> memref<40x128xf32, #tpu.memory_space<vmem_shared>>
      tpu.wait_dma2 semaphore(%run_scoped3A_82 : memref<!tpu.dma_semaphore, #tpu.memory_space<semaphore_mem>>) src(%arg7 : memref<40x128xf32, #tpu.memory_space<vmem>>) dst(%dma_wait3A_89 : memref<40x128xf32, #tpu.memory_space<vmem_shared>>)
      tpu.yield
    }) : () -> ()
    %add3A_19 = arith.constant 200 : i32
    %add3A_20 = arith.addi %mul3A_8, %add3A_19 : i32
    "tpu.region"() ({
      %run_scoped3A_82 = tpu.sem_alloc : memref<!tpu.dma_semaphore, #tpu.memory_space<semaphore_mem>>
      %dma_start3A_83 = arith.constant 0 : i32
      %dma_start3A_84 = tpu.memref_slice %arg12[%add3A_20, %dma_start3A_83] : memref<10000x128xf32, #tpu.memory_space<vmem_shared>> -> memref<40x128xf32, #tpu.memory_space<vmem_shared>>
      %dma_start3A_85 = arith.constant 0 : i32
      %dma_start3A_86 = tpu.memref_slice %arg12[%add3A_20, %dma_start3A_85] : memref<10000x128xf32, #tpu.memory_space<vmem_shared>> -> memref<40x128xf32, #tpu.memory_space<vmem_shared>>
      tpu.enqueue_dma source(%arg7 : memref<40x128xf32, #tpu.memory_space<vmem>>) target(%dma_start3A_86 : memref<40x128xf32, #tpu.memory_space<vmem_shared>>) target_semaphore(%run_scoped3A_82 : memref<!tpu.dma_semaphore, #tpu.memory_space<semaphore_mem>>)
      %dma_wait3A = arith.constant 0 : i32
      %dma_wait3A_87 = tpu.memref_slice %arg12[%add3A_20, %dma_wait3A] : memref<10000x128xf32, #tpu.memory_space<vmem_shared>> -> memref<40x128xf32, #tpu.memory_space<vmem_shared>>
      %dma_wait3A_88 = arith.constant 0 : i32
      %dma_wait3A_89 = tpu.memref_slice %arg12[%add3A_20, %dma_wait3A_88] : memref<10000x128xf32, #tpu.memory_space<vmem_shared>> -> memref<40x128xf32, #tpu.memory_space<vmem_shared>>
      tpu.wait_dma2 semaphore(%run_scoped3A_82 : memref<!tpu.dma_semaphore, #tpu.memory_space<semaphore_mem>>) src(%arg7 : memref<40x128xf32, #tpu.memory_space<vmem>>) dst(%dma_wait3A_89 : memref<40x128xf32, #tpu.memory_space<vmem_shared>>)
      tpu.yield
    }) : () -> ()
    %add3A_21 = arith.constant 240 : i32
    %add3A_22 = arith.addi %mul3A_8, %add3A_21 : i32
    "tpu.region"() ({
      %run_scoped3A_82 = tpu.sem_alloc : memref<!tpu.dma_semaphore, #tpu.memory_space<semaphore_mem>>
      %dma_start3A_83 = arith.constant 0 : i32
      %dma_start3A_84 = tpu.memref_slice %arg12[%add3A_22, %dma_start3A_83] : memref<10000x128xf32, #tpu.memory_space<vmem_shared>> -> memref<40x128xf32, #tpu.memory_space<vmem_shared>>
      %dma_start3A_85 = arith.constant 0 : i32
      %dma_start3A_86 = tpu.memref_slice %arg12[%add3A_22, %dma_start3A_85] : memref<10000x128xf32, #tpu.memory_space<vmem_shared>> -> memref<40x128xf32, #tpu.memory_space<vmem_shared>>
      tpu.enqueue_dma source(%arg7 : memref<40x128xf32, #tpu.memory_space<vmem>>) target(%dma_start3A_86 : memref<40x128xf32, #tpu.memory_space<vmem_shared>>) target_semaphore(%run_scoped3A_82 : memref<!tpu.dma_semaphore, #tpu.memory_space<semaphore_mem>>)
      %dma_wait3A = arith.constant 0 : i32
      %dma_wait3A_87 = tpu.memref_slice %arg12[%add3A_22, %dma_wait3A] : memref<10000x128xf32, #tpu.memory_space<vmem_shared>> -> memref<40x128xf32, #tpu.memory_space<vmem_shared>>
      %dma_wait3A_88 = arith.constant 0 : i32
      %dma_wait3A_89 = tpu.memref_slice %arg12[%add3A_22, %dma_wait3A_88] : memref<10000x128xf32, #tpu.memory_space<vmem_shared>> -> memref<40x128xf32, #tpu.memory_space<vmem_shared>>
      tpu.wait_dma2 semaphore(%run_scoped3A_82 : memref<!tpu.dma_semaphore, #tpu.memory_space<semaphore_mem>>) src(%arg7 : memref<40x128xf32, #tpu.memory_space<vmem>>) dst(%dma_wait3A_89 : memref<40x128xf32, #tpu.memory_space<vmem_shared>>)
      tpu.yield
    }) : () -> ()
    %add3A_23 = arith.constant 280 : i32
    %add3A_24 = arith.addi %mul3A_8, %add3A_23 : i32
    "tpu.region"() ({
      %run_scoped3A_82 = tpu.sem_alloc : memref<!tpu.dma_semaphore, #tpu.memory_space<semaphore_mem>>
      %dma_start3A_83 = arith.constant 0 : i32
      %dma_start3A_84 = tpu.memref_slice %arg12[%add3A_24, %dma_start3A_83] : memref<10000x128xf32, #tpu.memory_space<vmem_shared>> -> memref<40x128xf32, #tpu.memory_space<vmem_shared>>
      %dma_start3A_85 = arith.constant 0 : i32
      %dma_start3A_86 = tpu.memref_slice %arg12[%add3A_24, %dma_start3A_85] : memref<10000x128xf32, #tpu.memory_space<vmem_shared>> -> memref<40x128xf32, #tpu.memory_space<vmem_shared>>
      tpu.enqueue_dma source(%arg7 : memref<40x128xf32, #tpu.memory_space<vmem>>) target(%dma_start3A_86 : memref<40x128xf32, #tpu.memory_space<vmem_shared>>) target_semaphore(%run_scoped3A_82 : memref<!tpu.dma_semaphore, #tpu.memory_space<semaphore_mem>>)
      %dma_wait3A = arith.constant 0 : i32
      %dma_wait3A_87 = tpu.memref_slice %arg12[%add3A_24, %dma_wait3A] : memref<10000x128xf32, #tpu.memory_space<vmem_shared>> -> memref<40x128xf32, #tpu.memory_space<vmem_shared>>
      %dma_wait3A_88 = arith.constant 0 : i32
      %dma_wait3A_89 = tpu.memref_slice %arg12[%add3A_24, %dma_wait3A_88] : memref<10000x128xf32, #tpu.memory_space<vmem_shared>> -> memref<40x128xf32, #tpu.memory_space<vmem_shared>>
      tpu.wait_dma2 semaphore(%run_scoped3A_82 : memref<!tpu.dma_semaphore, #tpu.memory_space<semaphore_mem>>) src(%arg7 : memref<40x128xf32, #tpu.memory_space<vmem>>) dst(%dma_wait3A_89 : memref<40x128xf32, #tpu.memory_space<vmem_shared>>)
      tpu.yield
    }) : () -> ()
    %add3A_25 = arith.constant 320 : i32
    %add3A_26 = arith.addi %mul3A_8, %add3A_25 : i32
    "tpu.region"() ({
      %run_scoped3A_82 = tpu.sem_alloc : memref<!tpu.dma_semaphore, #tpu.memory_space<semaphore_mem>>
      %dma_start3A_83 = arith.constant 0 : i32
      %dma_start3A_84 = tpu.memref_slice %arg12[%add3A_26, %dma_start3A_83] : memref<10000x128xf32, #tpu.memory_space<vmem_shared>> -> memref<40x128xf32, #tpu.memory_space<vmem_shared>>
      %dma_start3A_85 = arith.constant 0 : i32
      %dma_start3A_86 = tpu.memref_slice %arg12[%add3A_26, %dma_start3A_85] : memref<10000x128xf32, #tpu.memory_space<vmem_shared>> -> memref<40x128xf32, #tpu.memory_space<vmem_shared>>
      tpu.enqueue_dma source(%arg7 : memref<40x128xf32, #tpu.memory_space<vmem>>) target(%dma_start3A_86 : memref<40x128xf32, #tpu.memory_space<vmem_shared>>) target_semaphore(%run_scoped3A_82 : memref<!tpu.dma_semaphore, #tpu.memory_space<semaphore_mem>>)
      %dma_wait3A = arith.constant 0 : i32
      %dma_wait3A_87 = tpu.memref_slice %arg12[%add3A_26, %dma_wait3A] : memref<10000x128xf32, #tpu.memory_space<vmem_shared>> -> memref<40x128xf32, #tpu.memory_space<vmem_shared>>
      %dma_wait3A_88 = arith.constant 0 : i32
      %dma_wait3A_89 = tpu.memref_slice %arg12[%add3A_26, %dma_wait3A_88] : memref<10000x128xf32, #tpu.memory_space<vmem_shared>> -> memref<40x128xf32, #tpu.memory_space<vmem_shared>>
      tpu.wait_dma2 semaphore(%run_scoped3A_82 : memref<!tpu.dma_semaphore, #tpu.memory_space<semaphore_mem>>) src(%arg7 : memref<40x128xf32, #tpu.memory_space<vmem>>) dst(%dma_wait3A_89 : memref<40x128xf32, #tpu.memory_space<vmem_shared>>)
      tpu.yield
    }) : () -> ()
    %add3A_27 = arith.constant 360 : i32
    %add3A_28 = arith.addi %mul3A_8, %add3A_27 : i32
    "tpu.region"() ({
      %run_scoped3A_82 = tpu.sem_alloc : memref<!tpu.dma_semaphore, #tpu.memory_space<semaphore_mem>>
      %dma_start3A_83 = arith.constant 0 : i32
      %dma_start3A_84 = tpu.memref_slice %arg12[%add3A_28, %dma_start3A_83] : memref<10000x128xf32, #tpu.memory_space<vmem_shared>> -> memref<40x128xf32, #tpu.memory_space<vmem_shared>>
      %dma_start3A_85 = arith.constant 0 : i32
      %dma_start3A_86 = tpu.memref_slice %arg12[%add3A_28, %dma_start3A_85] : memref<10000x128xf32, #tpu.memory_space<vmem_shared>> -> memref<40x128xf32, #tpu.memory_space<vmem_shared>>
      tpu.enqueue_dma source(%arg7 : memref<40x128xf32, #tpu.memory_space<vmem>>) target(%dma_start3A_86 : memref<40x128xf32, #tpu.memory_space<vmem_shared>>) target_semaphore(%run_scoped3A_82 : memref<!tpu.dma_semaphore, #tpu.memory_space<semaphore_mem>>)
      %dma_wait3A = arith.constant 0 : i32
      %dma_wait3A_87 = tpu.memref_slice %arg12[%add3A_28, %dma_wait3A] : memref<10000x128xf32, #tpu.memory_space<vmem_shared>> -> memref<40x128xf32, #tpu.memory_space<vmem_shared>>
      %dma_wait3A_88 = arith.constant 0 : i32
      %dma_wait3A_89 = tpu.memref_slice %arg12[%add3A_28, %dma_wait3A_88] : memref<10000x128xf32, #tpu.memory_space<vmem_shared>> -> memref<40x128xf32, #tpu.memory_space<vmem_shared>>
      tpu.wait_dma2 semaphore(%run_scoped3A_82 : memref<!tpu.dma_semaphore, #tpu.memory_space<semaphore_mem>>) src(%arg7 : memref<40x128xf32, #tpu.memory_space<vmem>>) dst(%dma_wait3A_89 : memref<40x128xf32, #tpu.memory_space<vmem_shared>>)
      tpu.yield
    }) : () -> ()
    %add3A_29 = arith.constant 400 : i32
    %add3A_30 = arith.addi %mul3A_8, %add3A_29 : i32
    "tpu.region"() ({
      %run_scoped3A_82 = tpu.sem_alloc : memref<!tpu.dma_semaphore, #tpu.memory_space<semaphore_mem>>
      %dma_start3A_83 = arith.constant 0 : i32
      %dma_start3A_84 = tpu.memref_slice %arg12[%add3A_30, %dma_start3A_83] : memref<10000x128xf32, #tpu.memory_space<vmem_shared>> -> memref<40x128xf32, #tpu.memory_space<vmem_shared>>
      %dma_start3A_85 = arith.constant 0 : i32
      %dma_start3A_86 = tpu.memref_slice %arg12[%add3A_30, %dma_start3A_85] : memref<10000x128xf32, #tpu.memory_space<vmem_shared>> -> memref<40x128xf32, #tpu.memory_space<vmem_shared>>
      tpu.enqueue_dma source(%arg7 : memref<40x128xf32, #tpu.memory_space<vmem>>) target(%dma_start3A_86 : memref<40x128xf32, #tpu.memory_space<vmem_shared>>) target_semaphore(%run_scoped3A_82 : memref<!tpu.dma_semaphore, #tpu.memory_space<semaphore_mem>>)
      %dma_wait3A = arith.constant 0 : i32
      %dma_wait3A_87 = tpu.memref_slice %arg12[%add3A_30, %dma_wait3A] : memref<10000x128xf32, #tpu.memory_space<vmem_shared>> -> memref<40x128xf32, #tpu.memory_space<vmem_shared>>
      %dma_wait3A_88 = arith.constant 0 : i32
      %dma_wait3A_89 = tpu.memref_slice %arg12[%add3A_30, %dma_wait3A_88] : memref<10000x128xf32, #tpu.memory_space<vmem_shared>> -> memref<40x128xf32, #tpu.memory_space<vmem_shared>>
      tpu.wait_dma2 semaphore(%run_scoped3A_82 : memref<!tpu.dma_semaphore, #tpu.memory_space<semaphore_mem>>) src(%arg7 : memref<40x128xf32, #tpu.memory_space<vmem>>) dst(%dma_wait3A_89 : memref<40x128xf32, #tpu.memory_space<vmem_shared>>)
      tpu.yield
    }) : () -> ()
    %add3A_31 = arith.constant 440 : i32
    %add3A_32 = arith.addi %mul3A_8, %add3A_31 : i32
    "tpu.region"() ({
      %run_scoped3A_82 = tpu.sem_alloc : memref<!tpu.dma_semaphore, #tpu.memory_space<semaphore_mem>>
      %dma_start3A_83 = arith.constant 0 : i32
      %dma_start3A_84 = tpu.memref_slice %arg12[%add3A_32, %dma_start3A_83] : memref<10000x128xf32, #tpu.memory_space<vmem_shared>> -> memref<40x128xf32, #tpu.memory_space<vmem_shared>>
      %dma_start3A_85 = arith.constant 0 : i32
      %dma_start3A_86 = tpu.memref_slice %arg12[%add3A_32, %dma_start3A_85] : memref<10000x128xf32, #tpu.memory_space<vmem_shared>> -> memref<40x128xf32, #tpu.memory_space<vmem_shared>>
      tpu.enqueue_dma source(%arg7 : memref<40x128xf32, #tpu.memory_space<vmem>>) target(%dma_start3A_86 : memref<40x128xf32, #tpu.memory_space<vmem_shared>>) target_semaphore(%run_scoped3A_82 : memref<!tpu.dma_semaphore, #tpu.memory_space<semaphore_mem>>)
      %dma_wait3A = arith.constant 0 : i32
      %dma_wait3A_87 = tpu.memref_slice %arg12[%add3A_32, %dma_wait3A] : memref<10000x128xf32, #tpu.memory_space<vmem_shared>> -> memref<40x128xf32, #tpu.memory_space<vmem_shared>>
      %dma_wait3A_88 = arith.constant 0 : i32
      %dma_wait3A_89 = tpu.memref_slice %arg12[%add3A_32, %dma_wait3A_88] : memref<10000x128xf32, #tpu.memory_space<vmem_shared>> -> memref<40x128xf32, #tpu.memory_space<vmem_shared>>
      tpu.wait_dma2 semaphore(%run_scoped3A_82 : memref<!tpu.dma_semaphore, #tpu.memory_space<semaphore_mem>>) src(%arg7 : memref<40x128xf32, #tpu.memory_space<vmem>>) dst(%dma_wait3A_89 : memref<40x128xf32, #tpu.memory_space<vmem_shared>>)
      tpu.yield
    }) : () -> ()
    %add3A_33 = arith.constant 480 : i32
    %add3A_34 = arith.addi %mul3A_8, %add3A_33 : i32
    "tpu.region"() ({
      %run_scoped3A_82 = tpu.sem_alloc : memref<!tpu.dma_semaphore, #tpu.memory_space<semaphore_mem>>
      %dma_start3A_83 = arith.constant 0 : i32
      %dma_start3A_84 = tpu.memref_slice %arg12[%add3A_34, %dma_start3A_83] : memref<10000x128xf32, #tpu.memory_space<vmem_shared>> -> memref<40x128xf32, #tpu.memory_space<vmem_shared>>
      %dma_start3A_85 = arith.constant 0 : i32
      %dma_start3A_86 = tpu.memref_slice %arg12[%add3A_34, %dma_start3A_85] : memref<10000x128xf32, #tpu.memory_space<vmem_shared>> -> memref<40x128xf32, #tpu.memory_space<vmem_shared>>
      tpu.enqueue_dma source(%arg7 : memref<40x128xf32, #tpu.memory_space<vmem>>) target(%dma_start3A_86 : memref<40x128xf32, #tpu.memory_space<vmem_shared>>) target_semaphore(%run_scoped3A_82 : memref<!tpu.dma_semaphore, #tpu.memory_space<semaphore_mem>>)
      %dma_wait3A = arith.constant 0 : i32
      %dma_wait3A_87 = tpu.memref_slice %arg12[%add3A_34, %dma_wait3A] : memref<10000x128xf32, #tpu.memory_space<vmem_shared>> -> memref<40x128xf32, #tpu.memory_space<vmem_shared>>
      %dma_wait3A_88 = arith.constant 0 : i32
      %dma_wait3A_89 = tpu.memref_slice %arg12[%add3A_34, %dma_wait3A_88] : memref<10000x128xf32, #tpu.memory_space<vmem_shared>> -> memref<40x128xf32, #tpu.memory_space<vmem_shared>>
      tpu.wait_dma2 semaphore(%run_scoped3A_82 : memref<!tpu.dma_semaphore, #tpu.memory_space<semaphore_mem>>) src(%arg7 : memref<40x128xf32, #tpu.memory_space<vmem>>) dst(%dma_wait3A_89 : memref<40x128xf32, #tpu.memory_space<vmem_shared>>)
      tpu.yield
    }) : () -> ()
    %add3A_35 = arith.constant 520 : i32
    %add3A_36 = arith.addi %mul3A_8, %add3A_35 : i32
    "tpu.region"() ({
      %run_scoped3A_82 = tpu.sem_alloc : memref<!tpu.dma_semaphore, #tpu.memory_space<semaphore_mem>>
      %dma_start3A_83 = arith.constant 0 : i32
      %dma_start3A_84 = tpu.memref_slice %arg12[%add3A_36, %dma_start3A_83] : memref<10000x128xf32, #tpu.memory_space<vmem_shared>> -> memref<40x128xf32, #tpu.memory_space<vmem_shared>>
      %dma_start3A_85 = arith.constant 0 : i32
      %dma_start3A_86 = tpu.memref_slice %arg12[%add3A_36, %dma_start3A_85] : memref<10000x128xf32, #tpu.memory_space<vmem_shared>> -> memref<40x128xf32, #tpu.memory_space<vmem_shared>>
      tpu.enqueue_dma source(%arg7 : memref<40x128xf32, #tpu.memory_space<vmem>>) target(%dma_start3A_86 : memref<40x128xf32, #tpu.memory_space<vmem_shared>>) target_semaphore(%run_scoped3A_82 : memref<!tpu.dma_semaphore, #tpu.memory_space<semaphore_mem>>)
      %dma_wait3A = arith.constant 0 : i32
      %dma_wait3A_87 = tpu.memref_slice %arg12[%add3A_36, %dma_wait3A] : memref<10000x128xf32, #tpu.memory_space<vmem_shared>> -> memref<40x128xf32, #tpu.memory_space<vmem_shared>>
      %dma_wait3A_88 = arith.constant 0 : i32
      %dma_wait3A_89 = tpu.memref_slice %arg12[%add3A_36, %dma_wait3A_88] : memref<10000x128xf32, #tpu.memory_space<vmem_shared>> -> memref<40x128xf32, #tpu.memory_space<vmem_shared>>
      tpu.wait_dma2 semaphore(%run_scoped3A_82 : memref<!tpu.dma_semaphore, #tpu.memory_space<semaphore_mem>>) src(%arg7 : memref<40x128xf32, #tpu.memory_space<vmem>>) dst(%dma_wait3A_89 : memref<40x128xf32, #tpu.memory_space<vmem_shared>>)
      tpu.yield
    }) : () -> ()
    %add3A_37 = arith.constant 560 : i32
    %add3A_38 = arith.addi %mul3A_8, %add3A_37 : i32
    "tpu.region"() ({
      %run_scoped3A_82 = tpu.sem_alloc : memref<!tpu.dma_semaphore, #tpu.memory_space<semaphore_mem>>
      %dma_start3A_83 = arith.constant 0 : i32
      %dma_start3A_84 = tpu.memref_slice %arg12[%add3A_38, %dma_start3A_83] : memref<10000x128xf32, #tpu.memory_space<vmem_shared>> -> memref<40x128xf32, #tpu.memory_space<vmem_shared>>
      %dma_start3A_85 = arith.constant 0 : i32
      %dma_start3A_86 = tpu.memref_slice %arg12[%add3A_38, %dma_start3A_85] : memref<10000x128xf32, #tpu.memory_space<vmem_shared>> -> memref<40x128xf32, #tpu.memory_space<vmem_shared>>
      tpu.enqueue_dma source(%arg7 : memref<40x128xf32, #tpu.memory_space<vmem>>) target(%dma_start3A_86 : memref<40x128xf32, #tpu.memory_space<vmem_shared>>) target_semaphore(%run_scoped3A_82 : memref<!tpu.dma_semaphore, #tpu.memory_space<semaphore_mem>>)
      %dma_wait3A = arith.constant 0 : i32
      %dma_wait3A_87 = tpu.memref_slice %arg12[%add3A_38, %dma_wait3A] : memref<10000x128xf32, #tpu.memory_space<vmem_shared>> -> memref<40x128xf32, #tpu.memory_space<vmem_shared>>
      %dma_wait3A_88 = arith.constant 0 : i32
      %dma_wait3A_89 = tpu.memref_slice %arg12[%add3A_38, %dma_wait3A_88] : memref<10000x128xf32, #tpu.memory_space<vmem_shared>> -> memref<40x128xf32, #tpu.memory_space<vmem_shared>>
      tpu.wait_dma2 semaphore(%run_scoped3A_82 : memref<!tpu.dma_semaphore, #tpu.memory_space<semaphore_mem>>) src(%arg7 : memref<40x128xf32, #tpu.memory_space<vmem>>) dst(%dma_wait3A_89 : memref<40x128xf32, #tpu.memory_space<vmem_shared>>)
      tpu.yield
    }) : () -> ()
    %add3A_39 = arith.constant 600 : i32
    %add3A_40 = arith.addi %mul3A_8, %add3A_39 : i32
    "tpu.region"() ({
      %run_scoped3A_82 = tpu.sem_alloc : memref<!tpu.dma_semaphore, #tpu.memory_space<semaphore_mem>>
      %dma_start3A_83 = arith.constant 0 : i32
      %dma_start3A_84 = arith.constant 0 : i32
      %dma_start3A_85 = tpu.memref_slice %arg7[%dma_start3A_83, %dma_start3A_84] : memref<40x128xf32, #tpu.memory_space<vmem>> -> memref<25x128xf32, #tpu.memory_space<vmem>>
      %dma_start3A_86 = arith.constant 0 : i32
      %dma_start3A_87 = tpu.memref_slice %arg12[%add3A_40, %dma_start3A_86] : memref<10000x128xf32, #tpu.memory_space<vmem_shared>> -> memref<25x128xf32, #tpu.memory_space<vmem_shared>>
      %dma_start3A_88 = arith.constant 0 : i32
      %dma_start3A_89 = tpu.memref_slice %arg12[%add3A_40, %dma_start3A_88] : memref<10000x128xf32, #tpu.memory_space<vmem_shared>> -> memref<25x128xf32, #tpu.memory_space<vmem_shared>>
      %dma_start3A_90 = arith.constant 0 : i32
      %dma_start3A_91 = arith.constant 0 : i32
      %dma_start3A_92 = tpu.memref_slice %arg7[%dma_start3A_90, %dma_start3A_91] : memref<40x128xf32, #tpu.memory_space<vmem>> -> memref<25x128xf32, #tpu.memory_space<vmem>>
      tpu.enqueue_dma source(%dma_start3A_92 : memref<25x128xf32, #tpu.memory_space<vmem>>) target(%dma_start3A_89 : memref<25x128xf32, #tpu.memory_space<vmem_shared>>) target_semaphore(%run_scoped3A_82 : memref<!tpu.dma_semaphore, #tpu.memory_space<semaphore_mem>>)
      %dma_wait3A = arith.constant 0 : i32
      %dma_wait3A_93 = arith.constant 0 : i32
      %dma_wait3A_94 = tpu.memref_slice %arg7[%dma_wait3A, %dma_wait3A_93] : memref<40x128xf32, #tpu.memory_space<vmem>> -> memref<25x128xf32, #tpu.memory_space<vmem>>
      %dma_wait3A_95 = arith.constant 0 : i32
      %dma_wait3A_96 = tpu.memref_slice %arg12[%add3A_40, %dma_wait3A_95] : memref<10000x128xf32, #tpu.memory_space<vmem_shared>> -> memref<25x128xf32, #tpu.memory_space<vmem_shared>>
      %dma_wait3A_97 = arith.constant 0 : i32
      %dma_wait3A_98 = tpu.memref_slice %arg12[%add3A_40, %dma_wait3A_97] : memref<10000x128xf32, #tpu.memory_space<vmem_shared>> -> memref<25x128xf32, #tpu.memory_space<vmem_shared>>
      %dma_wait3A_99 = arith.constant 0 : i32
      %dma_wait3A_100 = arith.constant 0 : i32
      %dma_wait3A_101 = tpu.memref_slice %arg7[%dma_wait3A_99, %dma_wait3A_100] : memref<40x128xf32, #tpu.memory_space<vmem>> -> memref<25x128xf32, #tpu.memory_space<vmem>>
      tpu.wait_dma2 semaphore(%run_scoped3A_82 : memref<!tpu.dma_semaphore, #tpu.memory_space<semaphore_mem>>) src(%dma_wait3A_101 : memref<25x128xf32, #tpu.memory_space<vmem>>) dst(%dma_wait3A_98 : memref<25x128xf32, #tpu.memory_space<vmem_shared>>)
      tpu.yield
    }) : () -> ()
    %barrier3A = arith.constant 0 : index
    tpu.barrier barrier_id(%barrier3A)
    %dma_start3A = arith.constant 0 : i32
    %dma_start3A_41 = arith.constant 0 : i32
    %dma_start3A_42 = tpu.memref_slice %arg5[%dma_start3A, %dma_start3A_41] : memref<250x40xi32, #tpu.memory_space<vmem>> -> memref<1x40xi32, #tpu.memory_space<vmem>>
    %dma_start3A_43 = tpu.memref_squeeze %dma_start3A_42 : memref<1x40xi32, #tpu.memory_space<vmem>> -> memref<40xi32, #tpu.memory_space<vmem>>
    %dma_start3A_44 = arith.constant 0 : i32
    %dma_start3A_45 = arith.constant 0 : i32
    %dma_start3A_46 = tpu.memref_slice %arg2[%dma_start3A_44, %dma_start3A_45] : memref<10000x128xf32, #tpu.memory_space<hbm>> -> memref<10000x128xf32, #tpu.memory_space<hbm>>
    tpu.enqueue_indirect_dma source(%dma_start3A_46 : memref<10000x128xf32, #tpu.memory_space<hbm>>) target(%arg7 : memref<40x128xf32, #tpu.memory_space<vmem>>) offsets(%dma_start3A_43 : memref<40xi32, #tpu.memory_space<vmem>>) semaphore(%arg13 : memref<!tpu.dma_semaphore, #tpu.memory_space<semaphore_mem>>)
    %dma_start3A_47 = arith.constant 1 : i32
    %dma_start3A_48 = arith.constant 0 : i32
    %dma_start3A_49 = tpu.memref_slice %arg5[%dma_start3A_47, %dma_start3A_48] : memref<250x40xi32, #tpu.memory_space<vmem>> -> memref<1x40xi32, #tpu.memory_space<vmem>>
    %dma_start3A_50 = tpu.memref_squeeze %dma_start3A_49 : memref<1x40xi32, #tpu.memory_space<vmem>> -> memref<40xi32, #tpu.memory_space<vmem>>
    %dma_start3A_51 = arith.constant 0 : i32
    %dma_start3A_52 = arith.constant 0 : i32
    %dma_start3A_53 = tpu.memref_slice %arg2[%dma_start3A_51, %dma_start3A_52] : memref<10000x128xf32, #tpu.memory_space<hbm>> -> memref<10000x128xf32, #tpu.memory_space<hbm>>
    tpu.enqueue_indirect_dma source(%dma_start3A_53 : memref<10000x128xf32, #tpu.memory_space<hbm>>) target(%arg8 : memref<40x128xf32, #tpu.memory_space<vmem>>) offsets(%dma_start3A_50 : memref<40xi32, #tpu.memory_space<vmem>>) semaphore(%arg14 : memref<!tpu.dma_semaphore, #tpu.memory_space<semaphore_mem>>)
    %dma_start3A_54 = arith.constant 2 : i32
    %dma_start3A_55 = arith.constant 0 : i32
    %dma_start3A_56 = tpu.memref_slice %arg5[%dma_start3A_54, %dma_start3A_55] : memref<250x40xi32, #tpu.memory_space<vmem>> -> memref<1x40xi32, #tpu.memory_space<vmem>>
    %dma_start3A_57 = tpu.memref_squeeze %dma_start3A_56 : memref<1x40xi32, #tpu.memory_space<vmem>> -> memref<40xi32, #tpu.memory_space<vmem>>
    %dma_start3A_58 = arith.constant 0 : i32
    %dma_start3A_59 = arith.constant 0 : i32
    %dma_start3A_60 = tpu.memref_slice %arg2[%dma_start3A_58, %dma_start3A_59] : memref<10000x128xf32, #tpu.memory_space<hbm>> -> memref<10000x128xf32, #tpu.memory_space<hbm>>
    tpu.enqueue_indirect_dma source(%dma_start3A_60 : memref<10000x128xf32, #tpu.memory_space<hbm>>) target(%arg9 : memref<40x128xf32, #tpu.memory_space<vmem>>) offsets(%dma_start3A_57 : memref<40xi32, #tpu.memory_space<vmem>>) semaphore(%arg15 : memref<!tpu.dma_semaphore, #tpu.memory_space<semaphore_mem>>)
    %dma_start3A_61 = arith.constant 3 : i32
    %dma_start3A_62 = arith.constant 0 : i32
    %dma_start3A_63 = tpu.memref_slice %arg5[%dma_start3A_61, %dma_start3A_62] : memref<250x40xi32, #tpu.memory_space<vmem>> -> memref<1x40xi32, #tpu.memory_space<vmem>>
    %dma_start3A_64 = tpu.memref_squeeze %dma_start3A_63 : memref<1x40xi32, #tpu.memory_space<vmem>> -> memref<40xi32, #tpu.memory_space<vmem>>
    %dma_start3A_65 = arith.constant 0 : i32
    %dma_start3A_66 = arith.constant 0 : i32
    %dma_start3A_67 = tpu.memref_slice %arg2[%dma_start3A_65, %dma_start3A_66] : memref<10000x128xf32, #tpu.memory_space<hbm>> -> memref<10000x128xf32, #tpu.memory_space<hbm>>
    tpu.enqueue_indirect_dma source(%dma_start3A_67 : memref<10000x128xf32, #tpu.memory_space<hbm>>) target(%arg10 : memref<40x128xf32, #tpu.memory_space<vmem>>) offsets(%dma_start3A_64 : memref<40xi32, #tpu.memory_space<vmem>>) semaphore(%arg16 : memref<!tpu.dma_semaphore, #tpu.memory_space<semaphore_mem>>)
    %dma_start3A_68 = arith.constant 4 : i32
    %dma_start3A_69 = arith.constant 0 : i32
    %dma_start3A_70 = tpu.memref_slice %arg5[%dma_start3A_68, %dma_start3A_69] : memref<250x40xi32, #tpu.memory_space<vmem>> -> memref<1x40xi32, #tpu.memory_space<vmem>>
    %dma_start3A_71 = tpu.memref_squeeze %dma_start3A_70 : memref<1x40xi32, #tpu.memory_space<vmem>> -> memref<40xi32, #tpu.memory_space<vmem>>
    %dma_start3A_72 = arith.constant 0 : i32
    %dma_start3A_73 = arith.constant 0 : i32
    %dma_start3A_74 = tpu.memref_slice %arg2[%dma_start3A_72, %dma_start3A_73] : memref<10000x128xf32, #tpu.memory_space<hbm>> -> memref<10000x128xf32, #tpu.memory_space<hbm>>
    tpu.enqueue_indirect_dma source(%dma_start3A_74 : memref<10000x128xf32, #tpu.memory_space<hbm>>) target(%arg11 : memref<40x128xf32, #tpu.memory_space<vmem>>) offsets(%dma_start3A_71 : memref<40xi32, #tpu.memory_space<vmem>>) semaphore(%arg17 : memref<!tpu.dma_semaphore, #tpu.memory_space<semaphore_mem>>)
    %scan3A_75 = arith.constant 0 : i32
    %scan3A_76 = arith.constant 0 : i32
    %scan3A_77 = arith.constant 50 : i32
    %scan3A_78 = arith.addi %scan3A_76, %scan3A_77 : i32
    %scan3A_79 = arith.constant 1 : i32
    scf.for %scan3A_82 = %scan3A_76 to %scan3A_78 step %scan3A_79  : i32 {
      %mul3A_83 = arith.constant 5 : i32
      %mul3A_84 = arith.muli %scan3A_82, %mul3A_83 : i32
      %add3A_85 = arith.constant 0 : i32
      %add3A_86 = arith.addi %mul3A_84, %add3A_85 : i32
      %dma_wait3A = arith.constant 0 : i32
      %dma_wait3A_87 = tpu.memref_slice %arg5[%add3A_86, %dma_wait3A] : memref<250x40xi32, #tpu.memory_space<vmem>> -> memref<1x40xi32, #tpu.memory_space<vmem>>
      %dma_wait3A_88 = tpu.memref_squeeze %dma_wait3A_87 : memref<1x40xi32, #tpu.memory_space<vmem>> -> memref<40xi32, #tpu.memory_space<vmem>>
      %dma_wait3A_89 = arith.constant 0 : i32
      %dma_wait3A_90 = arith.constant 0 : i32
      %dma_wait3A_91 = tpu.memref_slice %arg2[%dma_wait3A_89, %dma_wait3A_90] : memref<10000x128xf32, #tpu.memory_space<hbm>> -> memref<10000x128xf32, #tpu.memory_space<hbm>>
      tpu.wait_indirect_dma semaphore(%arg13 : memref<!tpu.dma_semaphore, #tpu.memory_space<semaphore_mem>>) src(%dma_wait3A_91 : memref<10000x128xf32, #tpu.memory_space<hbm>>) dst(%arg7 : memref<40x128xf32, #tpu.memory_space<vmem>>)
      "tpu.region"() ({
        %run_scoped3A_156 = tpu.sem_alloc : memref<!tpu.dma_semaphore, #tpu.memory_space<semaphore_mem>>
        %dma_start3A_157 = arith.constant 0 : i32
        %dma_start3A_158 = tpu.memref_slice %arg6[%add3A_86, %dma_start3A_157] : memref<250x40xi32, #tpu.memory_space<vmem>> -> memref<1x40xi32, #tpu.memory_space<vmem>>
        %dma_start3A_159 = tpu.memref_squeeze %dma_start3A_158 : memref<1x40xi32, #tpu.memory_space<vmem>> -> memref<40xi32, #tpu.memory_space<vmem>>
        %dma_start3A_160 = arith.constant 0 : i32
        %dma_start3A_161 = arith.constant 0 : i32
        %dma_start3A_162 = tpu.memref_slice %arg12[%dma_start3A_160, %dma_start3A_161] : memref<10000x128xf32, #tpu.memory_space<vmem_shared>> -> memref<10000x128xf32, #tpu.memory_space<vmem_shared>>
        tpu.enqueue_indirect_dma source(%arg7 : memref<40x128xf32, #tpu.memory_space<vmem>>) target(%dma_start3A_162 : memref<10000x128xf32, #tpu.memory_space<vmem_shared>>) offsets(%dma_start3A_159 : memref<40xi32, #tpu.memory_space<vmem>>) semaphore(%run_scoped3A_156 : memref<!tpu.dma_semaphore, #tpu.memory_space<semaphore_mem>>) {add = true}
        %dma_wait3A_163 = arith.constant 0 : i32
        %dma_wait3A_164 = tpu.memref_slice %arg6[%add3A_86, %dma_wait3A_163] : memref<250x40xi32, #tpu.memory_space<vmem>> -> memref<1x40xi32, #tpu.memory_space<vmem>>
        %dma_wait3A_165 = tpu.memref_squeeze %dma_wait3A_164 : memref<1x40xi32, #tpu.memory_space<vmem>> -> memref<40xi32, #tpu.memory_space<vmem>>
        %dma_wait3A_166 = arith.constant 0 : i32
        %dma_wait3A_167 = arith.constant 0 : i32
        %dma_wait3A_168 = tpu.memref_slice %arg12[%dma_wait3A_166, %dma_wait3A_167] : memref<10000x128xf32, #tpu.memory_space<vmem_shared>> -> memref<10000x128xf32, #tpu.memory_space<vmem_shared>>
        tpu.wait_indirect_dma semaphore(%run_scoped3A_156 : memref<!tpu.dma_semaphore, #tpu.memory_space<semaphore_mem>>) src(%arg7 : memref<40x128xf32, #tpu.memory_space<vmem>>) dst(%dma_wait3A_168 : memref<10000x128xf32, #tpu.memory_space<vmem_shared>>)
        tpu.yield
      }) : () -> ()
      %add3A_92 = arith.constant 5 : i32
      %add3A_93 = arith.addi %add3A_86, %add3A_92 : i32
      %lt3A = arith.constant 250 : i32
      %lt3A_94 = arith.cmpi slt, %add3A_93, %lt3A : i32
      %convert_element_type3A = arith.extui %lt3A_94 : i1 to i32
      %cond3A = arith.constant 0 : i32
      %cond3A_95 = arith.cmpi ne, %convert_element_type3A, %cond3A : i32
      scf.if %cond3A_95 {
        %dma_start3A_156 = arith.constant 0 : i32
        %dma_start3A_157 = tpu.memref_slice %arg5[%add3A_93, %dma_start3A_156] : memref<250x40xi32, #tpu.memory_space<vmem>> -> memref<1x40xi32, #tpu.memory_space<vmem>>
        %dma_start3A_158 = tpu.memref_squeeze %dma_start3A_157 : memref<1x40xi32, #tpu.memory_space<vmem>> -> memref<40xi32, #tpu.memory_space<vmem>>
        %dma_start3A_159 = arith.constant 0 : i32
        %dma_start3A_160 = arith.constant 0 : i32
        %dma_start3A_161 = tpu.memref_slice %arg2[%dma_start3A_159, %dma_start3A_160] : memref<10000x128xf32, #tpu.memory_space<hbm>> -> memref<10000x128xf32, #tpu.memory_space<hbm>>
        tpu.enqueue_indirect_dma source(%dma_start3A_161 : memref<10000x128xf32, #tpu.memory_space<hbm>>) target(%arg7 : memref<40x128xf32, #tpu.memory_space<vmem>>) offsets(%dma_start3A_158 : memref<40xi32, #tpu.memory_space<vmem>>) semaphore(%arg13 : memref<!tpu.dma_semaphore, #tpu.memory_space<semaphore_mem>>)
      } else {
      }
      %add3A_96 = arith.constant 1 : i32
      %add3A_97 = arith.addi %mul3A_84, %add3A_96 : i32
      %dma_wait3A_98 = arith.constant 0 : i32
      %dma_wait3A_99 = tpu.memref_slice %arg5[%add3A_97, %dma_wait3A_98] : memref<250x40xi32, #tpu.memory_space<vmem>> -> memref<1x40xi32, #tpu.memory_space<vmem>>
      %dma_wait3A_100 = tpu.memref_squeeze %dma_wait3A_99 : memref<1x40xi32, #tpu.memory_space<vmem>> -> memref<40xi32, #tpu.memory_space<vmem>>
      %dma_wait3A_101 = arith.constant 0 : i32
      %dma_wait3A_102 = arith.constant 0 : i32
      %dma_wait3A_103 = tpu.memref_slice %arg2[%dma_wait3A_101, %dma_wait3A_102] : memref<10000x128xf32, #tpu.memory_space<hbm>> -> memref<10000x128xf32, #tpu.memory_space<hbm>>
      tpu.wait_indirect_dma semaphore(%arg14 : memref<!tpu.dma_semaphore, #tpu.memory_space<semaphore_mem>>) src(%dma_wait3A_103 : memref<10000x128xf32, #tpu.memory_space<hbm>>) dst(%arg8 : memref<40x128xf32, #tpu.memory_space<vmem>>)
      "tpu.region"() ({
        %run_scoped3A_156 = tpu.sem_alloc : memref<!tpu.dma_semaphore, #tpu.memory_space<semaphore_mem>>
        %dma_start3A_157 = arith.constant 0 : i32
        %dma_start3A_158 = tpu.memref_slice %arg6[%add3A_97, %dma_start3A_157] : memref<250x40xi32, #tpu.memory_space<vmem>> -> memref<1x40xi32, #tpu.memory_space<vmem>>
        %dma_start3A_159 = tpu.memref_squeeze %dma_start3A_158 : memref<1x40xi32, #tpu.memory_space<vmem>> -> memref<40xi32, #tpu.memory_space<vmem>>
        %dma_start3A_160 = arith.constant 0 : i32
        %dma_start3A_161 = arith.constant 0 : i32
        %dma_start3A_162 = tpu.memref_slice %arg12[%dma_start3A_160, %dma_start3A_161] : memref<10000x128xf32, #tpu.memory_space<vmem_shared>> -> memref<10000x128xf32, #tpu.memory_space<vmem_shared>>
        tpu.enqueue_indirect_dma source(%arg8 : memref<40x128xf32, #tpu.memory_space<vmem>>) target(%dma_start3A_162 : memref<10000x128xf32, #tpu.memory_space<vmem_shared>>) offsets(%dma_start3A_159 : memref<40xi32, #tpu.memory_space<vmem>>) semaphore(%run_scoped3A_156 : memref<!tpu.dma_semaphore, #tpu.memory_space<semaphore_mem>>) {add = true}
        %dma_wait3A_163 = arith.constant 0 : i32
        %dma_wait3A_164 = tpu.memref_slice %arg6[%add3A_97, %dma_wait3A_163] : memref<250x40xi32, #tpu.memory_space<vmem>> -> memref<1x40xi32, #tpu.memory_space<vmem>>
        %dma_wait3A_165 = tpu.memref_squeeze %dma_wait3A_164 : memref<1x40xi32, #tpu.memory_space<vmem>> -> memref<40xi32, #tpu.memory_space<vmem>>
        %dma_wait3A_166 = arith.constant 0 : i32
        %dma_wait3A_167 = arith.constant 0 : i32
        %dma_wait3A_168 = tpu.memref_slice %arg12[%dma_wait3A_166, %dma_wait3A_167] : memref<10000x128xf32, #tpu.memory_space<vmem_shared>> -> memref<10000x128xf32, #tpu.memory_space<vmem_shared>>
        tpu.wait_indirect_dma semaphore(%run_scoped3A_156 : memref<!tpu.dma_semaphore, #tpu.memory_space<semaphore_mem>>) src(%arg8 : memref<40x128xf32, #tpu.memory_space<vmem>>) dst(%dma_wait3A_168 : memref<10000x128xf32, #tpu.memory_space<vmem_shared>>)
        tpu.yield
      }) : () -> ()
      %add3A_104 = arith.constant 5 : i32
      %add3A_105 = arith.addi %add3A_97, %add3A_104 : i32
      %lt3A_106 = arith.constant 250 : i32
      %lt3A_107 = arith.cmpi slt, %add3A_105, %lt3A_106 : i32
      %convert_element_type3A_108 = arith.extui %lt3A_107 : i1 to i32
      %cond3A_109 = arith.constant 0 : i32
      %cond3A_110 = arith.cmpi ne, %convert_element_type3A_108, %cond3A_109 : i32
      scf.if %cond3A_110 {
        %dma_start3A_156 = arith.constant 0 : i32
        %dma_start3A_157 = tpu.memref_slice %arg5[%add3A_105, %dma_start3A_156] : memref<250x40xi32, #tpu.memory_space<vmem>> -> memref<1x40xi32, #tpu.memory_space<vmem>>
        %dma_start3A_158 = tpu.memref_squeeze %dma_start3A_157 : memref<1x40xi32, #tpu.memory_space<vmem>> -> memref<40xi32, #tpu.memory_space<vmem>>
        %dma_start3A_159 = arith.constant 0 : i32
        %dma_start3A_160 = arith.constant 0 : i32
        %dma_start3A_161 = tpu.memref_slice %arg2[%dma_start3A_159, %dma_start3A_160] : memref<10000x128xf32, #tpu.memory_space<hbm>> -> memref<10000x128xf32, #tpu.memory_space<hbm>>
        tpu.enqueue_indirect_dma source(%dma_start3A_161 : memref<10000x128xf32, #tpu.memory_space<hbm>>) target(%arg8 : memref<40x128xf32, #tpu.memory_space<vmem>>) offsets(%dma_start3A_158 : memref<40xi32, #tpu.memory_space<vmem>>) semaphore(%arg14 : memref<!tpu.dma_semaphore, #tpu.memory_space<semaphore_mem>>)
      } else {
      }
      %add3A_111 = arith.constant 2 : i32
      %add3A_112 = arith.addi %mul3A_84, %add3A_111 : i32
      %dma_wait3A_113 = arith.constant 0 : i32
      %dma_wait3A_114 = tpu.memref_slice %arg5[%add3A_112, %dma_wait3A_113] : memref<250x40xi32, #tpu.memory_space<vmem>> -> memref<1x40xi32, #tpu.memory_space<vmem>>
      %dma_wait3A_115 = tpu.memref_squeeze %dma_wait3A_114 : memref<1x40xi32, #tpu.memory_space<vmem>> -> memref<40xi32, #tpu.memory_space<vmem>>
      %dma_wait3A_116 = arith.constant 0 : i32
      %dma_wait3A_117 = arith.constant 0 : i32
      %dma_wait3A_118 = tpu.memref_slice %arg2[%dma_wait3A_116, %dma_wait3A_117] : memref<10000x128xf32, #tpu.memory_space<hbm>> -> memref<10000x128xf32, #tpu.memory_space<hbm>>
      tpu.wait_indirect_dma semaphore(%arg15 : memref<!tpu.dma_semaphore, #tpu.memory_space<semaphore_mem>>) src(%dma_wait3A_118 : memref<10000x128xf32, #tpu.memory_space<hbm>>) dst(%arg9 : memref<40x128xf32, #tpu.memory_space<vmem>>)
      "tpu.region"() ({
        %run_scoped3A_156 = tpu.sem_alloc : memref<!tpu.dma_semaphore, #tpu.memory_space<semaphore_mem>>
        %dma_start3A_157 = arith.constant 0 : i32
        %dma_start3A_158 = tpu.memref_slice %arg6[%add3A_112, %dma_start3A_157] : memref<250x40xi32, #tpu.memory_space<vmem>> -> memref<1x40xi32, #tpu.memory_space<vmem>>
        %dma_start3A_159 = tpu.memref_squeeze %dma_start3A_158 : memref<1x40xi32, #tpu.memory_space<vmem>> -> memref<40xi32, #tpu.memory_space<vmem>>
        %dma_start3A_160 = arith.constant 0 : i32
        %dma_start3A_161 = arith.constant 0 : i32
        %dma_start3A_162 = tpu.memref_slice %arg12[%dma_start3A_160, %dma_start3A_161] : memref<10000x128xf32, #tpu.memory_space<vmem_shared>> -> memref<10000x128xf32, #tpu.memory_space<vmem_shared>>
        tpu.enqueue_indirect_dma source(%arg9 : memref<40x128xf32, #tpu.memory_space<vmem>>) target(%dma_start3A_162 : memref<10000x128xf32, #tpu.memory_space<vmem_shared>>) offsets(%dma_start3A_159 : memref<40xi32, #tpu.memory_space<vmem>>) semaphore(%run_scoped3A_156 : memref<!tpu.dma_semaphore, #tpu.memory_space<semaphore_mem>>) {add = true}
        %dma_wait3A_163 = arith.constant 0 : i32
        %dma_wait3A_164 = tpu.memref_slice %arg6[%add3A_112, %dma_wait3A_163] : memref<250x40xi32, #tpu.memory_space<vmem>> -> memref<1x40xi32, #tpu.memory_space<vmem>>
        %dma_wait3A_165 = tpu.memref_squeeze %dma_wait3A_164 : memref<1x40xi32, #tpu.memory_space<vmem>> -> memref<40xi32, #tpu.memory_space<vmem>>
        %dma_wait3A_166 = arith.constant 0 : i32
        %dma_wait3A_167 = arith.constant 0 : i32
        %dma_wait3A_168 = tpu.memref_slice %arg12[%dma_wait3A_166, %dma_wait3A_167] : memref<10000x128xf32, #tpu.memory_space<vmem_shared>> -> memref<10000x128xf32, #tpu.memory_space<vmem_shared>>
        tpu.wait_indirect_dma semaphore(%run_scoped3A_156 : memref<!tpu.dma_semaphore, #tpu.memory_space<semaphore_mem>>) src(%arg9 : memref<40x128xf32, #tpu.memory_space<vmem>>) dst(%dma_wait3A_168 : memref<10000x128xf32, #tpu.memory_space<vmem_shared>>)
        tpu.yield
      }) : () -> ()
      %add3A_119 = arith.constant 5 : i32
      %add3A_120 = arith.addi %add3A_112, %add3A_119 : i32
      %lt3A_121 = arith.constant 250 : i32
      %lt3A_122 = arith.cmpi slt, %add3A_120, %lt3A_121 : i32
      %convert_element_type3A_123 = arith.extui %lt3A_122 : i1 to i32
      %cond3A_124 = arith.constant 0 : i32
      %cond3A_125 = arith.cmpi ne, %convert_element_type3A_123, %cond3A_124 : i32
      scf.if %cond3A_125 {
        %dma_start3A_156 = arith.constant 0 : i32
        %dma_start3A_157 = tpu.memref_slice %arg5[%add3A_120, %dma_start3A_156] : memref<250x40xi32, #tpu.memory_space<vmem>> -> memref<1x40xi32, #tpu.memory_space<vmem>>
        %dma_start3A_158 = tpu.memref_squeeze %dma_start3A_157 : memref<1x40xi32, #tpu.memory_space<vmem>> -> memref<40xi32, #tpu.memory_space<vmem>>
        %dma_start3A_159 = arith.constant 0 : i32
        %dma_start3A_160 = arith.constant 0 : i32
        %dma_start3A_161 = tpu.memref_slice %arg2[%dma_start3A_159, %dma_start3A_160] : memref<10000x128xf32, #tpu.memory_space<hbm>> -> memref<10000x128xf32, #tpu.memory_space<hbm>>
        tpu.enqueue_indirect_dma source(%dma_start3A_161 : memref<10000x128xf32, #tpu.memory_space<hbm>>) target(%arg9 : memref<40x128xf32, #tpu.memory_space<vmem>>) offsets(%dma_start3A_158 : memref<40xi32, #tpu.memory_space<vmem>>) semaphore(%arg15 : memref<!tpu.dma_semaphore, #tpu.memory_space<semaphore_mem>>)
      } else {
      }
      %add3A_126 = arith.constant 3 : i32
      %add3A_127 = arith.addi %mul3A_84, %add3A_126 : i32
      %dma_wait3A_128 = arith.constant 0 : i32
      %dma_wait3A_129 = tpu.memref_slice %arg5[%add3A_127, %dma_wait3A_128] : memref<250x40xi32, #tpu.memory_space<vmem>> -> memref<1x40xi32, #tpu.memory_space<vmem>>
      %dma_wait3A_130 = tpu.memref_squeeze %dma_wait3A_129 : memref<1x40xi32, #tpu.memory_space<vmem>> -> memref<40xi32, #tpu.memory_space<vmem>>
      %dma_wait3A_131 = arith.constant 0 : i32
      %dma_wait3A_132 = arith.constant 0 : i32
      %dma_wait3A_133 = tpu.memref_slice %arg2[%dma_wait3A_131, %dma_wait3A_132] : memref<10000x128xf32, #tpu.memory_space<hbm>> -> memref<10000x128xf32, #tpu.memory_space<hbm>>
      tpu.wait_indirect_dma semaphore(%arg16 : memref<!tpu.dma_semaphore, #tpu.memory_space<semaphore_mem>>) src(%dma_wait3A_133 : memref<10000x128xf32, #tpu.memory_space<hbm>>) dst(%arg10 : memref<40x128xf32, #tpu.memory_space<vmem>>)
      "tpu.region"() ({
        %run_scoped3A_156 = tpu.sem_alloc : memref<!tpu.dma_semaphore, #tpu.memory_space<semaphore_mem>>
        %dma_start3A_157 = arith.constant 0 : i32
        %dma_start3A_158 = tpu.memref_slice %arg6[%add3A_127, %dma_start3A_157] : memref<250x40xi32, #tpu.memory_space<vmem>> -> memref<1x40xi32, #tpu.memory_space<vmem>>
        %dma_start3A_159 = tpu.memref_squeeze %dma_start3A_158 : memref<1x40xi32, #tpu.memory_space<vmem>> -> memref<40xi32, #tpu.memory_space<vmem>>
        %dma_start3A_160 = arith.constant 0 : i32
        %dma_start3A_161 = arith.constant 0 : i32
        %dma_start3A_162 = tpu.memref_slice %arg12[%dma_start3A_160, %dma_start3A_161] : memref<10000x128xf32, #tpu.memory_space<vmem_shared>> -> memref<10000x128xf32, #tpu.memory_space<vmem_shared>>
        tpu.enqueue_indirect_dma source(%arg10 : memref<40x128xf32, #tpu.memory_space<vmem>>) target(%dma_start3A_162 : memref<10000x128xf32, #tpu.memory_space<vmem_shared>>) offsets(%dma_start3A_159 : memref<40xi32, #tpu.memory_space<vmem>>) semaphore(%run_scoped3A_156 : memref<!tpu.dma_semaphore, #tpu.memory_space<semaphore_mem>>) {add = true}
        %dma_wait3A_163 = arith.constant 0 : i32
        %dma_wait3A_164 = tpu.memref_slice %arg6[%add3A_127, %dma_wait3A_163] : memref<250x40xi32, #tpu.memory_space<vmem>> -> memref<1x40xi32, #tpu.memory_space<vmem>>
        %dma_wait3A_165 = tpu.memref_squeeze %dma_wait3A_164 : memref<1x40xi32, #tpu.memory_space<vmem>> -> memref<40xi32, #tpu.memory_space<vmem>>
        %dma_wait3A_166 = arith.constant 0 : i32
        %dma_wait3A_167 = arith.constant 0 : i32
        %dma_wait3A_168 = tpu.memref_slice %arg12[%dma_wait3A_166, %dma_wait3A_167] : memref<10000x128xf32, #tpu.memory_space<vmem_shared>> -> memref<10000x128xf32, #tpu.memory_space<vmem_shared>>
        tpu.wait_indirect_dma semaphore(%run_scoped3A_156 : memref<!tpu.dma_semaphore, #tpu.memory_space<semaphore_mem>>) src(%arg10 : memref<40x128xf32, #tpu.memory_space<vmem>>) dst(%dma_wait3A_168 : memref<10000x128xf32, #tpu.memory_space<vmem_shared>>)
        tpu.yield
      }) : () -> ()
      %add3A_134 = arith.constant 5 : i32
      %add3A_135 = arith.addi %add3A_127, %add3A_134 : i32
      %lt3A_136 = arith.constant 250 : i32
      %lt3A_137 = arith.cmpi slt, %add3A_135, %lt3A_136 : i32
      %convert_element_type3A_138 = arith.extui %lt3A_137 : i1 to i32
      %cond3A_139 = arith.constant 0 : i32
      %cond3A_140 = arith.cmpi ne, %convert_element_type3A_138, %cond3A_139 : i32
      scf.if %cond3A_140 {
        %dma_start3A_156 = arith.constant 0 : i32
        %dma_start3A_157 = tpu.memref_slice %arg5[%add3A_135, %dma_start3A_156] : memref<250x40xi32, #tpu.memory_space<vmem>> -> memref<1x40xi32, #tpu.memory_space<vmem>>
        %dma_start3A_158 = tpu.memref_squeeze %dma_start3A_157 : memref<1x40xi32, #tpu.memory_space<vmem>> -> memref<40xi32, #tpu.memory_space<vmem>>
        %dma_start3A_159 = arith.constant 0 : i32
        %dma_start3A_160 = arith.constant 0 : i32
        %dma_start3A_161 = tpu.memref_slice %arg2[%dma_start3A_159, %dma_start3A_160] : memref<10000x128xf32, #tpu.memory_space<hbm>> -> memref<10000x128xf32, #tpu.memory_space<hbm>>
        tpu.enqueue_indirect_dma source(%dma_start3A_161 : memref<10000x128xf32, #tpu.memory_space<hbm>>) target(%arg10 : memref<40x128xf32, #tpu.memory_space<vmem>>) offsets(%dma_start3A_158 : memref<40xi32, #tpu.memory_space<vmem>>) semaphore(%arg16 : memref<!tpu.dma_semaphore, #tpu.memory_space<semaphore_mem>>)
      } else {
      }
      %add3A_141 = arith.constant 4 : i32
      %add3A_142 = arith.addi %mul3A_84, %add3A_141 : i32
      %dma_wait3A_143 = arith.constant 0 : i32
      %dma_wait3A_144 = tpu.memref_slice %arg5[%add3A_142, %dma_wait3A_143] : memref<250x40xi32, #tpu.memory_space<vmem>> -> memref<1x40xi32, #tpu.memory_space<vmem>>
      %dma_wait3A_145 = tpu.memref_squeeze %dma_wait3A_144 : memref<1x40xi32, #tpu.memory_space<vmem>> -> memref<40xi32, #tpu.memory_space<vmem>>
      %dma_wait3A_146 = arith.constant 0 : i32
      %dma_wait3A_147 = arith.constant 0 : i32
      %dma_wait3A_148 = tpu.memref_slice %arg2[%dma_wait3A_146, %dma_wait3A_147] : memref<10000x128xf32, #tpu.memory_space<hbm>> -> memref<10000x128xf32, #tpu.memory_space<hbm>>
      tpu.wait_indirect_dma semaphore(%arg17 : memref<!tpu.dma_semaphore, #tpu.memory_space<semaphore_mem>>) src(%dma_wait3A_148 : memref<10000x128xf32, #tpu.memory_space<hbm>>) dst(%arg11 : memref<40x128xf32, #tpu.memory_space<vmem>>)
      "tpu.region"() ({
        %run_scoped3A_156 = tpu.sem_alloc : memref<!tpu.dma_semaphore, #tpu.memory_space<semaphore_mem>>
        %dma_start3A_157 = arith.constant 0 : i32
        %dma_start3A_158 = tpu.memref_slice %arg6[%add3A_142, %dma_start3A_157] : memref<250x40xi32, #tpu.memory_space<vmem>> -> memref<1x40xi32, #tpu.memory_space<vmem>>
        %dma_start3A_159 = tpu.memref_squeeze %dma_start3A_158 : memref<1x40xi32, #tpu.memory_space<vmem>> -> memref<40xi32, #tpu.memory_space<vmem>>
        %dma_start3A_160 = arith.constant 0 : i32
        %dma_start3A_161 = arith.constant 0 : i32
        %dma_start3A_162 = tpu.memref_slice %arg12[%dma_start3A_160, %dma_start3A_161] : memref<10000x128xf32, #tpu.memory_space<vmem_shared>> -> memref<10000x128xf32, #tpu.memory_space<vmem_shared>>
        tpu.enqueue_indirect_dma source(%arg11 : memref<40x128xf32, #tpu.memory_space<vmem>>) target(%dma_start3A_162 : memref<10000x128xf32, #tpu.memory_space<vmem_shared>>) offsets(%dma_start3A_159 : memref<40xi32, #tpu.memory_space<vmem>>) semaphore(%run_scoped3A_156 : memref<!tpu.dma_semaphore, #tpu.memory_space<semaphore_mem>>) {add = true}
        %dma_wait3A_163 = arith.constant 0 : i32
        %dma_wait3A_164 = tpu.memref_slice %arg6[%add3A_142, %dma_wait3A_163] : memref<250x40xi32, #tpu.memory_space<vmem>> -> memref<1x40xi32, #tpu.memory_space<vmem>>
        %dma_wait3A_165 = tpu.memref_squeeze %dma_wait3A_164 : memref<1x40xi32, #tpu.memory_space<vmem>> -> memref<40xi32, #tpu.memory_space<vmem>>
        %dma_wait3A_166 = arith.constant 0 : i32
        %dma_wait3A_167 = arith.constant 0 : i32
        %dma_wait3A_168 = tpu.memref_slice %arg12[%dma_wait3A_166, %dma_wait3A_167] : memref<10000x128xf32, #tpu.memory_space<vmem_shared>> -> memref<10000x128xf32, #tpu.memory_space<vmem_shared>>
        tpu.wait_indirect_dma semaphore(%run_scoped3A_156 : memref<!tpu.dma_semaphore, #tpu.memory_space<semaphore_mem>>) src(%arg11 : memref<40x128xf32, #tpu.memory_space<vmem>>) dst(%dma_wait3A_168 : memref<10000x128xf32, #tpu.memory_space<vmem_shared>>)
        tpu.yield
      }) : () -> ()
      %add3A_149 = arith.constant 5 : i32
      %add3A_150 = arith.addi %add3A_142, %add3A_149 : i32
      %lt3A_151 = arith.constant 250 : i32
      %lt3A_152 = arith.cmpi slt, %add3A_150, %lt3A_151 : i32
      %convert_element_type3A_153 = arith.extui %lt3A_152 : i1 to i32
      %cond3A_154 = arith.constant 0 : i32
      %cond3A_155 = arith.cmpi ne, %convert_element_type3A_153, %cond3A_154 : i32
      scf.if %cond3A_155 {
        %dma_start3A_156 = arith.constant 0 : i32
        %dma_start3A_157 = tpu.memref_slice %arg5[%add3A_150, %dma_start3A_156] : memref<250x40xi32, #tpu.memory_space<vmem>> -> memref<1x40xi32, #tpu.memory_space<vmem>>
        %dma_start3A_158 = tpu.memref_squeeze %dma_start3A_157 : memref<1x40xi32, #tpu.memory_space<vmem>> -> memref<40xi32, #tpu.memory_space<vmem>>
        %dma_start3A_159 = arith.constant 0 : i32
        %dma_start3A_160 = arith.constant 0 : i32
        %dma_start3A_161 = tpu.memref_slice %arg2[%dma_start3A_159, %dma_start3A_160] : memref<10000x128xf32, #tpu.memory_space<hbm>> -> memref<10000x128xf32, #tpu.memory_space<hbm>>
        tpu.enqueue_indirect_dma source(%dma_start3A_161 : memref<10000x128xf32, #tpu.memory_space<hbm>>) target(%arg11 : memref<40x128xf32, #tpu.memory_space<vmem>>) offsets(%dma_start3A_158 : memref<40xi32, #tpu.memory_space<vmem>>) semaphore(%arg17 : memref<!tpu.dma_semaphore, #tpu.memory_space<semaphore_mem>>)
      } else {
      }
    }
    %scan3A_80 = arith.constant 50 : i32
    %barrier3A_81 = arith.constant 0 : index
    tpu.barrier barrier_id(%barrier3A_81)
    "tpu.region"() ({
      %run_scoped3A_82 = tpu.sem_alloc : memref<!tpu.dma_semaphore, #tpu.memory_space<semaphore_mem>>
      %dma_start3A_83 = arith.constant 0 : i32
      %dma_start3A_84 = arith.constant 0 : i32
      %dma_start3A_85 = tpu.memref_slice %arg4[%add3A, %dma_start3A_83, %dma_start3A_84] : memref<32x625x128xf32, #tpu.memory_space<hbm>> -> memref<1x625x128xf32, #tpu.memory_space<hbm>>
      %dma_start3A_86 = tpu.memref_squeeze %dma_start3A_85 : memref<1x625x128xf32, #tpu.memory_space<hbm>> -> memref<625x128xf32, #tpu.memory_space<hbm>>
      %dma_start3A_87 = arith.constant 0 : i32
      %dma_start3A_88 = tpu.memref_slice %arg12[%mul3A_8, %dma_start3A_87] : memref<10000x128xf32, #tpu.memory_space<vmem_shared>> -> memref<625x128xf32, #tpu.memory_space<vmem_shared>>
      tpu.enqueue_dma source(%dma_start3A_88 : memref<625x128xf32, #tpu.memory_space<vmem_shared>>) target(%dma_start3A_86 : memref<625x128xf32, #tpu.memory_space<hbm>>) target_semaphore(%run_scoped3A_82 : memref<!tpu.dma_semaphore, #tpu.memory_space<semaphore_mem>>)
      %dma_wait3A = arith.constant 0 : i32
      %dma_wait3A_89 = arith.constant 0 : i32
      %dma_wait3A_90 = tpu.memref_slice %arg4[%add3A, %dma_wait3A, %dma_wait3A_89] : memref<32x625x128xf32, #tpu.memory_space<hbm>> -> memref<1x625x128xf32, #tpu.memory_space<hbm>>
      %dma_wait3A_91 = tpu.memref_squeeze %dma_wait3A_90 : memref<1x625x128xf32, #tpu.memory_space<hbm>> -> memref<625x128xf32, #tpu.memory_space<hbm>>
      %dma_wait3A_92 = arith.constant 0 : i32
      %dma_wait3A_93 = tpu.memref_slice %arg12[%mul3A_8, %dma_wait3A_92] : memref<10000x128xf32, #tpu.memory_space<vmem_shared>> -> memref<625x128xf32, #tpu.memory_space<vmem_shared>>
      tpu.wait_dma2 semaphore(%run_scoped3A_82 : memref<!tpu.dma_semaphore, #tpu.memory_space<semaphore_mem>>) src(%dma_wait3A_93 : memref<625x128xf32, #tpu.memory_space<vmem_shared>>) dst(%dma_wait3A_91 : memref<625x128xf32, #tpu.memory_space<hbm>>)
      tpu.yield
    }) : () -> ()
    return
  }
}

module attributes {stable_mosaic.version = 14 : i64} {
  func.func @_lin1_body(%arg0: i32, %arg1: memref<2x2000x128xf32, #tpu.memory_space<vmem>>, %arg2: memref<2x2000x1xf32, #tpu.memory_space<vmem>>, %arg3: memref<2000x128xf32, #tpu.memory_space<vmem>>, %arg4: memref<128x128xf32, #tpu.memory_space<vmem>>, %arg5: memref<128x128xf32, #tpu.memory_space<vmem>>, %arg6: memref<1x128xf32, #tpu.memory_space<vmem>>, %arg7: memref<2000x128xf32, #tpu.memory_space<vmem>>, %arg8: memref<2000x1xf32, #tpu.memory_space<vmem>>, %arg9: memref<8x128xf32, #tpu.memory_space<vmem>>) attributes {dimension_semantics = [#tpu.dimension_semantics<arbitrary>], iteration_bounds = array<i64: 5>, scalar_prefetch = 0 : i64, scratch_operands = 0 : i64, tpu.core_type = #tpu.core_type<tc>, window_params = [{transform_indices = @transform_0, window_bounds = array<i64: 2, 2000, 128>}, {transform_indices = @transform_1, window_bounds = array<i64: 2, 2000, 1>}, {transform_indices = @transform_2, window_bounds = array<i64: 2000, 128>}, {pipeline_mode = #tpu.pipeline_mode<synchronous>, transform_indices = @transform_3, window_bounds = array<i64: 128, 128>}, {pipeline_mode = #tpu.pipeline_mode<synchronous>, transform_indices = @transform_4, window_bounds = array<i64: 128, 128>}, {pipeline_mode = #tpu.pipeline_mode<synchronous>, transform_indices = @transform_5, window_bounds = array<i64: 1, 128>}, {transform_indices = @transform_6, window_bounds = array<i64: 2000, 128>}, {transform_indices = @transform_7, window_bounds = array<i64: 2000, 1>}, {pipeline_mode = #tpu.pipeline_mode<synchronous>, transform_indices = @transform_8, window_bounds = array<i64: 8, 128>}]} {
    %get3A = arith.constant 0 : index
    %get3A_0 = arith.constant 0 : index
    %get3A_1 = arith.constant 0 : index
    %get3A_2 = vector.load %arg1[%get3A, %get3A_0, %get3A_1] : memref<2x2000x128xf32, #tpu.memory_space<vmem>>, vector<1x2000x128xf32>
    %get3A_3 = vector.shape_cast %get3A_2 : vector<1x2000x128xf32> to vector<2000x128xf32>
    %get3A_4 = arith.constant 1 : index
    %get3A_5 = arith.constant 0 : index
    %get3A_6 = arith.constant 0 : index
    %get3A_7 = vector.load %arg1[%get3A_4, %get3A_5, %get3A_6] : memref<2x2000x128xf32, #tpu.memory_space<vmem>>, vector<1x2000x128xf32>
    %get3A_8 = vector.shape_cast %get3A_7 : vector<1x2000x128xf32> to vector<2000x128xf32>
    %add3A = arith.addf %get3A_3, %get3A_8 : vector<2000x128xf32>
    %get3A_9 = arith.constant 0 : index
    %get3A_10 = arith.constant 0 : index
    %get3A_11 = arith.constant 0 : index
    %get3A_12 = vector.load %arg2[%get3A_9, %get3A_10, %get3A_11] : memref<2x2000x1xf32, #tpu.memory_space<vmem>>, vector<1x2000x1xf32>
    %get3A_13 = vector.shape_cast %get3A_12 : vector<1x2000x1xf32> to vector<2000x1xf32>
    %get3A_14 = arith.constant 1 : index
    %get3A_15 = arith.constant 0 : index
    %get3A_16 = arith.constant 0 : index
    %get3A_17 = vector.load %arg2[%get3A_14, %get3A_15, %get3A_16] : memref<2x2000x1xf32, #tpu.memory_space<vmem>>, vector<1x2000x1xf32>
    %get3A_18 = vector.shape_cast %get3A_17 : vector<1x2000x1xf32> to vector<2000x1xf32>
    %add3A_19 = arith.addf %get3A_13, %get3A_18 : vector<2000x1xf32>
    %max3A = arith.constant 1.000000e+00 : f32
    %max3A_20 = vector.broadcast %max3A : f32 to vector<2000x1xf32>
    %max3A_21 = arith.maximumf %add3A_19, %max3A_20 : vector<2000x1xf32>
    %div3A = arith.constant 1.000000e+00 : f32
    %div3A_22 = vector.broadcast %div3A : f32 to vector<2000x1xf32>
    %div3A_23 = arith.divf %div3A_22, %max3A_21 : vector<2000x1xf32>
    %mul3A = vector.broadcast %div3A_23 : vector<2000x1xf32> to vector<2000x128xf32>
    %mul3A_24 = arith.mulf %add3A, %mul3A : vector<2000x128xf32>
    %get3A_25 = arith.constant 0 : index
    %get3A_26 = arith.constant 0 : index
    %get3A_27 = vector.load %arg4[%get3A_25, %get3A_26] : memref<128x128xf32, #tpu.memory_space<vmem>>, vector<128x128xf32>
    %dot_general3A = arith.constant dense<0.000000e+00> : vector<2000x128xf32>
    %dot_general3A_28 = tpu.matmul %mul3A_24, %get3A_27, %dot_general3A {dimension_numbers = #tpu.dot_dimension_numbers<[1], [1], [0], [0], [0, 0, 1, 0], [], []>, transpose_lhs_hint = false} : vector<2000x128xf32>, vector<128x128xf32>, vector<2000x128xf32> -> vector<2000x128xf32>
    %get3A_29 = arith.constant 0 : index
    %get3A_30 = arith.constant 0 : index
    %get3A_31 = vector.load %arg3[%get3A_29, %get3A_30] : memref<2000x128xf32, #tpu.memory_space<vmem>>, vector<2000x128xf32>
    %get3A_32 = arith.constant 0 : index
    %get3A_33 = arith.constant 0 : index
    %get3A_34 = vector.load %arg5[%get3A_32, %get3A_33] : memref<128x128xf32, #tpu.memory_space<vmem>>, vector<128x128xf32>
    %dot_general3A_35 = arith.constant dense<0.000000e+00> : vector<2000x128xf32>
    %dot_general3A_36 = tpu.matmul %get3A_31, %get3A_34, %dot_general3A_35 {dimension_numbers = #tpu.dot_dimension_numbers<[1], [1], [0], [0], [0, 0, 1, 0], [], []>, transpose_lhs_hint = false} : vector<2000x128xf32>, vector<128x128xf32>, vector<2000x128xf32> -> vector<2000x128xf32>
    %add3A_37 = arith.addf %dot_general3A_28, %dot_general3A_36 : vector<2000x128xf32>
    %get3A_38 = arith.constant 0 : index
    %get3A_39 = arith.constant 0 : index
    %get3A_40 = vector.load %arg6[%get3A_38, %get3A_39] : memref<1x128xf32, #tpu.memory_space<vmem>>, vector<1x128xf32>
    %add3A_41 = vector.broadcast %get3A_40 : vector<1x128xf32> to vector<2000x128xf32>
    %add3A_42 = arith.addf %add3A_37, %add3A_41 : vector<2000x128xf32>
    %swap3A = arith.constant 0 : index
    %swap3A_43 = arith.constant 0 : index
    %swap3A_44 = vector.load %arg7[%swap3A, %swap3A_43] : memref<2000x128xf32, #tpu.memory_space<vmem>>, vector<2000x128xf32>
    tpu.vector_store %arg7[%swap3A, %swap3A_43], %add3A_42 {strides = array<i32>} : memref<2000x128xf32, #tpu.memory_space<vmem>>, vector<2000x128xf32>,
    %swap3A_45 = arith.constant 0 : index
    %swap3A_46 = arith.constant 0 : index
    %swap3A_47 = vector.load %arg8[%swap3A_45, %swap3A_46] : memref<2000x1xf32, #tpu.memory_space<vmem>>, vector<2000x1xf32>
    tpu.vector_store %arg8[%swap3A_45, %swap3A_46], %div3A_23 {strides = array<i32>} : memref<2000x1xf32, #tpu.memory_space<vmem>>, vector<2000x1xf32>,
    %reduce_sum3A = arith.constant dense<0.000000e+00> : vector<128xf32>
    %reduce_sum3A_48 = vector.multi_reduction <add>, %add3A_42, %reduce_sum3A [0] : vector<2000x128xf32> to vector<128xf32>
    %broadcast_in_dim3A = vector.shape_cast %reduce_sum3A_48 : vector<128xf32> to vector<1x128xf32>
    %mul3A_49 = arith.mulf %add3A_42, %add3A_42 : vector<2000x128xf32>
    %reduce_sum3A_50 = arith.constant dense<0.000000e+00> : vector<128xf32>
    %reduce_sum3A_51 = vector.multi_reduction <add>, %mul3A_49, %reduce_sum3A_50 [0] : vector<2000x128xf32> to vector<128xf32>
    %broadcast_in_dim3A_52 = vector.shape_cast %reduce_sum3A_51 : vector<128xf32> to vector<1x128xf32>
    %broadcast_in_dim3A_53 = arith.constant 0.000000e+00 : f32
    %broadcast_in_dim3A_54 = vector.broadcast %broadcast_in_dim3A_53 : f32 to vector<6x128xf32>
    %concatenate3A = tpu.concatenate %broadcast_in_dim3A, %broadcast_in_dim3A_52, %broadcast_in_dim3A_54 in 0 : vector<1x128xf32>, vector<1x128xf32>, vector<6x128xf32> -> vector<8x128xf32>
    %eq3A = arith.constant 0 : i32
    %eq3A_55 = arith.cmpi eq, %arg0, %eq3A : i32
    %convert_element_type3A = arith.extui %eq3A_55 : i1 to i32
    %cond3A = arith.constant 0 : i32
    %cond3A_56 = arith.cmpi ne, %convert_element_type3A, %cond3A : i32
    scf.if %cond3A_56 {
      %swap3A_61 = arith.constant 0 : index
      %swap3A_62 = arith.constant 0 : index
      %swap3A_63 = vector.load %arg9[%swap3A_61, %swap3A_62] : memref<8x128xf32, #tpu.memory_space<vmem>>, vector<8x128xf32>
      tpu.vector_store %arg9[%swap3A_61, %swap3A_62], %concatenate3A {strides = array<i32>} : memref<8x128xf32, #tpu.memory_space<vmem>>, vector<8x128xf32>,
    } else {
    }
    %ne3A = arith.constant 0 : i32
    %ne3A_57 = arith.cmpi ne, %arg0, %ne3A : i32
    %convert_element_type3A_58 = arith.extui %ne3A_57 : i1 to i32
    %cond3A_59 = arith.constant 0 : i32
    %cond3A_60 = arith.cmpi ne, %convert_element_type3A_58, %cond3A_59 : i32
    scf.if %cond3A_60 {
      %get3A_61 = arith.constant 0 : index
      %get3A_62 = arith.constant 0 : index
      %get3A_63 = vector.load %arg9[%get3A_61, %get3A_62] : memref<8x128xf32, #tpu.memory_space<vmem>>, vector<8x128xf32>
      %add3A_64 = arith.addf %get3A_63, %concatenate3A : vector<8x128xf32>
      %swap3A_65 = arith.constant 0 : index
      %swap3A_66 = arith.constant 0 : index
      %swap3A_67 = vector.load %arg9[%swap3A_65, %swap3A_66] : memref<8x128xf32, #tpu.memory_space<vmem>>, vector<8x128xf32>
      tpu.vector_store %arg9[%swap3A_65, %swap3A_66], %add3A_64 {strides = array<i32>} : memref<8x128xf32, #tpu.memory_space<vmem>>, vector<8x128xf32>,
    } else {
    }
    return
  }
  func.func @transform_0(%arg0: i32) -> (i32, i32, i32) {
    %c0_i32 = arith.constant 0 : i32
    %c0_i32_0 = arith.constant 0 : i32
    %c0_i32_1 = arith.constant 0 : i32
    return %c0_i32, %arg0, %c0_i32_0 : i32, i32, i32
  }
  func.func @transform_1(%arg0: i32) -> (i32, i32, i32) {
    %c0_i32 = arith.constant 0 : i32
    %c0_i32_0 = arith.constant 0 : i32
    %c0_i32_1 = arith.constant 0 : i32
    return %c0_i32, %arg0, %c0_i32_0 : i32, i32, i32
  }
  func.func @transform_2(%arg0: i32) -> (i32, i32) {
    %c0_i32 = arith.constant 0 : i32
    %c0_i32_0 = arith.constant 0 : i32
    return %arg0, %c0_i32 : i32, i32
  }
  func.func @transform_3(%arg0: i32) -> (i32, i32) {
    %c0_i32 = arith.constant 0 : i32
    %c0_i32_0 = arith.constant 0 : i32
    %c0_i32_1 = arith.constant 0 : i32
    return %c0_i32, %c0_i32_0 : i32, i32
  }
  func.func @transform_4(%arg0: i32) -> (i32, i32) {
    %c0_i32 = arith.constant 0 : i32
    %c0_i32_0 = arith.constant 0 : i32
    %c0_i32_1 = arith.constant 0 : i32
    return %c0_i32, %c0_i32_0 : i32, i32
  }
  func.func @transform_5(%arg0: i32) -> (i32, i32) {
    %c0_i32 = arith.constant 0 : i32
    %c0_i32_0 = arith.constant 0 : i32
    %c0_i32_1 = arith.constant 0 : i32
    return %c0_i32, %c0_i32_0 : i32, i32
  }
  func.func @transform_6(%arg0: i32) -> (i32, i32) {
    %c0_i32 = arith.constant 0 : i32
    %c0_i32_0 = arith.constant 0 : i32
    return %arg0, %c0_i32 : i32, i32
  }
  func.func @transform_7(%arg0: i32) -> (i32, i32) {
    %c0_i32 = arith.constant 0 : i32
    %c0_i32_0 = arith.constant 0 : i32
    return %arg0, %c0_i32 : i32, i32
  }
  func.func @transform_8(%arg0: i32) -> (i32, i32) {
    %c0_i32 = arith.constant 0 : i32
    %c0_i32_0 = arith.constant 0 : i32
    %c0_i32_1 = arith.constant 0 : i32
    return %c0_i32, %c0_i32_0 : i32, i32
  }
}

module attributes {stable_mosaic.version = 14 : i64} {
  func.func @_bn_body(%arg0: i32, %arg1: memref<2000x128xf32, #tpu.memory_space<vmem>>, %arg2: memref<8x128xf32, #tpu.memory_space<vmem>>, %arg3: memref<1x128xf32, #tpu.memory_space<vmem>>, %arg4: memref<1x128xf32, #tpu.memory_space<vmem>>, %arg5: memref<2000x128xf32, #tpu.memory_space<vmem>>) attributes {dimension_semantics = [#tpu.dimension_semantics<arbitrary>], iteration_bounds = array<i64: 5>, scalar_prefetch = 0 : i64, scratch_operands = 0 : i64, tpu.core_type = #tpu.core_type<tc>, window_params = [{transform_indices = @transform_0, window_bounds = array<i64: 2000, 128>}, {pipeline_mode = #tpu.pipeline_mode<synchronous>, transform_indices = @transform_1, window_bounds = array<i64: 8, 128>}, {pipeline_mode = #tpu.pipeline_mode<synchronous>, transform_indices = @transform_2, window_bounds = array<i64: 1, 128>}, {pipeline_mode = #tpu.pipeline_mode<synchronous>, transform_indices = @transform_3, window_bounds = array<i64: 1, 128>}, {transform_indices = @transform_4, window_bounds = array<i64: 2000, 128>}]} {
    %get3A = arith.constant 0 : index
    %get3A_0 = arith.constant 0 : index
    %get3A_1 = vector.load %arg2[%get3A, %get3A_0] : memref<8x128xf32, #tpu.memory_space<vmem>>, vector<8x128xf32>
    %slice3A = vector.extract_strided_slice %get3A_1 {offsets = [0, 0], sizes = [1, 128], strides = [1, 1]} : vector<8x128xf32> to vector<1x128xf32>
    %mul3A = arith.constant 9.99999974E-5 : f32
    %mul3A_2 = vector.broadcast %mul3A : f32 to vector<1x128xf32>
    %mul3A_3 = arith.mulf %slice3A, %mul3A_2 : vector<1x128xf32>
    %slice3A_4 = vector.extract_strided_slice %get3A_1 {offsets = [1, 0], sizes = [1, 128], strides = [1, 1]} : vector<8x128xf32> to vector<1x128xf32>
    %mul3A_5 = arith.constant 9.99999974E-5 : f32
    %mul3A_6 = vector.broadcast %mul3A_5 : f32 to vector<1x128xf32>
    %mul3A_7 = arith.mulf %slice3A_4, %mul3A_6 : vector<1x128xf32>
    %mul3A_8 = arith.mulf %mul3A_3, %mul3A_3 : vector<1x128xf32>
    %sub3A = arith.subf %mul3A_7, %mul3A_8 : vector<1x128xf32>
    %add3A = arith.constant 9.99999974E-6 : f32
    %add3A_9 = vector.broadcast %add3A : f32 to vector<1x128xf32>
    %add3A_10 = arith.addf %sub3A, %add3A_9 : vector<1x128xf32>
    %rsqrt3A = math.rsqrt %add3A_10 : vector<1x128xf32>
    %get3A_11 = arith.constant 0 : index
    %get3A_12 = arith.constant 0 : index
    %get3A_13 = vector.load %arg1[%get3A_11, %get3A_12] : memref<2000x128xf32, #tpu.memory_space<vmem>>, vector<2000x128xf32>
    %sub3A_14 = vector.broadcast %mul3A_3 : vector<1x128xf32> to vector<2000x128xf32>
    %sub3A_15 = arith.subf %get3A_13, %sub3A_14 : vector<2000x128xf32>
    %get3A_16 = arith.constant 0 : index
    %get3A_17 = arith.constant 0 : index
    %get3A_18 = vector.load %arg3[%get3A_16, %get3A_17] : memref<1x128xf32, #tpu.memory_space<vmem>>, vector<1x128xf32>
    %mul3A_19 = arith.mulf %rsqrt3A, %get3A_18 : vector<1x128xf32>
    %mul3A_20 = vector.broadcast %mul3A_19 : vector<1x128xf32> to vector<2000x128xf32>
    %mul3A_21 = arith.mulf %sub3A_15, %mul3A_20 : vector<2000x128xf32>
    %get3A_22 = arith.constant 0 : index
    %get3A_23 = arith.constant 0 : index
    %get3A_24 = vector.load %arg4[%get3A_22, %get3A_23] : memref<1x128xf32, #tpu.memory_space<vmem>>, vector<1x128xf32>
    %add3A_25 = vector.broadcast %get3A_24 : vector<1x128xf32> to vector<2000x128xf32>
    %add3A_26 = arith.addf %mul3A_21, %add3A_25 : vector<2000x128xf32>
    %max3A = arith.constant 0.000000e+00 : f32
    %max3A_27 = vector.broadcast %max3A : f32 to vector<2000x128xf32>
    %max3A_28 = arith.maximumf %add3A_26, %max3A_27 : vector<2000x128xf32>
    %swap3A = arith.constant 0 : index
    %swap3A_29 = arith.constant 0 : index
    %swap3A_30 = vector.load %arg5[%swap3A, %swap3A_29] : memref<2000x128xf32, #tpu.memory_space<vmem>>, vector<2000x128xf32>
    tpu.vector_store %arg5[%swap3A, %swap3A_29], %max3A_28 {strides = array<i32>} : memref<2000x128xf32, #tpu.memory_space<vmem>>, vector<2000x128xf32>,
    return
  }
  func.func @transform_0(%arg0: i32) -> (i32, i32) {
    %c0_i32 = arith.constant 0 : i32
    %c0_i32_0 = arith.constant 0 : i32
    return %arg0, %c0_i32 : i32, i32
  }
  func.func @transform_1(%arg0: i32) -> (i32, i32) {
    %c0_i32 = arith.constant 0 : i32
    %c0_i32_0 = arith.constant 0 : i32
    %c0_i32_1 = arith.constant 0 : i32
    return %c0_i32, %c0_i32_0 : i32, i32
  }
  func.func @transform_2(%arg0: i32) -> (i32, i32) {
    %c0_i32 = arith.constant 0 : i32
    %c0_i32_0 = arith.constant 0 : i32
    %c0_i32_1 = arith.constant 0 : i32
    return %c0_i32, %c0_i32_0 : i32, i32
  }
  func.func @transform_3(%arg0: i32) -> (i32, i32) {
    %c0_i32 = arith.constant 0 : i32
    %c0_i32_0 = arith.constant 0 : i32
    %c0_i32_1 = arith.constant 0 : i32
    return %c0_i32, %c0_i32_0 : i32, i32
  }
  func.func @transform_4(%arg0: i32) -> (i32, i32) {
    %c0_i32 = arith.constant 0 : i32
    %c0_i32_0 = arith.constant 0 : i32
    return %arg0, %c0_i32 : i32, i32
  }
}

module attributes {stable_mosaic.version = 14 : i64} {
  func.func @_fin_body(%arg0: i32, %arg1: memref<2x2000x128xf32, #tpu.memory_space<vmem>>, %arg2: memref<2000x1xf32, #tpu.memory_space<vmem>>, %arg3: memref<2000x128xf32, #tpu.memory_space<vmem>>, %arg4: memref<128x128xf32, #tpu.memory_space<vmem>>, %arg5: memref<128x128xf32, #tpu.memory_space<vmem>>, %arg6: memref<1x128xf32, #tpu.memory_space<vmem>>, %arg7: memref<2000x128xf32, #tpu.memory_space<vmem>>) attributes {dimension_semantics = [#tpu.dimension_semantics<arbitrary>], iteration_bounds = array<i64: 5>, scalar_prefetch = 0 : i64, scratch_operands = 0 : i64, tpu.core_type = #tpu.core_type<tc>, window_params = [{transform_indices = @transform_0, window_bounds = array<i64: 2, 2000, 128>}, {transform_indices = @transform_1, window_bounds = array<i64: 2000, 1>}, {transform_indices = @transform_2, window_bounds = array<i64: 2000, 128>}, {pipeline_mode = #tpu.pipeline_mode<synchronous>, transform_indices = @transform_3, window_bounds = array<i64: 128, 128>}, {pipeline_mode = #tpu.pipeline_mode<synchronous>, transform_indices = @transform_4, window_bounds = array<i64: 128, 128>}, {pipeline_mode = #tpu.pipeline_mode<synchronous>, transform_indices = @transform_5, window_bounds = array<i64: 1, 128>}, {transform_indices = @transform_6, window_bounds = array<i64: 2000, 128>}]} {
    %get3A = arith.constant 0 : index
    %get3A_0 = arith.constant 0 : index
    %get3A_1 = arith.constant 0 : index
    %get3A_2 = vector.load %arg1[%get3A, %get3A_0, %get3A_1] : memref<2x2000x128xf32, #tpu.memory_space<vmem>>, vector<1x2000x128xf32>
    %get3A_3 = vector.shape_cast %get3A_2 : vector<1x2000x128xf32> to vector<2000x128xf32>
    %get3A_4 = arith.constant 1 : index
    %get3A_5 = arith.constant 0 : index
    %get3A_6 = arith.constant 0 : index
    %get3A_7 = vector.load %arg1[%get3A_4, %get3A_5, %get3A_6] : memref<2x2000x128xf32, #tpu.memory_space<vmem>>, vector<1x2000x128xf32>
    %get3A_8 = vector.shape_cast %get3A_7 : vector<1x2000x128xf32> to vector<2000x128xf32>
    %add3A = arith.addf %get3A_3, %get3A_8 : vector<2000x128xf32>
    %get3A_9 = arith.constant 0 : index
    %get3A_10 = arith.constant 0 : index
    %get3A_11 = vector.load %arg2[%get3A_9, %get3A_10] : memref<2000x1xf32, #tpu.memory_space<vmem>>, vector<2000x1xf32>
    %mul3A = vector.broadcast %get3A_11 : vector<2000x1xf32> to vector<2000x128xf32>
    %mul3A_12 = arith.mulf %add3A, %mul3A : vector<2000x128xf32>
    %get3A_13 = arith.constant 0 : index
    %get3A_14 = arith.constant 0 : index
    %get3A_15 = vector.load %arg4[%get3A_13, %get3A_14] : memref<128x128xf32, #tpu.memory_space<vmem>>, vector<128x128xf32>
    %dot_general3A = arith.constant dense<0.000000e+00> : vector<2000x128xf32>
    %dot_general3A_16 = tpu.matmul %mul3A_12, %get3A_15, %dot_general3A {dimension_numbers = #tpu.dot_dimension_numbers<[1], [1], [0], [0], [0, 0, 1, 0], [], []>, transpose_lhs_hint = false} : vector<2000x128xf32>, vector<128x128xf32>, vector<2000x128xf32> -> vector<2000x128xf32>
    %get3A_17 = arith.constant 0 : index
    %get3A_18 = arith.constant 0 : index
    %get3A_19 = vector.load %arg3[%get3A_17, %get3A_18] : memref<2000x128xf32, #tpu.memory_space<vmem>>, vector<2000x128xf32>
    %get3A_20 = arith.constant 0 : index
    %get3A_21 = arith.constant 0 : index
    %get3A_22 = vector.load %arg5[%get3A_20, %get3A_21] : memref<128x128xf32, #tpu.memory_space<vmem>>, vector<128x128xf32>
    %dot_general3A_23 = arith.constant dense<0.000000e+00> : vector<2000x128xf32>
    %dot_general3A_24 = tpu.matmul %get3A_19, %get3A_22, %dot_general3A_23 {dimension_numbers = #tpu.dot_dimension_numbers<[1], [1], [0], [0], [0, 0, 1, 0], [], []>, transpose_lhs_hint = false} : vector<2000x128xf32>, vector<128x128xf32>, vector<2000x128xf32> -> vector<2000x128xf32>
    %add3A_25 = arith.addf %dot_general3A_16, %dot_general3A_24 : vector<2000x128xf32>
    %get3A_26 = arith.constant 0 : index
    %get3A_27 = arith.constant 0 : index
    %get3A_28 = vector.load %arg6[%get3A_26, %get3A_27] : memref<1x128xf32, #tpu.memory_space<vmem>>, vector<1x128xf32>
    %add3A_29 = vector.broadcast %get3A_28 : vector<1x128xf32> to vector<2000x128xf32>
    %add3A_30 = arith.addf %add3A_25, %add3A_29 : vector<2000x128xf32>
    %swap3A = arith.constant 0 : index
    %swap3A_31 = arith.constant 0 : index
    %swap3A_32 = vector.load %arg7[%swap3A, %swap3A_31] : memref<2000x128xf32, #tpu.memory_space<vmem>>, vector<2000x128xf32>
    tpu.vector_store %arg7[%swap3A, %swap3A_31], %add3A_30 {strides = array<i32>} : memref<2000x128xf32, #tpu.memory_space<vmem>>, vector<2000x128xf32>,
    return
  }
  func.func @transform_0(%arg0: i32) -> (i32, i32, i32) {
    %c0_i32 = arith.constant 0 : i32
    %c0_i32_0 = arith.constant 0 : i32
    %c0_i32_1 = arith.constant 0 : i32
    return %c0_i32, %arg0, %c0_i32_0 : i32, i32, i32
  }
  func.func @transform_1(%arg0: i32) -> (i32, i32) {
    %c0_i32 = arith.constant 0 : i32
    %c0_i32_0 = arith.constant 0 : i32
    return %arg0, %c0_i32 : i32, i32
  }
  func.func @transform_2(%arg0: i32) -> (i32, i32) {
    %c0_i32 = arith.constant 0 : i32
    %c0_i32_0 = arith.constant 0 : i32
    return %arg0, %c0_i32 : i32, i32
  }
  func.func @transform_3(%arg0: i32) -> (i32, i32) {
    %c0_i32 = arith.constant 0 : i32
    %c0_i32_0 = arith.constant 0 : i32
    %c0_i32_1 = arith.constant 0 : i32
    return %c0_i32, %c0_i32_0 : i32, i32
  }
  func.func @transform_4(%arg0: i32) -> (i32, i32) {
    %c0_i32 = arith.constant 0 : i32
    %c0_i32_0 = arith.constant 0 : i32
    %c0_i32_1 = arith.constant 0 : i32
    return %c0_i32, %c0_i32_0 : i32, i32
  }
  func.func @transform_5(%arg0: i32) -> (i32, i32) {
    %c0_i32 = arith.constant 0 : i32
    %c0_i32_0 = arith.constant 0 : i32
    %c0_i32_1 = arith.constant 0 : i32
    return %c0_i32, %c0_i32_0 : i32, i32
  }
  func.func @transform_6(%arg0: i32) -> (i32, i32) {
    %c0_i32 = arith.constant 0 : i32
    %c0_i32_0 = arith.constant 0 : i32
    return %arg0, %c0_i32 : i32, i32
  }
}

</mosaic_0001>

<sc_bundles>
// kernel: kernel.10.cloned.1.call-start
scs
__scs_entry_jumppad:
0x0: {  	(pc) =	sbr.rel $0x88, $3  }
0x1: {  	(tag) =	ssettag $0x0;
	lr =	simm.s32 $0x1  }
0x2: {  	[smem:$0x3F97] =	sst lr;
	_ =	strace $0xD0000000  }
0x3: {  	_ = 	snop  }
0x4: {  	_ = 	snop  }
0x5: {  	_ = 	snop  }
0x6: {  	_ = 	snop  }
0x7: {  	_ = 	snop  }
__scs_overlays_trampoline_lowered:
0x8: {  	[smem:$0x3FA6] =	sst s0  }
0x9: {  	[smem:$0x3FA7] =	sst s1  }
0xa: {  	[smem:$0x3FA8] =	sst s2  }
0xb: {  	[smem:$0x3FA9] =	sst s3  }
0xc: {  	[smem:$0x3FAA] =	sst s4  }
0xd: {  	[smem:$0x3FAB] =	sst s5  }
0xe: {  	[smem:$0x3FAC] =	sst s6  }
0xf: {  	[smem:$0x3FAD] =	sst s7  }
0x10: {  	[smem:$0x3FAE] =	sst s8  }
0x11: {  	[smem:$0x3FAF] =	sst s9;
	s0 =	simm.s32 @!p0 $0x0  }
0x12: {  	s1 =	sld [smem:$0x3F95];
	s0 =	simm.s32 @p0 $0x1  }
0x13: {  	[smem:$0x3FB0] =	sst s0;
	s0 =	simm.s32 @!p1 $0x0  }
0x14: {  	s2 =	sld [smem:$0x3F94];
	s0 =	simm.s32 @p1 $0x1  }
0x15: {  	[smem:$0x3FB1] =	sst s0;
	s0 =	simm.s32 @!p2 $0x0  }
0x16: {  	s3 =	sld [smem:$0x3FDB];
	s0 =	simm.s32 @p2 $0x1  }
0x17: {  	s4 =	simm.s32 $0x1BF5;
	[smem:$0x3FB3] =	sst s0  }
0x18: {  	s0 =	sld [smem:$0x3F96];
	_ =	swait.ge [sflag:s4], $0x0  }
0x19: {  	s7 =	sld [smem:$0x3F97]  }
0x1a: {  	s8 =	sadd.s32 $0xFFFFE003, lr  }
0x1b: {  	s9 =	sadd.s32 $0xFFFFFEF7, lr;
	s5 =	simm.s32 $0xFFFFFFFF;
	p2 =	slt.u32 s8, $0xFFFFF086  }
0x1c: {  	p1 =	slt.u32 s9, $0xF7A;
	s5 =	simm.s32 @!p2 $0x0  }
0x1d: {  	s5 =	simm.s32 @p1 $0x1;
	p0 =	seq.s32 s7, s2  }
0x1e: {  	s7 =	smul.u32 @!p0 $0xF7A, s2;
	p2 =	seq.s32 @!p0 s5, $0x0  }
0x1f: {  	s9 =	smul.u32 $0xF7A, s1;
	s8 =	simm.s32 @!p0 $0x1BF5;
	p2 =	por !p2, p0  }
0x20: {  	[sflag:s8] =	ssyncset.s32 @!p0 $0xFFFFF086;
	s6 =	sadd.s32 @!p0 s3, s7;
	s7 =	simm.s32 @!p0 $0x108  }
0x21: {  	s3 =	sadd.s32 s3, s9;
	s6 =	sadd.s32 @!p0 $0x88, s6;
	s7 =	simm.s32 @p2 $0x1082  }
0x22: {  	[simem:s7], [sflag:s8] =	dma.local @!p0 [hbm:s6], $0xF7A  }
0x23: {  	s9 =	sor.u32 $0xD0000000, s2;
	s6 =	simm.s32 $0x108;
	_ =	swait.ge @!p0 [sflag:s8], $0x0  }
0x24: {  	s3 =	sadd.s32 $0x88, s3;
	s6 =	simm.s32 @!p1 $0x1082;
	[sflag:s4] =	ssyncset.s32 $0xFFFFF086  }
0x25: {  	[simem:s6], [sflag:s4] =	dma.local [hbm:s3], $0xF7A  }
0x26: {  	[smem:$0x3F97] =	sst s1;
	(tag) =	ssettag s2;
	_ =	strace s9  }
0x27: {  	s1 =	sld [smem:$0x3FA7]  }
0x28: {  	s2 =	sld [smem:$0x3FA8]  }
0x29: {  	s4 =	sld [smem:$0x3FAA]  }
0x2a: {  	p0 =	seq.s32 s5, $0x0;
	s5 =	sld [smem:$0x3FAB]  }
0x2b: {  	s6 =	sld [smem:$0x3FAC]  }
0x2c: {  	s7 =	sld [smem:$0x3FAD]  }
0x2d: {  	s3 =	simm.s32 $0x108;
	s8 =	sld [smem:$0x3FAE]  }
0x2e: {  	s3 =	simm.s32 @!p0 $0x1082;
	s9 =	sld [smem:$0x3FAF]  }
0x2f: {  	lr =	sadd.s32 s0, s3;
	s0 =	sld [smem:$0x3FA6]  }
0x30: {  	s3 =	sld [smem:$0x3FA9]  }
0x31: {  	[smem:$0x3FB2] =	sst s10  }
0x32: {  	s10 =	sld [smem:$0x3FB0];
	_ =	sdelay $0x3  }
0x33: {  	p0 =	seq.s32 s10, $0x1;
	s10 =	sld [smem:$0x3FB2];
	_ =	sdelay $0x3  }
0x34: {  	[smem:$0x3FB2] =	sst s10  }
0x35: {  	s10 =	sld [smem:$0x3FB1];
	_ =	sdelay $0x3  }
0x36: {  	p1 =	seq.s32 s10, $0x1;
	s10 =	sld [smem:$0x3FB2];
	_ =	sdelay $0x3  }
0x37: {  	[smem:$0x3FB2] =	sst s10  }
0x38: {  	s10 =	sld [smem:$0x3FB3]  }
0x39: {  	_ = 	snop;
	(pc) =	sbr.ind lr, $3  }
0x3a: {  	_ = 	snop  }
0x3b: {  	_ = 	snop  }
0x3c: {  	p2 =	seq.s32 s10, $0x1;
	s10 =	sld [smem:$0x3FB2]  }
0x3d: {  	_ =	shalt  }
0x3e: {  	_ =	shalt  }
0x3f: {  	_ =	shalt  }
0x40: {  	_ =	shalt  }
0x41: {  	_ =	shalt  }
0x42: {  	_ =	shalt  }
0x43: {  	_ =	shalt  }
0x44: {  	_ =	shalt  }
0x45: {  	_ =	shalt  }
0x46: {  	_ =	shalt  }
0x47: {  	_ =	shalt  }
0x48: {  	_ =	shalt  }
0x49: {  	_ =	shalt  }
0x4a: {  	_ =	shalt  }
0x4b: {  	_ =	shalt  }
0x4c: {  	_ =	shalt  }
0x4d: {  	_ =	shalt  }
0x4e: {  	_ =	shalt  }
0x4f: {  	_ =	shalt  }
0x50: {  	_ =	shalt  }
0x51: {  	_ =	shalt  }
0x52: {  	_ =	shalt  }
0x53: {  	_ =	shalt  }
0x54: {  	_ =	shalt  }
0x55: {  	_ =	shalt  }
0x56: {  	_ =	shalt  }
0x57: {  	_ =	shalt  }
0x58: {  	_ =	shalt  }
0x59: {  	_ =	shalt  }
0x5a: {  	_ =	shalt  }
0x5b: {  	_ =	shalt  }
0x5c: {  	_ =	shalt  }
0x5d: {  	_ =	shalt  }
0x5e: {  	_ =	shalt  }
0x5f: {  	_ =	shalt  }
0x60: {  	_ =	shalt  }
0x61: {  	_ =	shalt  }
0x62: {  	_ =	shalt  }
0x63: {  	_ =	shalt  }
0x64: {  	_ =	shalt  }
0x65: {  	_ =	shalt  }
0x66: {  	_ =	shalt  }
0x67: {  	_ =	shalt  }
0x68: {  	_ =	shalt  }
0x69: {  	_ =	shalt  }
0x6a: {  	_ =	shalt  }
0x6b: {  	_ =	shalt  }
0x6c: {  	_ =	shalt  }
0x6d: {  	_ =	shalt  }
0x6e: {  	_ =	shalt  }
0x6f: {  	_ =	shalt  }
0x70: {  	_ =	shalt  }
0x71: {  	_ =	shalt  }
0x72: {  	_ =	shalt  }
0x73: {  	_ =	shalt  }
0x74: {  	_ =	shalt  }
0x75: {  	_ =	shalt  }
0x76: {  	_ =	shalt  }
0x77: {  	_ =	shalt  }
0x78: {  	_ =	shalt  }
0x79: {  	_ =	shalt  }
0x7a: {  	_ =	shalt  }
0x7b: {  	_ =	shalt  }
0x7c: {  	_ =	shalt  }
0x7d: {  	_ =	shalt  }
0x7e: {  	_ =	shalt  }
0x7f: {  	_ =	shalt  }
0x80: {  	_ =	shalt  }
0x81: {  	_ =	shalt  }
0x82: {  	_ =	shalt  }
0x83: {  	_ =	shalt  }
0x84: {  	_ =	shalt  }
0x85: {  	_ =	shalt  }
0x86: {  	_ =	shalt  }
0x87: {  	_ =	shalt  }
.Lfunc_end0:
.L_simem_size_0:
called_computation.1_lowered:
.L_overlay_start_0:
0x88: {  	s2 =	sld [smem:$0x3FD9]  }
0x89: {  	s3 =	sld [smem:$0x3FFE];
	_ =	sdelay $0x1  }
0x8a: {  	s1 =	srdreg.scid  }
0x8b: {  	s0 =	sand.u32 $0x1, s1  }
0x8c: {  	s17 =	sshll.u32 s0, $0xA;
	s2 =	sadd.s32 s3, s2  }
0x8d: {  	s2 =	sadd.s32 s2, s17  }
0x8e: {  	[smem:$0x3FBE] =	sst s2  }
0x8f: {  	_ = 	snop  }
0x90: {  	s2 =	sld [smem:$0x3FD0];
	(tm) =	ssettm $0x1  }
0x91: {  	s18 =	sld [smem:$0x3FFB];
	_ =	sdelay $0x3  }
0x92: {  	_ =	strace s18  }
0x93: {  	s3 =	sld [smem:$0x3FFC];
	_ =	sdelay $0x3  }
0x94: {  	_ =	strace s3  }
0x95: {  	s3 =	sld [smem:$0x3FFD];
	_ =	sdelay $0x3  }
0x96: {  	_ =	strace s3  }
0x97: {  	_ =	strace $0x8FFFFFFF  }
0x98: {  	s19 =	sld [smem:$0x3FDB];
	_ =	sdelay $0x1  }
0x99: {  	s4 =	simm.s32 $_scs_section_size  }
0x9a: {  	s5 =	simm.s32 $_size__tile_overlayer_lowered;
	s6 =	simm.s32 $_tile_overlayer_lowered  }
0x9b: {  	s22 =	simm.s32 $0x1BFF;
	s21 =	sshll.u32 s6, $0x1;
	s3 =	sadd.s32 s4, s19  }
0x9c: {  	s7 =	simm.s32 $0x0;
	s20 =	sshll.u32 s5, $0x1;
	s5 =	sadd.s32 s21, s3  }
0x9d: {  	[timem:s7], [sflag:s22] =	dma.local [hbm:s5], s20  }
0x9e: {  	_ =	swait.ge [sflag:s22], s20  }
0x9f: {  	s4 =	ssub.s32 $0x0, s20;
	[sflag:s22] =	ssyncset.done $0x0  }
0xa0: {  	[sflag:s22] =	ssyncadd.s32 s4;
	_ =	sdelay $0x1  }
0xa1: {  	s23 =	simm.s32 $0x1B8B  }
0xa2: {  	_ =	swait.ge [sflag:s23], $0x1  }
0xa3: {  	[sflag:s23] =	ssyncset.done $0x0  }
0xa4: {  	s25 =	simm.s32 $0x1B8E;
	s24 =	sld [smem:$0x3FFE];
	[sflag:s23] =	ssyncadd.s32 $0xFFFFFFFF  }
0xa5: {  	s26 =	simm.s32 $execute0_lowered;
	[smem:$0x3FD2] =	sst s25  }
0xa6: {  	s5 =	sshll.u32 s26, $0x1;
	_ =	strace $0x80000049;
	[dreg:$0x1] =	wrdreg $0xFFFFFFFF  }
0xa7: {  	s28 =	simm.s32 $_size_execute0_lowered;
	s3 =	sadd.s32 s3, s5;
	[dreg:$0x0] =	wrdreg $0x0  }
0xa8: {  	s5 =	sshll.u32 s28, $0x1;
	[dreg:$0x2] =	wrdreg s3  }
0xa9: {  	[dreg:$0x3] =	wrdreg s5  }
0xaa: {  	[dreg:$0x4] =	wrdreg $0xC0  }
0xab: {  	_ =	task [dreg:s7], $0x5FFFF  }
0xac: {  	[dreg:$0x1] =	wrdreg $0xFFFFFFFF  }
0xad: {  	[dreg:$0x0] =	wrdreg $0x60  }
0xae: {  	[dreg:$0x2] =	wrdreg s2  }
0xaf: {  	[dreg:$0x3] =	wrdreg s24  }
0xb0: {  	[dreg:$0x4] =	wrdreg $0xB2200  }
0xb1: {  	[dreg:$0x5] =	wrdreg $0x9  }
0xb2: {  	_ =	task.clear_ibuf [dreg:s7], $0x6FFFF;
	_ =	strace $0x90000049  }
0xb3: {  	s29 =	simm.s32 $0x9;
	_ =	strace $0x8000004B  }
0xb4: {  	_ =	swait.ge [sflag:s29], $0x1  }
0xb5: {  	[sflag:s29] =	ssyncadd.s32 $0xFFFFFFFF  }
0xb6: {  	_ =	strace $0x9000004B  }
0xb7: {  	_ =	sfence  }
0xb8: {  	s30 =	sld [smem:$0x0];
	_ =	sdelay $0x2  }
0xb9: {  	s31 =	sshll.u32 s1, $0xD;
	s1 =	sshrl.u32 s1, $0x2  }
0xba: {  	s3 =	sand.u32 $0x4000, s31;
	s1 =	sadd.s32 s1, s30  }
0xbb: {  	s0 =	sor.u32 s3, s0;
	s1 =	sshll.u32 s1, $0x11  }
0xbc: {  	s0 =	sor.u32 s1, s0  }
0xbd: {  	s0 =	sadd.s32 $0x8F2B, s0  }
0xbe: {  	[sflag:s0] =	ssyncadd.remote.s32 $0x1  }
0xbf: {  	_ =	sfence.sel $0xFFFF  }
0xc0: {  	[dreg:$0x0] =	wrdreg $0xFFFFFFFF;
	(pc) =	sbr.abs _section_cstart, $3  }
0xc1: {  	[dreg:$0x1] =	wrdreg $0xFFFFFFFF  }
0xc2: {  	_ =	task.clear_ibuf [dreg:s7], $0x2FFFF;
	_ =	strace $0x9FFFFFFF  }
0xc3: {  	(tm) =	ssettm $0x7FFFFFFF  }
tec
execute0_lowered:
.L_overlay_start_1:
0x0: {  	(tag) =	ssettag $0x1  }
0x1: {  	s1 =	rddreg [dreg:$0x0]  }
0x2: {  	s0 =	srdreg.scid;
	s2 =	rddreg [dreg:$0x1]  }
0x3: {  	s6 =	stileid.u32;
	s3 =	rddreg [dreg:$0x2];
	s5 =	simm.s32 $0x0  }
0x4: {  	s28 =	simm.s32 $0x4E20;
	s29 =	simm.s32 $0x28;
	s0 =	sand.u32 $0x1, s0  }
0x5: {  	s30 =	simm.s32 $0x6220;
	s31 =	simm.s32 $0x1;
	s4 =	sshll.u32 s0, $0x4  }
0x6: {  	s8 =	simm.s32 $0x5;
	s4 =	sor.u32 s6, s4;
	s6 =	smul.u32 $0x4E200, s6  }
0x7: {  	[smem:$0x7FF] =	sst s5;
	s0 =	ssub.s32 $0x2, s0;
	s4 =	smul.u32 $0x2710, s4  }
0x8: {  	s9 =	simm.s32 $0x0;
	_ =	strace $0x8000004A;
	s7 =	sshrl.u32 s0, $0x1  }
0x9: {  	s0 =	ssub.s32 s0, s7;
	s21 =	sshrl.u32 s6, $0x2;
	s20 =	sshrl.u32 s4, $0x3  }
0xa: {  	s6 =	simm.s32 $0x4;
	s7 =	sadd.s32 s21, s3;
	s5 =	sadd.s32 s20, s2  }
0xb: {  	s2 =	sadd.s32 s4, s2;
	s4 =	sadd.s32 $0x1400, s7;
	s23 =	sadd.s32 $0x2800, s7  }
0xc: {  	s24 =	sadd.s32 $0x3C00, s7;
	s25 =	sadd.s32 $0x5000, s7;
	s26 =	sadd.s32 $0x6400, s7  }
0xd: {  	s13 =	sadd.s32 $0x7800, s7;
	s14 =	sadd.s32 $0x8C00, s7;
	s15 =	sadd.s32 $0xA000, s7  }
0xe: {  	s16 =	sadd.s32 $0xB400, s7;
	s17 =	sadd.s32 $0xC800, s7;
	[dreg:$0x6] =	wrdreg s4  }
0xf: {  	s18 =	sadd.s32 $0xDC00, s7;
	s19 =	sadd.s32 $0xF000, s7;
	[dreg:$0x7] =	wrdreg s23  }
0x10: {  	s20 =	sadd.s32 $0x10400, s7;
	s21 =	sadd.s32 $0x11800, s7;
	[dreg:$0x8] =	wrdreg s24  }
0x11: {  	s22 =	sadd.s32 $0x2C00, s5;
	s5 =	sadd.s32 $0xC840, s5;
	[dreg:$0x9] =	wrdreg s25  }
0x12: {  	[dreg:$0xa] =	wrdreg s26;
	s23 =	sadd.s32 $0x16600, s2;
	s24 =	smax.u32 s0, $0x1  }
0x13: {  	s25 =	simm.s32 $0x6;
	s2 =	simm.s32 $0x7620;
	s26 =	simm.s32 $0x8A20  }
0x14: {  	s0 =	simm.s32 $0x9E20;
	s4 =	simm.s32 $0x2;
	[dreg:$0x4] =	wrdreg s22  }
0x15: {  	v0 =	vimm.f32 $0.0e+00;
	[dreg:$0x5] =	wrdreg s5;
	s22 =	sadd.s32 $0x12C00, s7;
	s5 =	simm.s32 $0x3  }
.LBB2_1:
0x16: {  	s10 =	simm.s32 $0x0;
	s11 =	rddreg [dreg:$0x4]  }
0x17: {  	[tilespmem:s10], [sflag:$0x6] =	stream.linear.gather [hbm4b:s11+s10], $0x2710, $0x38;
	[tilespmem:$0x1EAA0] =	vst v63  }
0x18: {  	_ =	swait.ge [sflag:s25], $0x2710  }
0x19: {  	[sflag:s25] =	ssyncset.done $0x0  }
0x1a: {  	s12 =	simm.s32 $0x2710;
	s11 =	rddreg [dreg:$0x5];
	[sflag:s25] =	ssyncadd.s32 $0xFFFFD8F0  }
0x1b: {  	[tilespmem:s12], [sflag:$0x6] =	stream.linear.gather [hbm4b:s11+s10], $0x2710, $0x38;
	[tilespmem:$0x1EAA0] =	vst v63  }
0x1c: {  	_ =	swait.ge [sflag:s25], $0x2710  }
0x1d: {  	[sflag:s25] =	ssyncset.done $0x0  }
0x1e: {  	s10 =	simm.s32 $0x0;
	s11 =	simm.s32 $0x200;
	[sflag:s25] =	ssyncadd.s32 $0xFFFFD8F0  }
.LBB2_2:
0x1f: {  	p0 =	sne.s32 s11, $0x4E00;
	[tilespmem:s10+$0x4E90] =	vst v0  }
0x20: {  	[tilespmem:s10+$0x4E20] =	vst v0  }
0x21: {  	[tilespmem:s10+$0x4E30] =	vst v0  }
.Ltmp0:
0x22: {  	[tilespmem:s10+$0x4E40] =	vst v0;
	(pc) =	sbr.rel @p0 .LBB2_2-.Ltmp0, $4  }
0x23: {  	[tilespmem:s10+$0x4E50] =	vst v0  }
0x24: {  	[tilespmem:s10+$0x4E60] =	vst v0  }
0x25: {  	[tilespmem:s10+$0x4E70] =	vst v0  }
0x26: {  	[tilespmem:s10+$0x4E80] =	vst v0;
	s10 =	sshra.s32 s11, $0x2;
	s11 =	sadd.s32 $0x200, s11  }
0x27: {  	[tilespmem:s10+$0x4E90] =	vst v0  }
0x28: {  	[tilespmem:s10+$0x4E20] =	vst v0  }
0x29: {  	[tilespmem:s10+$0x4E30] =	vst v0  }
0x2a: {  	[tilespmem:s10+$0x4E40] =	vst v0  }
0x2b: {  	[tilespmem:s10+$0x4E50] =	vst v0  }
0x2c: {  	[tilespmem:s10+$0x4E60] =	vst v0  }
0x2d: {  	[tilespmem:s10+$0x4E70] =	vst v0  }
0x2e: {  	[tilespmem:s10+$0x4E80] =	vst v0  }
0x2f: {  	[spmem:s7] =	stream.linear.scatter [tilespmem:s28], [sflag:$0x6], $0x1400, $0x38;
	[tilespmem:$0x1EAA0] =	vst v63  }
0x30: {  	_ =	swait.ge [sflag:s25], $0x1400  }
0x31: {  	[sflag:s25] =	ssyncset.done $0x0  }
0x32: {  	s11 =	rddreg [dreg:$0x6];
	[sflag:s25] =	ssyncadd.s32 $0xFFFFEC00  }
0x33: {  	[spmem:s11] =	stream.linear.scatter [tilespmem:s28], [sflag:$0x6], $0x1400, $0x38;
	[tilespmem:$0x1EAA0] =	vst v63  }
0x34: {  	_ =	swait.ge [sflag:s25], $0x1400  }
0x35: {  	[sflag:s25] =	ssyncset.done $0x0  }
0x36: {  	s12 =	rddreg [dreg:$0x7];
	[sflag:s25] =	ssyncadd.s32 $0xFFFFEC00  }
0x37: {  	[spmem:s12] =	stream.linear.scatter [tilespmem:s28], [sflag:$0x6], $0x1400, $0x38;
	[tilespmem:$0x1EAA0] =	vst v63  }
0x38: {  	_ =	swait.ge [sflag:s25], $0x1400  }
0x39: {  	[sflag:s25] =	ssyncset.done $0x0  }
0x3a: {  	s11 =	rddreg [dreg:$0x8];
	[sflag:s25] =	ssyncadd.s32 $0xFFFFEC00  }
0x3b: {  	[spmem:s11] =	stream.linear.scatter [tilespmem:s28], [sflag:$0x6], $0x1400, $0x38;
	[tilespmem:$0x1EAA0] =	vst v63  }
0x3c: {  	_ =	swait.ge [sflag:s25], $0x1400  }
0x3d: {  	[sflag:s25] =	ssyncset.done $0x0  }
0x3e: {  	s12 =	rddreg [dreg:$0x9];
	[sflag:s25] =	ssyncadd.s32 $0xFFFFEC00  }
0x3f: {  	[spmem:s12] =	stream.linear.scatter [tilespmem:s28], [sflag:$0x6], $0x1400, $0x38;
	[tilespmem:$0x1EAA0] =	vst v63  }
0x40: {  	_ =	swait.ge [sflag:s25], $0x1400  }
0x41: {  	[sflag:s25] =	ssyncset.done $0x0  }
0x42: {  	s11 =	rddreg [dreg:$0xa];
	[sflag:s25] =	ssyncadd.s32 $0xFFFFEC00  }
0x43: {  	[spmem:s11] =	stream.linear.scatter [tilespmem:s28], [sflag:$0x6], $0x1400, $0x38;
	[tilespmem:$0x1EAA0] =	vst v63  }
0x44: {  	_ =	swait.ge [sflag:s25], $0x1400  }
0x45: {  	[sflag:s25] =	ssyncset.done $0x0  }
0x46: {  	[sflag:s25] =	ssyncadd.s32 $0xFFFFEC00  }
0x47: {  	[spmem:s13] =	stream.linear.scatter [tilespmem:s28], [sflag:$0x6], $0x1400, $0x38;
	[tilespmem:$0x1EAA0] =	vst v63  }
0x48: {  	_ =	swait.ge [sflag:s25], $0x1400  }
0x49: {  	[sflag:s25] =	ssyncset.done $0x0  }
0x4a: {  	[sflag:s25] =	ssyncadd.s32 $0xFFFFEC00  }
0x4b: {  	[spmem:s14] =	stream.linear.scatter [tilespmem:s28], [sflag:$0x6], $0x1400, $0x38;
	[tilespmem:$0x1EAA0] =	vst v63  }
0x4c: {  	_ =	swait.ge [sflag:s25], $0x1400  }
0x4d: {  	[sflag:s25] =	ssyncset.done $0x0  }
0x4e: {  	[sflag:s25] =	ssyncadd.s32 $0xFFFFEC00  }
0x4f: {  	[spmem:s15] =	stream.linear.scatter [tilespmem:s28], [sflag:$0x6], $0x1400, $0x38;
	[tilespmem:$0x1EAA0] =	vst v63  }
0x50: {  	_ =	swait.ge [sflag:s25], $0x1400  }
0x51: {  	[sflag:s25] =	ssyncset.done $0x0  }
0x52: {  	[sflag:s25] =	ssyncadd.s32 $0xFFFFEC00  }
0x53: {  	[spmem:s16] =	stream.linear.scatter [tilespmem:s28], [sflag:$0x6], $0x1400, $0x38;
	[tilespmem:$0x1EAA0] =	vst v63  }
0x54: {  	_ =	swait.ge [sflag:s25], $0x1400  }
0x55: {  	[sflag:s25] =	ssyncset.done $0x0  }
0x56: {  	[sflag:s25] =	ssyncadd.s32 $0xFFFFEC00  }
0x57: {  	[spmem:s17] =	stream.linear.scatter [tilespmem:s28], [sflag:$0x6], $0x1400, $0x38;
	[tilespmem:$0x1EAA0] =	vst v63  }
0x58: {  	_ =	swait.ge [sflag:s25], $0x1400  }
0x59: {  	[sflag:s25] =	ssyncset.done $0x0  }
0x5a: {  	[sflag:s25] =	ssyncadd.s32 $0xFFFFEC00  }
0x5b: {  	[spmem:s18] =	stream.linear.scatter [tilespmem:s28], [sflag:$0x6], $0x1400, $0x38;
	[tilespmem:$0x1EAA0] =	vst v63  }
0x5c: {  	_ =	swait.ge [sflag:s25], $0x1400  }
0x5d: {  	[sflag:s25] =	ssyncset.done $0x0  }
0x5e: {  	[sflag:s25] =	ssyncadd.s32 $0xFFFFEC00  }
0x5f: {  	[spmem:s19] =	stream.linear.scatter [tilespmem:s28], [sflag:$0x6], $0x1400, $0x38;
	[tilespmem:$0x1EAA0] =	vst v63  }
0x60: {  	_ =	swait.ge [sflag:s25], $0x1400  }
0x61: {  	[sflag:s25] =	ssyncset.done $0x0  }
0x62: {  	[sflag:s25] =	ssyncadd.s32 $0xFFFFEC00  }
0x63: {  	[spmem:s20] =	stream.linear.scatter [tilespmem:s28], [sflag:$0x6], $0x1400, $0x38;
	[tilespmem:$0x1EAA0] =	vst v63  }
0x64: {  	_ =	swait.ge [sflag:s25], $0x1400  }
0x65: {  	[sflag:s25] =	ssyncset.done $0x0  }
0x66: {  	[sflag:s25] =	ssyncadd.s32 $0xFFFFEC00  }
0x67: {  	[spmem:s21] =	stream.linear.scatter [tilespmem:s28], [sflag:$0x6], $0x1400, $0x38;
	[tilespmem:$0x1EAA0] =	vst v63  }
0x68: {  	_ =	swait.ge [sflag:s25], $0x1400  }
0x69: {  	[sflag:s25] =	ssyncset.done $0x0  }
0x6a: {  	[sflag:s25] =	ssyncadd.s32 $0xFFFFEC00  }
0x6b: {  	[spmem:s22] =	stream.linear.scatter [tilespmem:s28], [sflag:$0x6], $0xC80, $0x38;
	[tilespmem:$0x1EAA0] =	vst v63  }
0x6c: {  	_ =	swait.ge [sflag:s25], $0xC80  }
0x6d: {  	[sflag:s25] =	ssyncset.done $0x0  }
0x6e: {  	[sflag:s25] =	ssyncadd.s32 $0xFFFFF380  }
0x6f: {  	s12 =	simm.s32 $0x0;
	[bflag:$0x0] =	sbarrier.arrive $0xFFFF  }
0x70: {  	[tilespmem:s28], [sflag:$0x1] =	stream.indirect.gather [hbm4b:s1+s29], $0x80, s12, s29, $0xb8;
	[tilespmem:$0x1EAA0] =	vst v63  }
0x71: {  	_ = 	snop  }
0x72: {  	[tilespmem:s30], [sflag:$0x2] =	stream.indirect.gather [hbm4b:s1+s29], $0x80, s29, s29, $0xb8;
	[tilespmem:$0x1EAA0] =	vst v63  }
0x73: {  	s11 =	simm.s32 $0x50  }
0x74: {  	[tilespmem:s2], [sflag:$0x3] =	stream.indirect.gather [hbm4b:s1+s29], $0x80, s11, s29, $0xb8;
	[tilespmem:$0x1EAA0] =	vst v63  }
0x75: {  	s12 =	simm.s32 $0x78  }
0x76: {  	[tilespmem:s26], [sflag:$0x4] =	stream.indirect.gather [hbm4b:s1+s29], $0x80, s12, s29, $0xb8;
	[tilespmem:$0x1EAA0] =	vst v63  }
0x77: {  	s11 =	simm.s32 $0xA0  }
0x78: {  	[tilespmem:s0], [sflag:$0x5] =	stream.indirect.gather [hbm4b:s1+s29], $0x80, s11, s29, $0xb8;
	[tilespmem:$0x1EAA0] =	vst v63  }
0x79: {  	_ =	swait.ge [sflag:s31], $0x1400  }
0x7a: {  	[sflag:s31] =	ssyncset.done $0x0  }
0x7b: {  	s12 =	simm.s32 $0x2710;
	[sflag:s31] =	ssyncadd.s32 $0xFFFFEC00  }
0x7c: {  	[spmem:s3] =	stream.indirect.scatter.add.f32 [tilespmem:s28], [sflag:$0x6], $0x80, s12, s29, $0xb8;
	[tilespmem:$0x1EAA0] =	vst v63  }
0x7d: {  	_ =	swait.ge [sflag:s25], $0x1400  }
0x7e: {  	[sflag:s25] =	ssyncset.done $0x0  }
0x7f: {  	s11 =	simm.s32 $0xC8;
	[sflag:s25] =	ssyncadd.s32 $0xFFFFEC00  }
0x80: {  	[tilespmem:s28], [sflag:$0x1] =	stream.indirect.gather [hbm4b:s1+s29], $0x80, s11, s29, $0xb8;
	[tilespmem:$0x1EAA0] =	vst v63  }
0x81: {  	_ =	swait.ge [sflag:s4], $0x1400  }
0x82: {  	[sflag:s4] =	ssyncset.done $0x0  }
0x83: {  	s12 =	simm.s32 $0x2738;
	[sflag:s4] =	ssyncadd.s32 $0xFFFFEC00  }
0x84: {  	[spmem:s3] =	stream.indirect.scatter.add.f32 [tilespmem:s30], [sflag:$0x6], $0x80, s12, s29, $0xb8;
	[tilespmem:$0x1EAA0] =	vst v63  }
0x85: {  	_ =	swait.ge [sflag:s25], $0x1400  }
0x86: {  	[sflag:s25] =	ssyncset.done $0x0  }
0x87: {  	s11 =	simm.s32 $0xF0;
	[sflag:s25] =	ssyncadd.s32 $0xFFFFEC00  }
0x88: {  	[tilespmem:s30], [sflag:$0x2] =	stream.indirect.gather [hbm4b:s1+s29], $0x80, s11, s29, $0xb8;
	[tilespmem:$0x1EAA0] =	vst v63  }
0x89: {  	_ =	swait.ge [sflag:s5], $0x1400  }
0x8a: {  	[sflag:s5] =	ssyncset.done $0x0  }
0x8b: {  	s12 =	simm.s32 $0x2760;
	[sflag:s5] =	ssyncadd.s32 $0xFFFFEC00  }
0x8c: {  	[spmem:s3] =	stream.indirect.scatter.add.f32 [tilespmem:s2], [sflag:$0x6], $0x80, s12, s29, $0xb8;
	[tilespmem:$0x1EAA0] =	vst v63  }
0x8d: {  	_ =	swait.ge [sflag:s25], $0x1400  }
0x8e: {  	[sflag:s25] =	ssyncset.done $0x0  }
0x8f: {  	s11 =	simm.s32 $0x118;
	[sflag:s25] =	ssyncadd.s32 $0xFFFFEC00  }
0x90: {  	[tilespmem:s2], [sflag:$0x3] =	stream.indirect.gather [hbm4b:s1+s29], $0x80, s11, s29, $0xb8;
	[tilespmem:$0x1EAA0] =	vst v63  }
0x91: {  	_ =	swait.ge [sflag:s6], $0x1400  }
0x92: {  	[sflag:s6] =	ssyncset.done $0x0  }
0x93: {  	s12 =	simm.s32 $0x2788;
	[sflag:s6] =	ssyncadd.s32 $0xFFFFEC00  }
0x94: {  	[spmem:s3] =	stream.indirect.scatter.add.f32 [tilespmem:s26], [sflag:$0x6], $0x80, s12, s29, $0xb8;
	[tilespmem:$0x1EAA0] =	vst v63  }
0x95: {  	_ =	swait.ge [sflag:s25], $0x1400  }
0x96: {  	[sflag:s25] =	ssyncset.done $0x0  }
0x97: {  	s11 =	simm.s32 $0x140;
	[sflag:s25] =	ssyncadd.s32 $0xFFFFEC00  }
0x98: {  	[tilespmem:s26], [sflag:$0x4] =	stream.indirect.gather [hbm4b:s1+s29], $0x80, s11, s29, $0xb8;
	[tilespmem:$0x1EAA0] =	vst v63  }
0x99: {  	_ =	swait.ge [sflag:s8], $0x1400  }
0x9a: {  	[sflag:s8] =	ssyncset.done $0x0  }
0x9b: {  	s12 =	simm.s32 $0x27B0;
	[sflag:s8] =	ssyncadd.s32 $0xFFFFEC00  }
0x9c: {  	[spmem:s3] =	stream.indirect.scatter.add.f32 [tilespmem:s0], [sflag:$0x6], $0x80, s12, s29, $0xb8;
	[tilespmem:$0x1EAA0] =	vst v63  }
0x9d: {  	_ =	swait.ge [sflag:s25], $0x1400  }
0x9e: {  	[sflag:s25] =	ssyncset.done $0x0  }
0x9f: {  	s10 =	simm.s32 $0x320;
	s11 =	simm.s32 $0x168;
	[sflag:s25] =	ssyncadd.s32 $0xFFFFEC00  }
.LBB2_4:
0xa0: {  	[tilespmem:s0], [sflag:$0x5] =	stream.indirect.gather [hbm4b:s1+s29], $0x80, s11, s29, $0xb8;
	[tilespmem:$0x1EAA0] =	vst v63  }
0xa1: {  	s11 =	smov.u32 s10  }
0xa2: {  	p0 =	sne.s32 s10, $0x9600;
	s10 =	sadd.s32 $0x320, s10;
	_ =	swait.ge [sflag:s31], $0x1400  }
0xa3: {  	s11 =	sshra.s32 s11, $0x2;
	[sflag:s31] =	ssyncset.done $0x0  }
0xa4: {  	s12 =	sadd.s32 $0x2710, s11;
	[sflag:s31] =	ssyncadd.s32 $0xFFFFEC00  }
0xa5: {  	[spmem:s3] =	stream.indirect.scatter.add.f32 [tilespmem:s28], [sflag:$0x6], $0x80, s12, s29, $0xb8;
	[tilespmem:$0x1EAA0] =	vst v63  }
0xa6: {  	_ =	swait.ge [sflag:s25], $0x1400  }
0xa7: {  	[sflag:s25] =	ssyncset.done $0x0  }
0xa8: {  	s12 =	sadd.s32 $0xC8, s11;
	[sflag:s25] =	ssyncadd.s32 $0xFFFFEC00  }
0xa9: {  	[tilespmem:s28], [sflag:$0x1] =	stream.indirect.gather [hbm4b:s1+s29], $0x80, s12, s29, $0xb8;
	[tilespmem:$0x1EAA0] =	vst v63  }
0xaa: {  	_ =	swait.ge [sflag:s4], $0x1400  }
0xab: {  	[sflag:s4] =	ssyncset.done $0x0  }
0xac: {  	s12 =	sadd.s32 $0x2738, s11;
	[sflag:s4] =	ssyncadd.s32 $0xFFFFEC00  }
0xad: {  	[spmem:s3] =	stream.indirect.scatter.add.f32 [tilespmem:s30], [sflag:$0x6], $0x80, s12, s29, $0xb8;
	[tilespmem:$0x1EAA0] =	vst v63  }
0xae: {  	_ =	swait.ge [sflag:s25], $0x1400  }
0xaf: {  	[sflag:s25] =	ssyncset.done $0x0  }
0xb0: {  	s12 =	sadd.s32 $0xF0, s11;
	[sflag:s25] =	ssyncadd.s32 $0xFFFFEC00  }
0xb1: {  	[tilespmem:s30], [sflag:$0x2] =	stream.indirect.gather [hbm4b:s1+s29], $0x80, s12, s29, $0xb8;
	[tilespmem:$0x1EAA0] =	vst v63  }
0xb2: {  	_ =	swait.ge [sflag:s5], $0x1400  }
0xb3: {  	[sflag:s5] =	ssyncset.done $0x0  }
0xb4: {  	s12 =	sadd.s32 $0x2760, s11;
	[sflag:s5] =	ssyncadd.s32 $0xFFFFEC00  }
0xb5: {  	[spmem:s3] =	stream.indirect.scatter.add.f32 [tilespmem:s2], [sflag:$0x6], $0x80, s12, s29, $0xb8;
	[tilespmem:$0x1EAA0] =	vst v63  }
0xb6: {  	_ =	swait.ge [sflag:s25], $0x1400  }
0xb7: {  	[sflag:s25] =	ssyncset.done $0x0  }
0xb8: {  	s12 =	sadd.s32 $0x118, s11;
	[sflag:s25] =	ssyncadd.s32 $0xFFFFEC00  }
0xb9: {  	[tilespmem:s2], [sflag:$0x3] =	stream.indirect.gather [hbm4b:s1+s29], $0x80, s12, s29, $0xb8;
	[tilespmem:$0x1EAA0] =	vst v63  }
0xba: {  	_ =	swait.ge [sflag:s6], $0x1400  }
0xbb: {  	[sflag:s6] =	ssyncset.done $0x0  }
0xbc: {  	s12 =	sadd.s32 $0x2788, s11;
	[sflag:s6] =	ssyncadd.s32 $0xFFFFEC00  }
0xbd: {  	[spmem:s3] =	stream.indirect.scatter.add.f32 [tilespmem:s26], [sflag:$0x6], $0x80, s12, s29, $0xb8;
	[tilespmem:$0x1EAA0] =	vst v63  }
0xbe: {  	_ =	swait.ge [sflag:s25], $0x1400  }
0xbf: {  	[sflag:s25] =	ssyncset.done $0x0  }
0xc0: {  	s12 =	sadd.s32 $0x140, s11;
	[sflag:s25] =	ssyncadd.s32 $0xFFFFEC00  }
0xc1: {  	[tilespmem:s26], [sflag:$0x4] =	stream.indirect.gather [hbm4b:s1+s29], $0x80, s12, s29, $0xb8;
	[tilespmem:$0x1EAA0] =	vst v63  }
0xc2: {  	_ =	swait.ge [sflag:s8], $0x1400  }
0xc3: {  	[sflag:s8] =	ssyncset.done $0x0  }
.Ltmp1:
0xc4: {  	s12 =	sadd.s32 $0x27B0, s11;
	[sflag:s8] =	ssyncadd.s32 $0xFFFFEC00;
	(pc) =	sbr.rel @p0 .LBB2_4-.Ltmp1, $4  }
0xc5: {  	[spmem:s3] =	stream.indirect.scatter.add.f32 [tilespmem:s0], [sflag:$0x6], $0x80, s12, s29, $0xb8;
	[tilespmem:$0x1EAA0] =	vst v63  }
0xc6: {  	_ =	swait.ge [sflag:s25], $0x1400  }
0xc7: {  	[sflag:s25] =	ssyncset.done $0x0  }
0xc8: {  	s11 =	sadd.s32 $0x168, s11;
	[sflag:s25] =	ssyncadd.s32 $0xFFFFEC00  }
0xc9: {  	[tilespmem:s0], [sflag:$0x5] =	stream.indirect.gather [hbm4b:s1+s29], $0x80, s11, s29, $0xb8;
	[tilespmem:$0x1EAA0] =	vst v63  }
0xca: {  	_ =	swait.ge [sflag:s31], $0x1400  }
0xcb: {  	[sflag:s31] =	ssyncset.done $0x0  }
0xcc: {  	s10 =	simm.s32 $0x4D58;
	[sflag:s31] =	ssyncadd.s32 $0xFFFFEC00  }
0xcd: {  	[spmem:s3] =	stream.indirect.scatter.add.f32 [tilespmem:s28], [sflag:$0x6], $0x80, s10, s29, $0xb8;
	[tilespmem:$0x1EAA0] =	vst v63  }
0xce: {  	_ =	swait.ge [sflag:s25], $0x1400  }
0xcf: {  	[sflag:s25] =	ssyncset.done $0x0  }
0xd0: {  	[sflag:s25] =	ssyncadd.s32 $0xFFFFEC00  }
0xd1: {  	_ =	swait.ge [sflag:s4], $0x1400  }
0xd2: {  	[sflag:s4] =	ssyncset.done $0x0  }
0xd3: {  	s11 =	simm.s32 $0x4D80;
	[sflag:s4] =	ssyncadd.s32 $0xFFFFEC00  }
0xd4: {  	[spmem:s3] =	stream.indirect.scatter.add.f32 [tilespmem:s30], [sflag:$0x6], $0x80, s11, s29, $0xb8;
	[tilespmem:$0x1EAA0] =	vst v63  }
0xd5: {  	_ =	swait.ge [sflag:s25], $0x1400  }
0xd6: {  	[sflag:s25] =	ssyncset.done $0x0  }
0xd7: {  	[sflag:s25] =	ssyncadd.s32 $0xFFFFEC00  }
0xd8: {  	_ =	swait.ge [sflag:s5], $0x1400  }
0xd9: {  	[sflag:s5] =	ssyncset.done $0x0  }
0xda: {  	s12 =	simm.s32 $0x4DA8;
	[sflag:s5] =	ssyncadd.s32 $0xFFFFEC00  }
0xdb: {  	[spmem:s3] =	stream.indirect.scatter.add.f32 [tilespmem:s2], [sflag:$0x6], $0x80, s12, s29, $0xb8;
	[tilespmem:$0x1EAA0] =	vst v63  }
0xdc: {  	_ =	swait.ge [sflag:s25], $0x1400  }
0xdd: {  	[sflag:s25] =	ssyncset.done $0x0  }
0xde: {  	[sflag:s25] =	ssyncadd.s32 $0xFFFFEC00  }
0xdf: {  	_ =	swait.ge [sflag:s6], $0x1400  }
0xe0: {  	[sflag:s6] =	ssyncset.done $0x0  }
0xe1: {  	s11 =	simm.s32 $0x4DD0;
	[sflag:s6] =	ssyncadd.s32 $0xFFFFEC00  }
0xe2: {  	[spmem:s3] =	stream.indirect.scatter.add.f32 [tilespmem:s26], [sflag:$0x6], $0x80, s11, s29, $0xb8;
	[tilespmem:$0x1EAA0] =	vst v63  }
0xe3: {  	_ =	swait.ge [sflag:s25], $0x1400  }
0xe4: {  	[sflag:s25] =	ssyncset.done $0x0  }
0xe5: {  	[sflag:s25] =	ssyncadd.s32 $0xFFFFEC00  }
0xe6: {  	_ =	swait.ge [sflag:s8], $0x1400  }
0xe7: {  	[sflag:s8] =	ssyncset.done $0x0  }
0xe8: {  	s12 =	simm.s32 $0x4DF8;
	[sflag:s8] =	ssyncadd.s32 $0xFFFFEC00  }
0xe9: {  	[spmem:s3] =	stream.indirect.scatter.add.f32 [tilespmem:s0], [sflag:$0x6], $0x80, s12, s29, $0xb8;
	[tilespmem:$0x1EAA0] =	vst v63  }
0xea: {  	s11 =	stileid.u32;
	_ =	swait.ge [sflag:s25], $0x1400  }
0xeb: {  	s9 =	sadd.s32 $0x1, s9;
	s10 =	sshll.u32 s11, $0x6;
	[sflag:s25] =	ssyncset.done $0x0  }
0xec: {  	p0 =	sne.s32 s9, s24;
	s10 =	sor.u32 $0x1C06, s10;
	[sflag:s25] =	ssyncadd.s32 $0xFFFFEC00  }
.Ltmp2:
0xed: {  	s12 =	sshrl.u32 s7, $0x3;
	[bflag:$0x0] =	sbarrier.arrive $0xFFFF;
	(pc) =	sbr.rel @p0 .LBB2_1-.Ltmp2, $4  }
0xee: {  	[hbm:s23], [sflag:s10] =	dma.local [spmem:s12], $0x2710  }
0xef: {  	_ =	swait.ge [sflag:s25], $0x2710  }
0xf0: {  	[sflag:s25] =	ssyncset.done $0x0  }
0xf1: {  	[sflag:s25] =	ssyncadd.s32 $0xFFFFD8F0  }
0xf2: {  	_ =	sfence.sel $0x180000  }
0xf3: {  	[bflag:$0x0] =	sbarrier.arrive $0xFFFF  }
0xf4: {  	_ =	strace $0x9000004A  }
0xf5: {  	s0 =	stileid.u32;
	[bflag:$0x2] =	sbarrier.arrive $0xFFFF  }
0xf6: {  	p0 =	sne.s32 s0, $0x0;
	s0 =	rddreg [dreg:$0x3]  }
0xf7: {  	s0 =	sadd.s32 @!p0 $0x100000, s0  }
0xf8: {  	[sflag:s0] =	ssyncadd.tile.s32 @!p0 $0x1;
	_ =	shalt  }
.Lfunc_end2:
_tile_overlayer_lowered:
.L_overlay_start_2:
0xf9: {  	(tag) =	ssettag $0x2  }
0xfa: {  	s0 =	rddreg [dreg:$0x0];
	s2 =	stileid.u32  }
0xfb: {  	s1 =	rddreg [dreg:$0x1];
	p0 =	sne.s32 s2, $0x0  }
0xfc: {  	s3 =	rddreg [dreg:$0x2];
	[bflag:$0x3] =	sbarrier.arrive $0xFFFF;
	s2 =	simm.s32 @!p0 $0x1C06  }
0xfd: {  	[timem:s3], [sflag:s2] =	dma.local @!p0 [hbm:s0], s1  }
0xfe: {  	s0 =	simm.s32 @!p0 $0x6  }
0xff: {  	_ =	swait.ge @!p0 [sflag:s0], s1  }
0x100: {  	s1 =	ssub.s32 @!p0 $0x0, s1;
	[sflag:s0] =	ssyncset.done @!p0 $0x0  }
0x101: {  	[sflag:s0] =	ssyncadd.s32 @!p0 s1  }
0x102: {  	[bflag:$0x3] =	sbarrier.arrive $0xFFFF  }
0x103: {  	_ =	shalt  }

// kernel: kernel.7.cloned.1.call-start
scs
__scs_entry_jumppad:
0x0: {  	(pc) =	sbr.rel $0x88, $3  }
0x1: {  	(tag) =	ssettag $0x0;
	lr =	simm.s32 $0x1  }
0x2: {  	[smem:$0x3F97] =	sst lr;
	_ =	strace $0xD0000000  }
0x3: {  	_ = 	snop  }
0x4: {  	_ = 	snop  }
0x5: {  	_ = 	snop  }
0x6: {  	_ = 	snop  }
0x7: {  	_ = 	snop  }
__scs_overlays_trampoline_lowered:
0x8: {  	[smem:$0x3FA6] =	sst s0  }
0x9: {  	[smem:$0x3FA7] =	sst s1  }
0xa: {  	[smem:$0x3FA8] =	sst s2  }
0xb: {  	[smem:$0x3FA9] =	sst s3  }
0xc: {  	[smem:$0x3FAA] =	sst s4  }
0xd: {  	[smem:$0x3FAB] =	sst s5  }
0xe: {  	[smem:$0x3FAC] =	sst s6  }
0xf: {  	[smem:$0x3FAD] =	sst s7  }
0x10: {  	[smem:$0x3FAE] =	sst s8  }
0x11: {  	[smem:$0x3FAF] =	sst s9;
	s0 =	simm.s32 @!p0 $0x0  }
0x12: {  	s1 =	sld [smem:$0x3F95];
	s0 =	simm.s32 @p0 $0x1  }
0x13: {  	[smem:$0x3FB0] =	sst s0;
	s0 =	simm.s32 @!p1 $0x0  }
0x14: {  	s2 =	sld [smem:$0x3F94];
	s0 =	simm.s32 @p1 $0x1  }
0x15: {  	[smem:$0x3FB1] =	sst s0;
	s0 =	simm.s32 @!p2 $0x0  }
0x16: {  	s3 =	sld [smem:$0x3FDB];
	s0 =	simm.s32 @p2 $0x1  }
0x17: {  	s4 =	simm.s32 $0x1BF5;
	[smem:$0x3FB3] =	sst s0  }
0x18: {  	s0 =	sld [smem:$0x3F96];
	_ =	swait.ge [sflag:s4], $0x0  }
0x19: {  	s7 =	sld [smem:$0x3F97]  }
0x1a: {  	s8 =	sadd.s32 $0xFFFFE003, lr  }
0x1b: {  	s9 =	sadd.s32 $0xFFFFFEF7, lr;
	s5 =	simm.s32 $0xFFFFFFFF;
	p2 =	slt.u32 s8, $0xFFFFF086  }
0x1c: {  	p1 =	slt.u32 s9, $0xF7A;
	s5 =	simm.s32 @!p2 $0x0  }
0x1d: {  	s5 =	simm.s32 @p1 $0x1;
	p0 =	seq.s32 s7, s2  }
0x1e: {  	s7 =	smul.u32 @!p0 $0xF7A, s2;
	p2 =	seq.s32 @!p0 s5, $0x0  }
0x1f: {  	s9 =	smul.u32 $0xF7A, s1;
	s8 =	simm.s32 @!p0 $0x1BF5;
	p2 =	por !p2, p0  }
0x20: {  	[sflag:s8] =	ssyncset.s32 @!p0 $0xFFFFF086;
	s6 =	sadd.s32 @!p0 s3, s7;
	s7 =	simm.s32 @!p0 $0x108  }
0x21: {  	s3 =	sadd.s32 s3, s9;
	s6 =	sadd.s32 @!p0 $0x88, s6;
	s7 =	simm.s32 @p2 $0x1082  }
0x22: {  	[simem:s7], [sflag:s8] =	dma.local @!p0 [hbm:s6], $0xF7A  }
0x23: {  	s9 =	sor.u32 $0xD0000000, s2;
	s6 =	simm.s32 $0x108;
	_ =	swait.ge @!p0 [sflag:s8], $0x0  }
0x24: {  	s3 =	sadd.s32 $0x88, s3;
	s6 =	simm.s32 @!p1 $0x1082;
	[sflag:s4] =	ssyncset.s32 $0xFFFFF086  }
0x25: {  	[simem:s6], [sflag:s4] =	dma.local [hbm:s3], $0xF7A  }
0x26: {  	[smem:$0x3F97] =	sst s1;
	(tag) =	ssettag s2;
	_ =	strace s9  }
0x27: {  	s1 =	sld [smem:$0x3FA7]  }
0x28: {  	s2 =	sld [smem:$0x3FA8]  }
0x29: {  	s4 =	sld [smem:$0x3FAA]  }
0x2a: {  	p0 =	seq.s32 s5, $0x0;
	s5 =	sld [smem:$0x3FAB]  }
0x2b: {  	s6 =	sld [smem:$0x3FAC]  }
0x2c: {  	s7 =	sld [smem:$0x3FAD]  }
0x2d: {  	s3 =	simm.s32 $0x108;
	s8 =	sld [smem:$0x3FAE]  }
0x2e: {  	s3 =	simm.s32 @!p0 $0x1082;
	s9 =	sld [smem:$0x3FAF]  }
0x2f: {  	lr =	sadd.s32 s0, s3;
	s0 =	sld [smem:$0x3FA6]  }
0x30: {  	s3 =	sld [smem:$0x3FA9]  }
0x31: {  	[smem:$0x3FB2] =	sst s10  }
0x32: {  	s10 =	sld [smem:$0x3FB0];
	_ =	sdelay $0x3  }
0x33: {  	p0 =	seq.s32 s10, $0x1;
	s10 =	sld [smem:$0x3FB2];
	_ =	sdelay $0x3  }
0x34: {  	[smem:$0x3FB2] =	sst s10  }
0x35: {  	s10 =	sld [smem:$0x3FB1];
	_ =	sdelay $0x3  }
0x36: {  	p1 =	seq.s32 s10, $0x1;
	s10 =	sld [smem:$0x3FB2];
	_ =	sdelay $0x3  }
0x37: {  	[smem:$0x3FB2] =	sst s10  }
0x38: {  	s10 =	sld [smem:$0x3FB3]  }
0x39: {  	_ = 	snop;
	(pc) =	sbr.ind lr, $3  }
0x3a: {  	_ = 	snop  }
0x3b: {  	_ = 	snop  }
0x3c: {  	p2 =	seq.s32 s10, $0x1;
	s10 =	sld [smem:$0x3FB2]  }
0x3d: {  	_ =	shalt  }
0x3e: {  	_ =	shalt  }
0x3f: {  	_ =	shalt  }
0x40: {  	_ =	shalt  }
0x41: {  	_ =	shalt  }
0x42: {  	_ =	shalt  }
0x43: {  	_ =	shalt  }
0x44: {  	_ =	shalt  }
0x45: {  	_ =	shalt  }
0x46: {  	_ =	shalt  }
0x47: {  	_ =	shalt  }
0x48: {  	_ =	shalt  }
0x49: {  	_ =	shalt  }
0x4a: {  	_ =	shalt  }
0x4b: {  	_ =	shalt  }
0x4c: {  	_ =	shalt  }
0x4d: {  	_ =	shalt  }
0x4e: {  	_ =	shalt  }
0x4f: {  	_ =	shalt  }
0x50: {  	_ =	shalt  }
0x51: {  	_ =	shalt  }
0x52: {  	_ =	shalt  }
0x53: {  	_ =	shalt  }
0x54: {  	_ =	shalt  }
0x55: {  	_ =	shalt  }
0x56: {  	_ =	shalt  }
0x57: {  	_ =	shalt  }
0x58: {  	_ =	shalt  }
0x59: {  	_ =	shalt  }
0x5a: {  	_ =	shalt  }
0x5b: {  	_ =	shalt  }
0x5c: {  	_ =	shalt  }
0x5d: {  	_ =	shalt  }
0x5e: {  	_ =	shalt  }
0x5f: {  	_ =	shalt  }
0x60: {  	_ =	shalt  }
0x61: {  	_ =	shalt  }
0x62: {  	_ =	shalt  }
0x63: {  	_ =	shalt  }
0x64: {  	_ =	shalt  }
0x65: {  	_ =	shalt  }
0x66: {  	_ =	shalt  }
0x67: {  	_ =	shalt  }
0x68: {  	_ =	shalt  }
0x69: {  	_ =	shalt  }
0x6a: {  	_ =	shalt  }
0x6b: {  	_ =	shalt  }
0x6c: {  	_ =	shalt  }
0x6d: {  	_ =	shalt  }
0x6e: {  	_ =	shalt  }
0x6f: {  	_ =	shalt  }
0x70: {  	_ =	shalt  }
0x71: {  	_ =	shalt  }
0x72: {  	_ =	shalt  }
0x73: {  	_ =	shalt  }
0x74: {  	_ =	shalt  }
0x75: {  	_ =	shalt  }
0x76: {  	_ =	shalt  }
0x77: {  	_ =	shalt  }
0x78: {  	_ =	shalt  }
0x79: {  	_ =	shalt  }
0x7a: {  	_ =	shalt  }
0x7b: {  	_ =	shalt  }
0x7c: {  	_ =	shalt  }
0x7d: {  	_ =	shalt  }
0x7e: {  	_ =	shalt  }
0x7f: {  	_ =	shalt  }
0x80: {  	_ =	shalt  }
0x81: {  	_ =	shalt  }
0x82: {  	_ =	shalt  }
0x83: {  	_ =	shalt  }
0x84: {  	_ =	shalt  }
0x85: {  	_ =	shalt  }
0x86: {  	_ =	shalt  }
0x87: {  	_ =	shalt  }
.Lfunc_end0:
.L_simem_size_0:
called_computation_lowered:
.L_overlay_start_0:
0x88: {  	s2 =	sld [smem:$0x3FD9]  }
0x89: {  	s3 =	sld [smem:$0x3FFE];
	_ =	sdelay $0x1  }
0x8a: {  	s1 =	srdreg.scid  }
0x8b: {  	s0 =	sand.u32 $0x1, s1  }
0x8c: {  	s17 =	sshll.u32 s0, $0xA;
	s2 =	sadd.s32 s3, s2  }
0x8d: {  	s2 =	sadd.s32 s2, s17  }
0x8e: {  	[smem:$0x3FBE] =	sst s2  }
0x8f: {  	_ = 	snop  }
0x90: {  	s2 =	sld [smem:$0x3FC9]  }
0x91: {  	s18 =	sld [smem:$0x3FD0];
	(tm) =	ssettm $0x1  }
0x92: {  	s4 =	sld [smem:$0x3FFB];
	_ =	sdelay $0x3  }
0x93: {  	_ =	strace s4  }
0x94: {  	s4 =	sld [smem:$0x3FFC];
	_ =	sdelay $0x3  }
0x95: {  	_ =	strace s4  }
0x96: {  	s4 =	sld [smem:$0x3FFD];
	_ =	sdelay $0x3  }
0x97: {  	_ =	strace s4  }
0x98: {  	_ =	strace $0x8FFFFFFF  }
0x99: {  	s19 =	sld [smem:$0x3FDB];
	_ =	sdelay $0x1  }
0x9a: {  	s5 =	simm.s32 $_scs_section_size  }
0x9b: {  	s6 =	simm.s32 $_size__tile_overlayer_lowered;
	s7 =	simm.s32 $_tile_overlayer_lowered  }
0x9c: {  	s22 =	simm.s32 $0x1BFF;
	s21 =	sshll.u32 s7, $0x1;
	s4 =	sadd.s32 s5, s19  }
0x9d: {  	s8 =	simm.s32 $0x0;
	s20 =	sshll.u32 s6, $0x1;
	s6 =	sadd.s32 s21, s4  }
0x9e: {  	[timem:s8], [sflag:s22] =	dma.local [hbm:s6], s20  }
0x9f: {  	_ =	swait.ge [sflag:s22], s20  }
0xa0: {  	s5 =	ssub.s32 $0x0, s20;
	[sflag:s22] =	ssyncset.done $0x0  }
0xa1: {  	[sflag:s22] =	ssyncadd.s32 s5;
	_ =	sdelay $0x1  }
0xa2: {  	s23 =	simm.s32 $0x1B8B  }
0xa3: {  	_ =	swait.ge [sflag:s23], $0x1  }
0xa4: {  	[sflag:s23] =	ssyncset.done $0x0  }
0xa5: {  	s25 =	simm.s32 $0x1B8E;
	s24 =	sld [smem:$0x3FFE];
	[sflag:s23] =	ssyncadd.s32 $0xFFFFFFFF  }
0xa6: {  	s26 =	simm.s32 $execute0_lowered;
	[smem:$0x3FD2] =	sst s25  }
0xa7: {  	s6 =	sshll.u32 s26, $0x1;
	_ =	strace $0x80000046;
	[dreg:$0x1] =	wrdreg $0xFFFFFFFF  }
0xa8: {  	s28 =	simm.s32 $_size_execute0_lowered;
	s4 =	sadd.s32 s4, s6;
	[dreg:$0x0] =	wrdreg $0x0  }
0xa9: {  	s6 =	sshll.u32 s28, $0x1;
	[dreg:$0x2] =	wrdreg s4  }
0xaa: {  	[dreg:$0x3] =	wrdreg s6  }
0xab: {  	[dreg:$0x4] =	wrdreg $0xC0  }
0xac: {  	_ =	task [dreg:s8], $0x5FFFF  }
0xad: {  	[dreg:$0x1] =	wrdreg $0xFFFFFFFF  }
0xae: {  	[dreg:$0x0] =	wrdreg $0x60  }
0xaf: {  	[dreg:$0x2] =	wrdreg s2  }
0xb0: {  	[dreg:$0x3] =	wrdreg s24  }
0xb1: {  	[dreg:$0x4] =	wrdreg s18  }
0xb2: {  	[dreg:$0x5] =	wrdreg $0x1EAC80  }
0xb3: {  	[dreg:$0x6] =	wrdreg $0xB2480  }
0xb4: {  	[dreg:$0x7] =	wrdreg $0x9  }
0xb5: {  	_ =	task.clear_ibuf [dreg:s8], $0x8FFFF;
	_ =	strace $0x90000046  }
0xb6: {  	s29 =	simm.s32 $0x9;
	_ =	strace $0x80000048  }
0xb7: {  	_ =	swait.ge [sflag:s29], $0x1  }
0xb8: {  	[sflag:s29] =	ssyncadd.s32 $0xFFFFFFFF  }
0xb9: {  	_ =	strace $0x90000048  }
0xba: {  	_ =	sfence  }
0xbb: {  	s30 =	sld [smem:$0x0];
	_ =	sdelay $0x2  }
0xbc: {  	s31 =	sshll.u32 s1, $0xD;
	s1 =	sshrl.u32 s1, $0x2  }
0xbd: {  	s3 =	sand.u32 $0x4000, s31;
	s1 =	sadd.s32 s1, s30  }
0xbe: {  	s0 =	sor.u32 s3, s0;
	s1 =	sshll.u32 s1, $0x11  }
0xbf: {  	s0 =	sor.u32 s1, s0  }
0xc0: {  	s0 =	sadd.s32 $0x8F2B, s0  }
0xc1: {  	[sflag:s0] =	ssyncadd.remote.s32 $0x1  }
0xc2: {  	_ =	sfence.sel $0xFFFF  }
0xc3: {  	[dreg:$0x0] =	wrdreg $0xFFFFFFFF;
	(pc) =	sbr.abs _section_cstart, $3  }
0xc4: {  	[dreg:$0x1] =	wrdreg $0xFFFFFFFF  }
0xc5: {  	_ =	task.clear_ibuf [dreg:s8], $0x2FFFF;
	_ =	strace $0x9FFFFFFF  }
0xc6: {  	(tm) =	ssettm $0x7FFFFFFF  }
0xc7: {  	_ =	shalt  }
tec
execute0_lowered:
.L_overlay_start_1:
0x0: {  	(tag) =	ssettag $0x1  }
0x1: {  	s0 =	rddreg [dreg:$0x0]  }
0x2: {  	s1 =	rddreg [dreg:$0x1];
	s2 =	srdreg.scid  }
0x3: {  	s3 =	rddreg [dreg:$0x2];
	s10 =	stileid.u32  }
0x4: {  	s4 =	rddreg [dreg:$0x4];
	s5 =	sand.u32 $0x1, s2;
	s8 =	smul.u32 $0x4E200, s10  }
0x5: {  	s6 =	sshll.u32 s5, $0x4;
	s11 =	ssub.s32 $0x2, s5;
	s5 =	smul.u32 $0x4E2, s5  }
0x6: {  	s7 =	simm.s32 $0x0;
	s2 =	rddreg [dreg:$0x3];
	s8 =	sshrl.u32 s8, $0x2  }
0x7: {  	[smem:$0x7FF] =	sst s7;
	s8 =	sadd.s32 s8, s4;
	s3 =	sadd.s32 s3, s5  }
0x8: {  	_ =	strace $0x80000047;
	s14 =	sadd.s32 $0x1400, s8;
	[dreg:$0x15] =	wrdreg s3  }
0x9: {  	s15 =	sadd.s32 $0x2800, s8;
	[dreg:$0x9] =	wrdreg s14  }
0xa: {  	s16 =	sadd.s32 $0x3C00, s8;
	[dreg:$0xa] =	wrdreg s15  }
0xb: {  	s29 =	simm.s32 $0x7;
	s17 =	sadd.s32 $0x5000, s8;
	[dreg:$0xb] =	wrdreg s16  }
0xc: {  	s31 =	simm.s32 $0x4E20;
	s18 =	sadd.s32 $0x6400, s8;
	[dreg:$0xc] =	wrdreg s17  }
0xd: {  	s30 =	simm.s32 $0x7620;
	s19 =	sadd.s32 $0x7800, s8;
	[dreg:$0xd] =	wrdreg s18  }
0xe: {  	p0 =	sne.s32 s10, $0x0;
	s20 =	sadd.s32 $0x8C00, s8;
	[dreg:$0xe] =	wrdreg s19  }
0xf: {  	s6 =	sor.u32 s10, s6;
	s21 =	sadd.s32 $0xA000, s8;
	[dreg:$0xf] =	wrdreg s20  }
0x10: {  	s12 =	sshrl.u32 s11, $0x1;
	s22 =	sadd.s32 $0xB400, s8;
	[dreg:$0x10] =	wrdreg s21  }
0x11: {  	s10 =	simm.s32 $0x2;
	s23 =	sadd.s32 $0xC800, s8;
	[dreg:$0x11] =	wrdreg s22  }
0x12: {  	s6 =	smul.u32 $0x2710, s6;
	s24 =	sadd.s32 $0xDC00, s8;
	[dreg:$0x12] =	wrdreg s23  }
0x13: {  	s5 =	simm.s32 $0x8A20;
	s25 =	sadd.s32 $0xF000, s8;
	[dreg:$0x13] =	wrdreg s24  }
0x14: {  	s26 =	sadd.s32 $0x10400, s8;
	s28 =	sadd.s32 $0x12C00, s8;
	[dreg:$0x14] =	wrdreg s25  }
0x15: {  	s3 =	simm.s32 $0x6220;
	s9 =	sshrl.u32 s6, $0x3;
	[dreg:$0x16] =	wrdreg s26  }
0x16: {  	s26 =	sadd.s32 $0x11800, s8;
	s14 =	simm.s32 $0x4D58;
	s15 =	simm.s32 $0x4D80  }
0x17: {  	s16 =	simm.s32 $0x4DA8;
	s17 =	simm.s32 $0x4DD0;
	s18 =	simm.s32 $0x4DF8  }
0x18: {  	s19 =	simm.s32 $0x6;
	s20 =	simm.s32 $0x0;
	s7 =	sadd.s32 s9, s1  }
0x19: {  	s9 =	sadd.s32 $0x16600, s1;
	s1 =	sadd.s32 s6, s1;
	s6 =	ssub.s32 s11, s12  }
0x1a: {  	s11 =	simm.s32 $0x3;
	[dreg:$0x6] =	wrdreg s9;
	s13 =	sadd.s32 $0x2C00, s7  }
0x1b: {  	s12 =	simm.s32 $0x4;
	s7 =	sadd.s32 $0xC840, s7;
	[dreg:$0x7] =	wrdreg s13  }
0x1c: {  	s1 =	sadd.s32 $0x16C00, s1;
	s25 =	smax.u32 s6, $0x1;
	[dreg:$0x8] =	wrdreg s7  }
0x1d: {  	s6 =	simm.s32 $0x9E20;
	s9 =	simm.s32 $0xB220;
	[dreg:$0x17] =	wrdreg s1  }
0x1e: {  	v0 =	vimm.f32 $1.000000000e+00;
	v1 =	vimm.f32 $0.0e+00;
	s1 =	simm.s32 $0x28;
	s7 =	simm.s32 $0x1;
	s13 =	simm.s32 $0x5  }
.LBB2_1:
0x1f: {  	s21 =	simm.s32 $0x0;
	s22 =	rddreg [dreg:$0x7]  }
0x20: {  	[tilespmem:s21], [sflag:$0x7] =	stream.linear.gather [hbm4b:s22+s21], $0x2710, $0x38;
	[tilespmem:$0x1ED40] =	vst v63  }
0x21: {  	_ =	swait.ge [sflag:s29], $0x2710  }
0x22: {  	[sflag:s29] =	ssyncset.done $0x0  }
0x23: {  	s23 =	simm.s32 $0x2710;
	s24 =	rddreg [dreg:$0x8];
	[sflag:s29] =	ssyncadd.s32 $0xFFFFD8F0  }
0x24: {  	[tilespmem:s23], [sflag:$0x7] =	stream.linear.gather [hbm4b:s24+s21], $0x2710, $0x38;
	[tilespmem:$0x1ED40] =	vst v63  }
0x25: {  	_ =	swait.ge [sflag:s29], $0x2710  }
0x26: {  	s22 =	simm.s32 @!p0 $0x1C07;
	[sflag:s29] =	ssyncset.done $0x0  }
0x27: {  	s21 =	sshrl.u32 @!p0 s2, $0x3;
	s23 =	rddreg [dreg:$0x6];
	[sflag:s29] =	ssyncadd.s32 $0xFFFFD8F0  }
0x28: {  	[spmem:s21], [sflag:s22] =	dma.local @!p0 [hbm:s23], $0x4E2  }
0x29: {  	s22 =	simm.s32 @!p0 $0x7  }
0x2a: {  	_ =	swait.ge @!p0 [sflag:s22], $0x4E2  }
0x2b: {  	[sflag:s22] =	ssyncset.done @!p0 $0x0  }
0x2c: {  	[sflag:s22] =	ssyncadd.s32 @!p0 $0xFFFFFB1E  }
0x2d: {  	[tilespmem:$0xB220] =	vst v0  }
0x2e: {  	[tilespmem:$0xB230] =	vst v0  }
0x2f: {  	s23 =	simm.s32 $0x200;
	s22 =	simm.s32 $0x0;
	[tilespmem:$0xB238] =	vst v0  }
.LBB2_2:
0x30: {  	p1 =	sne.s32 s23, $0x4E00;
	[tilespmem:s22+$0x4E90] =	vst v1  }
0x31: {  	[tilespmem:s22+$0x4E20] =	vst v1  }
0x32: {  	[tilespmem:s22+$0x4E30] =	vst v1  }
.Ltmp0:
0x33: {  	[tilespmem:s22+$0x4E40] =	vst v1;
	(pc) =	sbr.rel @p1 .LBB2_2-.Ltmp0, $4  }
0x34: {  	[tilespmem:s22+$0x4E50] =	vst v1  }
0x35: {  	[tilespmem:s22+$0x4E60] =	vst v1  }
0x36: {  	[tilespmem:s22+$0x4E70] =	vst v1  }
0x37: {  	[tilespmem:s22+$0x4E80] =	vst v1;
	s22 =	sshra.s32 s23, $0x2;
	s23 =	sadd.s32 $0x200, s23  }
0x38: {  	[tilespmem:s22+$0x4E90] =	vst v1  }
0x39: {  	[tilespmem:s22+$0x4E20] =	vst v1  }
0x3a: {  	[tilespmem:s22+$0x4E30] =	vst v1  }
0x3b: {  	[tilespmem:s22+$0x4E40] =	vst v1  }
0x3c: {  	[tilespmem:s22+$0x4E50] =	vst v1  }
0x3d: {  	[tilespmem:s22+$0x4E60] =	vst v1  }
0x3e: {  	[tilespmem:s22+$0x4E70] =	vst v1  }
0x3f: {  	[tilespmem:s22+$0x4E80] =	vst v1  }
0x40: {  	[spmem:s8] =	stream.linear.scatter [tilespmem:s31], [sflag:$0x7], $0x1400, $0x38;
	[tilespmem:$0x1ED40] =	vst v63  }
0x41: {  	_ =	swait.ge [sflag:s29], $0x1400  }
0x42: {  	[sflag:s29] =	ssyncset.done $0x0  }
0x43: {  	s23 =	rddreg [dreg:$0x9];
	[sflag:s29] =	ssyncadd.s32 $0xFFFFEC00  }
0x44: {  	[spmem:s23] =	stream.linear.scatter [tilespmem:s31], [sflag:$0x7], $0x1400, $0x38;
	[tilespmem:$0x1ED40] =	vst v63  }
0x45: {  	_ =	swait.ge [sflag:s29], $0x1400  }
0x46: {  	[sflag:s29] =	ssyncset.done $0x0  }
0x47: {  	s24 =	rddreg [dreg:$0xa];
	[sflag:s29] =	ssyncadd.s32 $0xFFFFEC00  }
0x48: {  	[spmem:s24] =	stream.linear.scatter [tilespmem:s31], [sflag:$0x7], $0x1400, $0x38;
	[tilespmem:$0x1ED40] =	vst v63  }
0x49: {  	_ =	swait.ge [sflag:s29], $0x1400  }
0x4a: {  	[sflag:s29] =	ssyncset.done $0x0  }
0x4b: {  	s23 =	rddreg [dreg:$0xb];
	[sflag:s29] =	ssyncadd.s32 $0xFFFFEC00  }
0x4c: {  	[spmem:s23] =	stream.linear.scatter [tilespmem:s31], [sflag:$0x7], $0x1400, $0x38;
	[tilespmem:$0x1ED40] =	vst v63  }
0x4d: {  	_ =	swait.ge [sflag:s29], $0x1400  }
0x4e: {  	[sflag:s29] =	ssyncset.done $0x0  }
0x4f: {  	s24 =	rddreg [dreg:$0xc];
	[sflag:s29] =	ssyncadd.s32 $0xFFFFEC00  }
0x50: {  	[spmem:s24] =	stream.linear.scatter [tilespmem:s31], [sflag:$0x7], $0x1400, $0x38;
	[tilespmem:$0x1ED40] =	vst v63  }
0x51: {  	_ =	swait.ge [sflag:s29], $0x1400  }
0x52: {  	[sflag:s29] =	ssyncset.done $0x0  }
0x53: {  	s23 =	rddreg [dreg:$0xd];
	[sflag:s29] =	ssyncadd.s32 $0xFFFFEC00  }
0x54: {  	[spmem:s23] =	stream.linear.scatter [tilespmem:s31], [sflag:$0x7], $0x1400, $0x38;
	[tilespmem:$0x1ED40] =	vst v63  }
0x55: {  	_ =	swait.ge [sflag:s29], $0x1400  }
0x56: {  	[sflag:s29] =	ssyncset.done $0x0  }
0x57: {  	s24 =	rddreg [dreg:$0xe];
	[sflag:s29] =	ssyncadd.s32 $0xFFFFEC00  }
0x58: {  	[spmem:s24] =	stream.linear.scatter [tilespmem:s31], [sflag:$0x7], $0x1400, $0x38;
	[tilespmem:$0x1ED40] =	vst v63  }
0x59: {  	_ =	swait.ge [sflag:s29], $0x1400  }
0x5a: {  	[sflag:s29] =	ssyncset.done $0x0  }
0x5b: {  	s23 =	rddreg [dreg:$0xf];
	[sflag:s29] =	ssyncadd.s32 $0xFFFFEC00  }
0x5c: {  	[spmem:s23] =	stream.linear.scatter [tilespmem:s31], [sflag:$0x7], $0x1400, $0x38;
	[tilespmem:$0x1ED40] =	vst v63  }
0x5d: {  	_ =	swait.ge [sflag:s29], $0x1400  }
0x5e: {  	[sflag:s29] =	ssyncset.done $0x0  }
0x5f: {  	s24 =	rddreg [dreg:$0x10];
	[sflag:s29] =	ssyncadd.s32 $0xFFFFEC00  }
0x60: {  	[spmem:s24] =	stream.linear.scatter [tilespmem:s31], [sflag:$0x7], $0x1400, $0x38;
	[tilespmem:$0x1ED40] =	vst v63  }
0x61: {  	_ =	swait.ge [sflag:s29], $0x1400  }
0x62: {  	[sflag:s29] =	ssyncset.done $0x0  }
0x63: {  	s23 =	rddreg [dreg:$0x11];
	[sflag:s29] =	ssyncadd.s32 $0xFFFFEC00  }
0x64: {  	[spmem:s23] =	stream.linear.scatter [tilespmem:s31], [sflag:$0x7], $0x1400, $0x38;
	[tilespmem:$0x1ED40] =	vst v63  }
0x65: {  	_ =	swait.ge [sflag:s29], $0x1400  }
0x66: {  	[sflag:s29] =	ssyncset.done $0x0  }
0x67: {  	s24 =	rddreg [dreg:$0x12];
	[sflag:s29] =	ssyncadd.s32 $0xFFFFEC00  }
0x68: {  	[spmem:s24] =	stream.linear.scatter [tilespmem:s31], [sflag:$0x7], $0x1400, $0x38;
	[tilespmem:$0x1ED40] =	vst v63  }
0x69: {  	_ =	swait.ge [sflag:s29], $0x1400  }
0x6a: {  	[sflag:s29] =	ssyncset.done $0x0  }
0x6b: {  	s23 =	rddreg [dreg:$0x13];
	[sflag:s29] =	ssyncadd.s32 $0xFFFFEC00  }
0x6c: {  	[spmem:s23] =	stream.linear.scatter [tilespmem:s31], [sflag:$0x7], $0x1400, $0x38;
	[tilespmem:$0x1ED40] =	vst v63  }
0x6d: {  	_ =	swait.ge [sflag:s29], $0x1400  }
0x6e: {  	[sflag:s29] =	ssyncset.done $0x0  }
0x6f: {  	s24 =	rddreg [dreg:$0x14];
	[sflag:s29] =	ssyncadd.s32 $0xFFFFEC00  }
0x70: {  	[spmem:s24] =	stream.linear.scatter [tilespmem:s31], [sflag:$0x7], $0x1400, $0x38;
	[tilespmem:$0x1ED40] =	vst v63  }
0x71: {  	_ =	swait.ge [sflag:s29], $0x1400  }
0x72: {  	[sflag:s29] =	ssyncset.done $0x0  }
0x73: {  	s23 =	rddreg [dreg:$0x16];
	[sflag:s29] =	ssyncadd.s32 $0xFFFFEC00  }
0x74: {  	[spmem:s23] =	stream.linear.scatter [tilespmem:s31], [sflag:$0x7], $0x1400, $0x38;
	[tilespmem:$0x1ED40] =	vst v63  }
0x75: {  	_ =	swait.ge [sflag:s29], $0x1400  }
0x76: {  	[sflag:s29] =	ssyncset.done $0x0  }
0x77: {  	[sflag:s29] =	ssyncadd.s32 $0xFFFFEC00  }
0x78: {  	[spmem:s26] =	stream.linear.scatter [tilespmem:s31], [sflag:$0x7], $0x1400, $0x38;
	[tilespmem:$0x1ED40] =	vst v63  }
0x79: {  	_ =	swait.ge [sflag:s29], $0x1400  }
0x7a: {  	[sflag:s29] =	ssyncset.done $0x0  }
0x7b: {  	[sflag:s29] =	ssyncadd.s32 $0xFFFFEC00  }
0x7c: {  	[spmem:s28] =	stream.linear.scatter [tilespmem:s31], [sflag:$0x7], $0xC80, $0x38;
	[tilespmem:$0x1ED40] =	vst v63  }
0x7d: {  	_ =	swait.ge [sflag:s29], $0xC80  }
0x7e: {  	[sflag:s29] =	ssyncset.done $0x0  }
0x7f: {  	[sflag:s29] =	ssyncadd.s32 $0xFFFFF380  }
0x80: {  	s24 =	simm.s32 $0x0;
	[bflag:$0x0] =	sbarrier.arrive $0xFFFF  }
0x81: {  	[tilespmem:s31], [sflag:$0x1] =	stream.indirect.gather [hbm4b:s0+s1], $0x80, s24, s1, $0xb8;
	[tilespmem:$0x1ED40] =	vst v63  }
0x82: {  	_ = 	snop  }
0x83: {  	[tilespmem:s3], [sflag:$0x2] =	stream.indirect.gather [hbm4b:s0+s1], $0x80, s1, s1, $0xb8;
	[tilespmem:$0x1ED40] =	vst v63  }
0x84: {  	s23 =	simm.s32 $0x50  }
0x85: {  	[tilespmem:s30], [sflag:$0x3] =	stream.indirect.gather [hbm4b:s0+s1], $0x80, s23, s1, $0xb8;
	[tilespmem:$0x1ED40] =	vst v63  }
0x86: {  	s24 =	simm.s32 $0x78  }
0x87: {  	[tilespmem:s5], [sflag:$0x4] =	stream.indirect.gather [hbm4b:s0+s1], $0x80, s24, s1, $0xb8;
	[tilespmem:$0x1ED40] =	vst v63  }
0x88: {  	s23 =	simm.s32 $0xA0  }
0x89: {  	[tilespmem:s6], [sflag:$0x5] =	stream.indirect.gather [hbm4b:s0+s1], $0x80, s23, s1, $0xb8;
	[tilespmem:$0x1ED40] =	vst v63  }
0x8a: {  	_ =	swait.ge [sflag:s7], $0x1400  }
0x8b: {  	[sflag:s7] =	ssyncset.done $0x0  }
0x8c: {  	s24 =	simm.s32 $0x2710;
	[sflag:s7] =	ssyncadd.s32 $0xFFFFEC00  }
0x8d: {  	[spmem:s4] =	stream.indirect.scatter.add.f32 [tilespmem:s31], [sflag:$0x7], $0x80, s24, s1, $0xb8;
	[tilespmem:$0x1ED40] =	vst v63  }
0x8e: {  	_ =	swait.ge [sflag:s29], $0x1400  }
0x8f: {  	[sflag:s29] =	ssyncset.done $0x0  }
0x90: {  	[sflag:s29] =	ssyncadd.s32 $0xFFFFEC00  }
0x91: {  	[spmem:s2] =	stream.indirect.scatter.add.f32 [tilespmem:s9], [sflag:$0x6], $0x1, s24, s1, $0xb8;
	[tilespmem:$0x1ED40] =	vst v63  }
0x92: {  	s23 =	simm.s32 $0xC8  }
0x93: {  	[tilespmem:s31], [sflag:$0x1] =	stream.indirect.gather [hbm4b:s0+s1], $0x80, s23, s1, $0xb8;
	[tilespmem:$0x1ED40] =	vst v63  }
0x94: {  	_ =	swait.ge [sflag:s10], $0x1400  }
0x95: {  	[sflag:s10] =	ssyncset.done $0x0  }
0x96: {  	s24 =	simm.s32 $0x2738;
	[sflag:s10] =	ssyncadd.s32 $0xFFFFEC00  }
0x97: {  	[spmem:s4] =	stream.indirect.scatter.add.f32 [tilespmem:s3], [sflag:$0x7], $0x80, s24, s1, $0xb8;
	[tilespmem:$0x1ED40] =	vst v63  }
0x98: {  	_ =	swait.ge [sflag:s29], $0x1400  }
0x99: {  	[sflag:s29] =	ssyncset.done $0x0  }
0x9a: {  	[sflag:s29] =	ssyncadd.s32 $0xFFFFEC00  }
0x9b: {  	[spmem:s2] =	stream.indirect.scatter.add.f32 [tilespmem:s9], [sflag:$0x6], $0x1, s24, s1, $0xb8;
	[tilespmem:$0x1ED40] =	vst v63  }
0x9c: {  	s23 =	simm.s32 $0xF0  }
0x9d: {  	[tilespmem:s3], [sflag:$0x2] =	stream.indirect.gather [hbm4b:s0+s1], $0x80, s23, s1, $0xb8;
	[tilespmem:$0x1ED40] =	vst v63  }
0x9e: {  	_ =	swait.ge [sflag:s11], $0x1400  }
0x9f: {  	[sflag:s11] =	ssyncset.done $0x0  }
0xa0: {  	s24 =	simm.s32 $0x2760;
	[sflag:s11] =	ssyncadd.s32 $0xFFFFEC00  }
0xa1: {  	[spmem:s4] =	stream.indirect.scatter.add.f32 [tilespmem:s30], [sflag:$0x7], $0x80, s24, s1, $0xb8;
	[tilespmem:$0x1ED40] =	vst v63  }
0xa2: {  	_ =	swait.ge [sflag:s29], $0x1400  }
0xa3: {  	[sflag:s29] =	ssyncset.done $0x0  }
0xa4: {  	[sflag:s29] =	ssyncadd.s32 $0xFFFFEC00  }
0xa5: {  	[spmem:s2] =	stream.indirect.scatter.add.f32 [tilespmem:s9], [sflag:$0x6], $0x1, s24, s1, $0xb8;
	[tilespmem:$0x1ED40] =	vst v63  }
0xa6: {  	s23 =	simm.s32 $0x118  }
0xa7: {  	[tilespmem:s30], [sflag:$0x3] =	stream.indirect.gather [hbm4b:s0+s1], $0x80, s23, s1, $0xb8;
	[tilespmem:$0x1ED40] =	vst v63  }
0xa8: {  	_ =	swait.ge [sflag:s12], $0x1400  }
0xa9: {  	[sflag:s12] =	ssyncset.done $0x0  }
0xaa: {  	s24 =	simm.s32 $0x2788;
	[sflag:s12] =	ssyncadd.s32 $0xFFFFEC00  }
0xab: {  	[spmem:s4] =	stream.indirect.scatter.add.f32 [tilespmem:s5], [sflag:$0x7], $0x80, s24, s1, $0xb8;
	[tilespmem:$0x1ED40] =	vst v63  }
0xac: {  	_ =	swait.ge [sflag:s29], $0x1400  }
0xad: {  	[sflag:s29] =	ssyncset.done $0x0  }
0xae: {  	[sflag:s29] =	ssyncadd.s32 $0xFFFFEC00  }
0xaf: {  	[spmem:s2] =	stream.indirect.scatter.add.f32 [tilespmem:s9], [sflag:$0x6], $0x1, s24, s1, $0xb8;
	[tilespmem:$0x1ED40] =	vst v63  }
0xb0: {  	s23 =	simm.s32 $0x140  }
0xb1: {  	[tilespmem:s5], [sflag:$0x4] =	stream.indirect.gather [hbm4b:s0+s1], $0x80, s23, s1, $0xb8;
	[tilespmem:$0x1ED40] =	vst v63  }
0xb2: {  	_ =	swait.ge [sflag:s13], $0x1400  }
0xb3: {  	[sflag:s13] =	ssyncset.done $0x0  }
0xb4: {  	s24 =	simm.s32 $0x27B0;
	[sflag:s13] =	ssyncadd.s32 $0xFFFFEC00  }
0xb5: {  	[spmem:s4] =	stream.indirect.scatter.add.f32 [tilespmem:s6], [sflag:$0x7], $0x80, s24, s1, $0xb8;
	[tilespmem:$0x1ED40] =	vst v63  }
0xb6: {  	_ =	swait.ge [sflag:s29], $0x1400  }
0xb7: {  	[sflag:s29] =	ssyncset.done $0x0  }
0xb8: {  	s22 =	simm.s32 $0x320;
	s23 =	simm.s32 $0x168;
	[sflag:s29] =	ssyncadd.s32 $0xFFFFEC00  }
0xb9: {  	[spmem:s2] =	stream.indirect.scatter.add.f32 [tilespmem:s9], [sflag:$0x6], $0x1, s24, s1, $0xb8;
	[tilespmem:$0x1ED40] =	vst v63  }
.LBB2_4:
0xba: {  	[tilespmem:s6], [sflag:$0x5] =	stream.indirect.gather [hbm4b:s0+s1], $0x80, s23, s1, $0xb8;
	[tilespmem:$0x1ED40] =	vst v63  }
0xbb: {  	s23 =	smov.u32 s22  }
0xbc: {  	p1 =	sne.s32 s22, $0x9600;
	s22 =	sadd.s32 $0x320, s22;
	_ =	swait.ge [sflag:s7], $0x1400  }
0xbd: {  	s23 =	sshra.s32 s23, $0x2;
	[sflag:s7] =	ssyncset.done $0x0  }
0xbe: {  	s24 =	sadd.s32 $0x2710, s23;
	[sflag:s7] =	ssyncadd.s32 $0xFFFFEC00  }
0xbf: {  	[spmem:s4] =	stream.indirect.scatter.add.f32 [tilespmem:s31], [sflag:$0x7], $0x80, s24, s1, $0xb8;
	[tilespmem:$0x1ED40] =	vst v63  }
0xc0: {  	_ =	swait.ge [sflag:s29], $0x1400  }
0xc1: {  	[sflag:s29] =	ssyncset.done $0x0  }
0xc2: {  	[sflag:s29] =	ssyncadd.s32 $0xFFFFEC00  }
0xc3: {  	[spmem:s2] =	stream.indirect.scatter.add.f32 [tilespmem:s9], [sflag:$0x6], $0x1, s24, s1, $0xb8;
	[tilespmem:$0x1ED40] =	vst v63  }
0xc4: {  	s24 =	sadd.s32 $0xC8, s23  }
0xc5: {  	[tilespmem:s31], [sflag:$0x1] =	stream.indirect.gather [hbm4b:s0+s1], $0x80, s24, s1, $0xb8;
	[tilespmem:$0x1ED40] =	vst v63  }
0xc6: {  	_ =	swait.ge [sflag:s10], $0x1400  }
0xc7: {  	[sflag:s10] =	ssyncset.done $0x0  }
0xc8: {  	s24 =	sadd.s32 $0x2738, s23;
	[sflag:s10] =	ssyncadd.s32 $0xFFFFEC00  }
0xc9: {  	[spmem:s4] =	stream.indirect.scatter.add.f32 [tilespmem:s3], [sflag:$0x7], $0x80, s24, s1, $0xb8;
	[tilespmem:$0x1ED40] =	vst v63  }
0xca: {  	_ =	swait.ge [sflag:s29], $0x1400  }
0xcb: {  	[sflag:s29] =	ssyncset.done $0x0  }
0xcc: {  	[sflag:s29] =	ssyncadd.s32 $0xFFFFEC00  }
0xcd: {  	[spmem:s2] =	stream.indirect.scatter.add.f32 [tilespmem:s9], [sflag:$0x6], $0x1, s24, s1, $0xb8;
	[tilespmem:$0x1ED40] =	vst v63  }
0xce: {  	s24 =	sadd.s32 $0xF0, s23  }
0xcf: {  	[tilespmem:s3], [sflag:$0x2] =	stream.indirect.gather [hbm4b:s0+s1], $0x80, s24, s1, $0xb8;
	[tilespmem:$0x1ED40] =	vst v63  }
0xd0: {  	_ =	swait.ge [sflag:s11], $0x1400  }
0xd1: {  	[sflag:s11] =	ssyncset.done $0x0  }
0xd2: {  	s24 =	sadd.s32 $0x2760, s23;
	[sflag:s11] =	ssyncadd.s32 $0xFFFFEC00  }
0xd3: {  	[spmem:s4] =	stream.indirect.scatter.add.f32 [tilespmem:s30], [sflag:$0x7], $0x80, s24, s1, $0xb8;
	[tilespmem:$0x1ED40] =	vst v63  }
0xd4: {  	_ =	swait.ge [sflag:s29], $0x1400  }
0xd5: {  	[sflag:s29] =	ssyncset.done $0x0  }
0xd6: {  	[sflag:s29] =	ssyncadd.s32 $0xFFFFEC00  }
0xd7: {  	[spmem:s2] =	stream.indirect.scatter.add.f32 [tilespmem:s9], [sflag:$0x6], $0x1, s24, s1, $0xb8;
	[tilespmem:$0x1ED40] =	vst v63  }
0xd8: {  	s24 =	sadd.s32 $0x118, s23  }
0xd9: {  	[tilespmem:s30], [sflag:$0x3] =	stream.indirect.gather [hbm4b:s0+s1], $0x80, s24, s1, $0xb8;
	[tilespmem:$0x1ED40] =	vst v63  }
0xda: {  	_ =	swait.ge [sflag:s12], $0x1400  }
0xdb: {  	[sflag:s12] =	ssyncset.done $0x0  }
0xdc: {  	s24 =	sadd.s32 $0x2788, s23;
	[sflag:s12] =	ssyncadd.s32 $0xFFFFEC00  }
0xdd: {  	[spmem:s4] =	stream.indirect.scatter.add.f32 [tilespmem:s5], [sflag:$0x7], $0x80, s24, s1, $0xb8;
	[tilespmem:$0x1ED40] =	vst v63  }
0xde: {  	_ =	swait.ge [sflag:s29], $0x1400  }
0xdf: {  	[sflag:s29] =	ssyncset.done $0x0  }
0xe0: {  	[sflag:s29] =	ssyncadd.s32 $0xFFFFEC00  }
0xe1: {  	[spmem:s2] =	stream.indirect.scatter.add.f32 [tilespmem:s9], [sflag:$0x6], $0x1, s24, s1, $0xb8;
	[tilespmem:$0x1ED40] =	vst v63  }
0xe2: {  	s24 =	sadd.s32 $0x140, s23  }
0xe3: {  	[tilespmem:s5], [sflag:$0x4] =	stream.indirect.gather [hbm4b:s0+s1], $0x80, s24, s1, $0xb8;
	[tilespmem:$0x1ED40] =	vst v63  }
0xe4: {  	_ =	swait.ge [sflag:s13], $0x1400  }
0xe5: {  	[sflag:s13] =	ssyncset.done $0x0  }
0xe6: {  	s24 =	sadd.s32 $0x27B0, s23;
	[sflag:s13] =	ssyncadd.s32 $0xFFFFEC00  }
0xe7: {  	[spmem:s4] =	stream.indirect.scatter.add.f32 [tilespmem:s6], [sflag:$0x7], $0x80, s24, s1, $0xb8;
	[tilespmem:$0x1ED40] =	vst v63  }
.Ltmp1:
0xe8: {  	_ =	swait.ge [sflag:s29], $0x1400;
	(pc) =	sbr.rel @p1 .LBB2_4-.Ltmp1, $4  }
0xe9: {  	[sflag:s29] =	ssyncset.done $0x0  }
0xea: {  	[sflag:s29] =	ssyncadd.s32 $0xFFFFEC00  }
0xeb: {  	[spmem:s2] =	stream.indirect.scatter.add.f32 [tilespmem:s9], [sflag:$0x6], $0x1, s24, s1, $0xb8;
	[tilespmem:$0x1ED40] =	vst v63  }
0xec: {  	s23 =	sadd.s32 $0x168, s23  }
0xed: {  	[tilespmem:s6], [sflag:$0x5] =	stream.indirect.gather [hbm4b:s0+s1], $0x80, s23, s1, $0xb8;
	[tilespmem:$0x1ED40] =	vst v63  }
0xee: {  	_ =	swait.ge [sflag:s7], $0x1400  }
0xef: {  	[sflag:s7] =	ssyncset.done $0x0  }
0xf0: {  	[sflag:s7] =	ssyncadd.s32 $0xFFFFEC00  }
0xf1: {  	[spmem:s4] =	stream.indirect.scatter.add.f32 [tilespmem:s31], [sflag:$0x7], $0x80, s14, s1, $0xb8;
	[tilespmem:$0x1ED40] =	vst v63  }
0xf2: {  	_ =	swait.ge [sflag:s29], $0x1400  }
0xf3: {  	[sflag:s29] =	ssyncset.done $0x0  }
0xf4: {  	[sflag:s29] =	ssyncadd.s32 $0xFFFFEC00  }
0xf5: {  	[spmem:s2] =	stream.indirect.scatter.add.f32 [tilespmem:s9], [sflag:$0x6], $0x1, s14, s1, $0xb8;
	[tilespmem:$0x1ED40] =	vst v63  }
0xf6: {  	_ =	swait.ge [sflag:s10], $0x1400  }
0xf7: {  	[sflag:s10] =	ssyncset.done $0x0  }
0xf8: {  	[sflag:s10] =	ssyncadd.s32 $0xFFFFEC00  }
0xf9: {  	[spmem:s4] =	stream.indirect.scatter.add.f32 [tilespmem:s3], [sflag:$0x7], $0x80, s15, s1, $0xb8;
	[tilespmem:$0x1ED40] =	vst v63  }
0xfa: {  	_ =	swait.ge [sflag:s29], $0x1400  }
0xfb: {  	[sflag:s29] =	ssyncset.done $0x0  }
0xfc: {  	[sflag:s29] =	ssyncadd.s32 $0xFFFFEC00  }
0xfd: {  	[spmem:s2] =	stream.indirect.scatter.add.f32 [tilespmem:s9], [sflag:$0x6], $0x1, s15, s1, $0xb8;
	[tilespmem:$0x1ED40] =	vst v63  }
0xfe: {  	_ =	swait.ge [sflag:s11], $0x1400  }
0xff: {  	[sflag:s11] =	ssyncset.done $0x0  }
0x100: {  	[sflag:s11] =	ssyncadd.s32 $0xFFFFEC00  }
0x101: {  	[spmem:s4] =	stream.indirect.scatter.add.f32 [tilespmem:s30], [sflag:$0x7], $0x80, s16, s1, $0xb8;
	[tilespmem:$0x1ED40] =	vst v63  }
0x102: {  	_ =	swait.ge [sflag:s29], $0x1400  }
0x103: {  	[sflag:s29] =	ssyncset.done $0x0  }
0x104: {  	[sflag:s29] =	ssyncadd.s32 $0xFFFFEC00  }
0x105: {  	[spmem:s2] =	stream.indirect.scatter.add.f32 [tilespmem:s9], [sflag:$0x6], $0x1, s16, s1, $0xb8;
	[tilespmem:$0x1ED40] =	vst v63  }
0x106: {  	_ =	swait.ge [sflag:s12], $0x1400  }
0x107: {  	[sflag:s12] =	ssyncset.done $0x0  }
0x108: {  	[sflag:s12] =	ssyncadd.s32 $0xFFFFEC00  }
0x109: {  	[spmem:s4] =	stream.indirect.scatter.add.f32 [tilespmem:s5], [sflag:$0x7], $0x80, s17, s1, $0xb8;
	[tilespmem:$0x1ED40] =	vst v63  }
0x10a: {  	_ =	swait.ge [sflag:s29], $0x1400  }
0x10b: {  	[sflag:s29] =	ssyncset.done $0x0  }
0x10c: {  	[sflag:s29] =	ssyncadd.s32 $0xFFFFEC00  }
0x10d: {  	[spmem:s2] =	stream.indirect.scatter.add.f32 [tilespmem:s9], [sflag:$0x6], $0x1, s17, s1, $0xb8;
	[tilespmem:$0x1ED40] =	vst v63  }
0x10e: {  	_ =	swait.ge [sflag:s13], $0x1400  }
0x10f: {  	[sflag:s13] =	ssyncset.done $0x0  }
0x110: {  	[sflag:s13] =	ssyncadd.s32 $0xFFFFEC00  }
0x111: {  	[spmem:s4] =	stream.indirect.scatter.add.f32 [tilespmem:s6], [sflag:$0x7], $0x80, s18, s1, $0xb8;
	[tilespmem:$0x1ED40] =	vst v63  }
0x112: {  	_ =	swait.ge [sflag:s29], $0x1400  }
0x113: {  	[sflag:s29] =	ssyncset.done $0x0  }
0x114: {  	[sflag:s29] =	ssyncadd.s32 $0xFFFFEC00  }
0x115: {  	[spmem:s2] =	stream.indirect.scatter.add.f32 [tilespmem:s9], [sflag:$0x6], $0x1, s18, s1, $0xb8;
	[tilespmem:$0x1ED40] =	vst v63  }
0x116: {  	_ =	swait.ge [sflag:s19], $0x28  }
0x117: {  	s22 =	simm.s32 $0xF9;
	[sflag:s19] =	ssyncset.done $0x0  }
.LBB2_6:
0x118: {  	p1 =	sne.s32 s22, $0x1;
	s22 =	sadd.s32 $0xFFFFFFFF, s22;
	[sflag:s19] =	ssyncadd.s32 $0xFFFFFFD8  }
.Ltmp2:
0x119: {  	(pc) =	sbr.rel @p1 .LBB2_6-.Ltmp2, $3  }
0x11a: {  	_ =	sdelay $0x1  }
0x11b: {  	_ =	swait.ge [sflag:s19], $0x28  }
0x11c: {  	[sflag:s19] =	ssyncset.done $0x0  }
0x11d: {  	[sflag:s19] =	ssyncadd.s32 $0xFFFFFFD8;
	s22 =	stileid.u32  }
0x11e: {  	s22 =	sshll.u32 s22, $0x6;
	[bflag:$0x0] =	sbarrier.arrive $0xFFFF  }
0x11f: {  	s23 =	sshrl.u32 s8, $0x3;
	s22 =	sor.u32 $0x1C07, s22;
	s24 =	rddreg [dreg:$0x17]  }
0x120: {  	[hbm:s24], [sflag:s22] =	dma.local [spmem:s23], $0x2710  }
0x121: {  	_ =	swait.ge [sflag:s29], $0x2710  }
0x122: {  	s20 =	sadd.s32 $0x1, s20;
	[sflag:s29] =	ssyncset.done $0x0  }
0x123: {  	p1 =	sne.s32 s20, s25;
	s23 =	rddreg [dreg:$0x15];
	[sflag:s29] =	ssyncadd.s32 $0xFFFFD8F0  }
0x124: {  	[hbm:s23], [sflag:s22] =	dma.local @!p0 [spmem:s21], $0x4E2  }
.Ltmp3:
0x125: {  	_ = 	snop;
	(pc) =	sbr.rel @p1 .LBB2_1-.Ltmp3, $4  }
0x126: {  	s21 =	simm.s32 @!p0 $0x7  }
0x127: {  	_ =	swait.ge @!p0 [sflag:s21], $0x4E2  }
0x128: {  	[sflag:s21] =	ssyncset.done @!p0 $0x0  }
0x129: {  	[sflag:s21] =	ssyncadd.s32 @!p0 $0xFFFFFB1E  }
0x12a: {  	_ =	sfence.sel $0x180000  }
0x12b: {  	[bflag:$0x0] =	sbarrier.arrive $0xFFFF  }
0x12c: {  	_ =	strace $0x90000047  }
0x12d: {  	[bflag:$0x2] =	sbarrier.arrive $0xFFFF  }
0x12e: {  	s0 =	rddreg [dreg:$0x5]  }
0x12f: {  	s0 =	sadd.s32 @!p0 $0x100000, s0  }
0x130: {  	[sflag:s0] =	ssyncadd.tile.s32 @!p0 $0x1;
	_ =	shalt  }
.Lfunc_end2:
_tile_overlayer_lowered:
.L_overlay_start_2:
0x131: {  	(tag) =	ssettag $0x2  }
0x132: {  	s0 =	rddreg [dreg:$0x0];
	s2 =	stileid.u32  }
0x133: {  	s1 =	rddreg [dreg:$0x1];
	p0 =	sne.s32 s2, $0x0  }
0x134: {  	s3 =	rddreg [dreg:$0x2];
	[bflag:$0x3] =	sbarrier.arrive $0xFFFF;
	s2 =	simm.s32 @!p0 $0x1C07  }
0x135: {  	[timem:s3], [sflag:s2] =	dma.local @!p0 [hbm:s0], s1  }
0x136: {  	s0 =	simm.s32 @!p0 $0x7  }
0x137: {  	_ =	swait.ge @!p0 [sflag:s0], s1  }
0x138: {  	s1 =	ssub.s32 @!p0 $0x0, s1;
	[sflag:s0] =	ssyncset.done @!p0 $0x0  }
0x139: {  	[sflag:s0] =	ssyncadd.s32 @!p0 s1  }
0x13a: {  	[bflag:$0x3] =	sbarrier.arrive $0xFFFF  }
0x13b: {  	_ =	shalt  }

</sc_bundles>
